<compile_context>
chip_gen: v7x
topology: tpu7x:2x2x1
jax: 0.10.2.dev20260603
libtpu: 0.0.44.dev20260713+nightly
codegen_flags: <defaults>
</compile_context>

<pallas_src>
import functools

import jax
import jax.numpy as jnp
from jax import lax
from jax.experimental import pallas as pl
from jax.experimental.pallas import tpu as pltpu
from jax.experimental.pallas import tpu_sc as plsc

N = 10000
E = 320000
D_IN = 128
D_HID = 64
D_OUT = 128

NC, NS = 2, 16
NW = NC * NS
BLK = 128
EP = 2560 * BLK
BPT = (EP // BLK) // NW
NR = 10240
RPT = NR // NS
NSLOT = 8
HSLOT = 4


def _sc_hist_body(col_hbm, out_hbm, call, ones, zbuf, acc_sh, *sems):
    c = lax.axis_index("c")
    s = lax.axis_index("s")
    w = c * NS + s
    for i in range(BLK // 16):
        ones[pl.ds(i * 16, 16)] = jnp.ones((16,), jnp.float32)

    def zero(i, carry):
        zbuf[pl.ds(i * 16, 16)] = jnp.zeros((16,), jnp.float32)
        return carry

    lax.fori_loop(0, RPT // 16, zero, 0)
    pltpu.sync_copy(zbuf, acc_sh.at[pl.ds(s * RPT, RPT)])
    pltpu.sync_copy(col_hbm.at[pl.ds(w * BPT, BPT)], call)
    plsc.subcore_barrier()

    def body(m, carry):
        for k in range(HSLOT):
            b = m * HSLOT + k

            @pl.when(m > 0)
            def _wait():
                pltpu.make_async_copy(ones, acc_sh.at[call.at[0]],
                                      sems[k]).wait()

            pltpu.async_copy(ones, acc_sh.at[call.at[b]], sems[k], add=True)
        return carry

    lax.fori_loop(0, BPT // HSLOT, body, 0)
    for k in range(HSLOT):
        pltpu.make_async_copy(ones, acc_sh.at[call.at[0]], sems[k]).wait()
    plsc.subcore_barrier()
    pltpu.sync_copy(acc_sh.at[pl.ds(s * RPT, RPT)],
                    out_hbm.at[c, pl.ds(s * RPT, RPT)])


def _sc_prop_body(y_hbm, row_hbm, col_hbm, out_hbm,
                  rall, call, acc_sh, *bufs_sems):
    gbufs = bufs_sems[:NSLOT]
    semg = bufs_sems[NSLOT:2 * NSLOT]
    sems = bufs_sems[2 * NSLOT:]
    c = lax.axis_index("c")
    s = lax.axis_index("s")
    w = c * NS + s

    @pl.when(c == 0)
    def _init_self():
        pltpu.sync_copy(y_hbm.at[pl.ds(s * RPT, RPT)],
                        acc_sh.at[pl.ds(s * RPT, RPT)])

    @pl.when(c != 0)
    def _init_zero():
        def zero(r, carry):
            for j in range(D_HID // 16):
                gbufs[0][r, pl.ds(j * 16, 16)] = jnp.zeros((16,), jnp.float32)
            return carry

        lax.fori_loop(0, BLK, zero, 0)
        for j in range(RPT // BLK):
            pltpu.sync_copy(gbufs[0],
                            acc_sh.at[pl.ds(s * RPT + j * BLK, BLK)])
    pltpu.sync_copy(row_hbm.at[pl.ds(w * BPT, BPT)], rall)
    pltpu.sync_copy(col_hbm.at[pl.ds(w * BPT, BPT)], call)
    plsc.subcore_barrier()

    def body(m, carry):
        gd = []
        for k in range(NSLOT):
            b = m * NSLOT + k

            @pl.when(m > 0)
            def _wait():
                pltpu.make_async_copy(gbufs[k], acc_sh.at[call.at[0]],
                                      sems[k]).wait()

            gd.append(pltpu.async_copy(y_hbm.at[rall.at[b]], gbufs[k],
                                       semg[k]))
        for k in range(NSLOT):
            b = m * NSLOT + k
            gd[k].wait()
            pltpu.async_copy(gbufs[k], acc_sh.at[call.at[b]], sems[k],
                             add=True)
        return carry

    lax.fori_loop(0, BPT // NSLOT, body, 0)
    for k in range(NSLOT):
        pltpu.make_async_copy(gbufs[k], acc_sh.at[call.at[0]], sems[k]).wait()
    plsc.subcore_barrier()
    pltpu.sync_copy(acc_sh.at[pl.ds(s * RPT, RPT)],
                    out_hbm.at[c, pl.ds(s * RPT, RPT)])


@functools.cache
def _sc_kernels():
    mesh = plsc.VectorSubcoreMesh(core_axis_name="c", subcore_axis_name="s",
                                  num_cores=NC, num_subcores=NS)
    params = pltpu.CompilerParams(use_tc_tiling_on_sc=False)
    hist = pl.kernel(
        _sc_hist_body,
        out_type=jax.ShapeDtypeStruct((NC, NR), jnp.float32),
        mesh=mesh,
        scratch_types=[
            pltpu.VMEM((BPT, BLK), jnp.int32),
            pltpu.VMEM((BLK,), jnp.float32),
            pltpu.VMEM((RPT,), jnp.float32),
            pltpu.VMEM_SHARED((NR,), jnp.float32),
        ] + [pltpu.SemaphoreType.DMA] * HSLOT,
        compiler_params=params,
    )
    prop = pl.kernel(
        _sc_prop_body,
        out_type=jax.ShapeDtypeStruct((NC, NR, D_HID), jnp.float32),
        mesh=mesh,
        scratch_types=[
            pltpu.VMEM((BPT, BLK), jnp.int32),
            pltpu.VMEM((BPT, BLK), jnp.int32),
            pltpu.VMEM_SHARED((NR, D_HID), jnp.float32),
        ] + [pltpu.VMEM((BLK, D_HID), jnp.float32)] * NSLOT
          + [pltpu.SemaphoreType.DMA] * (2 * NSLOT),
        compiler_params=params,
    )
    return hist, prop


def _sc_hist(col2d):
    return _sc_kernels()[0](col2d)


def _sc_prop(y, row2d, col2d):
    return _sc_kernels()[1](y, row2d, col2d)


RB = 2048
_HI = jax.lax.Precision.HIGHEST


def _tc1_body(x_ref, w_ref, dp0_ref, dp1_ref, y_ref, dis_ref):
    deg = dp0_ref[...] + dp1_ref[...] + 1.0
    dis = lax.rsqrt(deg)
    dis_ref[...] = dis
    y = lax.dot_general(x_ref[...], w_ref[...], (((1,), (1,)), ((), ())),
                        precision=_HI, preferred_element_type=jnp.float32)
    y_ref[...] = y * dis


def _tc1(x, w1, dp0, dp1):
    return pl.pallas_call(
        _tc1_body,
        grid=(NR // RB,),
        in_specs=[
            pl.BlockSpec((RB, D_IN), lambda i: (i, 0)),
            pl.BlockSpec((D_HID, D_IN), lambda i: (0, 0)),
            pl.BlockSpec((RB, 1), lambda i: (i, 0)),
            pl.BlockSpec((RB, 1), lambda i: (i, 0)),
        ],
        out_specs=[
            pl.BlockSpec((RB, D_HID), lambda i: (i, 0)),
            pl.BlockSpec((RB, 1), lambda i: (i, 0)),
        ],
        out_shape=[
            jax.ShapeDtypeStruct((NR, D_HID), jnp.float32),
            jax.ShapeDtypeStruct((NR, 1), jnp.float32),
        ],
    )(x, w1, dp0, dp1)


def _tc2_body(a_ref, dis_ref, b1_ref, h_ref):
    tot = a_ref[0] + a_ref[1]
    p = tot * dis_ref[...] + b1_ref[...]
    h = jnp.maximum(p, 0.0)
    h_ref[...] = h * dis_ref[...]


def _tc2(a1, dis, b1r):
    return pl.pallas_call(
        _tc2_body,
        grid=(NR // RB,),
        in_specs=[
            pl.BlockSpec((NC, RB, D_HID), lambda i: (0, i, 0)),
            pl.BlockSpec((RB, 1), lambda i: (i, 0)),
            pl.BlockSpec((1, D_HID), lambda i: (0, 0)),
        ],
        out_specs=pl.BlockSpec((RB, D_HID), lambda i: (i, 0)),
        out_shape=jax.ShapeDtypeStruct((NR, D_HID), jnp.float32),
    )(a1, dis, b1r)


def _tc3_body(a_ref, dis_ref, w_ref, b2_ref, o_ref):
    p = (a_ref[0] + a_ref[1]) * dis_ref[...]
    z = lax.dot_general(p, w_ref[...], (((1,), (1,)), ((), ())),
                        precision=_HI,
                        preferred_element_type=jnp.float32) + b2_ref[...]
    m = jnp.max(z, axis=1, keepdims=True)
    e = jnp.exp(z - m)
    ssum = jnp.sum(e, axis=1, keepdims=True)
    o_ref[...] = (z - m) - jnp.log(ssum)


def _tc3(a2, dis, w2, b2r):
    return pl.pallas_call(
        _tc3_body,
        grid=(NR // RB,),
        in_specs=[
            pl.BlockSpec((NC, RB, D_HID), lambda i: (0, i, 0)),
            pl.BlockSpec((RB, 1), lambda i: (i, 0)),
            pl.BlockSpec((D_OUT, D_HID), lambda i: (0, 0)),
            pl.BlockSpec((1, D_OUT), lambda i: (0, 0)),
        ],
        out_specs=pl.BlockSpec((RB, D_OUT), lambda i: (i, 0)),
        out_shape=jax.ShapeDtypeStruct((N, D_OUT), jnp.float32),
    )(a2, dis, w2, b2r)


def kernel(x, edge_index, W1, b1, W2, b2):
    ar = jnp.arange(EP - E, dtype=jnp.int32)
    row2d = jnp.concatenate(
        [edge_index[0], ar % N]).reshape(-1, BLK)
    col2d = jnp.concatenate(
        [edge_index[1], N + ar % (NR - N)]).reshape(-1, BLK)
    dp = _sc_hist(col2d)
    dp0 = dp[0, :, None]
    dp1 = dp[1, :, None]

    y1t, dis = _tc1(x, W1, dp0, dp1)
    a1 = _sc_prop(y1t, row2d, col2d)
    ht = _tc2(a1, dis, b1[None, :])
    a2 = _sc_prop(ht, row2d, col2d)
    return _tc3(a2, dis, W2, b2[None, :])

# --- scband reference (transcript-rebuilt; emitter-appended) ---
"""Pipeline reference for scband-fast-gcn-71683004171209 (READ-ONLY COPY).

The authoritative reference and input builder live on the scoring server;
editing this copy changes nothing except your own understanding.
"""

import jax, jax.numpy as jnp
import numpy as np

N_NODES = 10000
N_EDGES = 320000
D_IN = 128
D_HID = 64
D_OUT = 128


def _sg_prop(x, edge_index, num_nodes):
    # SGConv (K=1) propagation: gcn_norm with self-loops, symmetric D^-1/2 A D^-1/2
    row = edge_index[0]
    col = edge_index[1]
    loop = jnp.arange(num_nodes, dtype=edge_index.dtype)
    row = jnp.concatenate([row, loop])
    col = jnp.concatenate([col, loop])
    ew = jnp.ones(row.shape[0], dtype=x.dtype)
    deg = jnp.zeros((num_nodes,), dtype=x.dtype).at[col].add(ew)
    deg_inv_sqrt = jnp.where(deg > 0, jax.lax.rsqrt(jnp.maximum(deg, 1e-12)), 0.0)
    norm = deg_inv_sqrt[row] * deg_inv_sqrt[col]
    msgs = norm[:, None] * x[row]  # gather
    out = jnp.zeros((num_nodes, x.shape[1]), dtype=x.dtype).at[col].add(msgs)  # scatter-add
    return out


def setup_inputs(seed: int = 0) -> dict:
    key = jax.random.key(seed)
    k0, k1, k2, k3, k4, k5 = jax.random.split(key, 6)
    x = jax.random.normal(k0, (N_NODES, D_IN), dtype=jnp.float32)
    edge_index = jax.random.randint(k1, (2, N_EDGES), 0, N_NODES, dtype=jnp.int32)
    # SGConv.lin is torch.nn.Linear(in, out): weight [out, in], bias [out]
    W1 = jax.random.normal(k2, (D_HID, D_IN), dtype=jnp.float32) * (1.0 / np.sqrt(D_IN))
    b1 = jax.random.normal(k3, (D_HID,), dtype=jnp.float32) * 0.01
    W2 = jax.random.normal(k4, (D_OUT, D_HID), dtype=jnp.float32) * (1.0 / np.sqrt(D_HID))
    b2 = jax.random.normal(k5, (D_OUT,), dtype=jnp.float32) * 0.01
    return {"x": x, "edge_index": edge_index, "W1": W1, "b1": b1, "W2": W2, "b2": b2}


def reference(x, edge_index, W1, b1, W2, b2):
    # eval mode: F.dropout(training=False) is identity
    num_nodes = x.shape[0]
    h = _sg_prop(x, edge_index, num_nodes) @ W1.T + b1  # SGConv(in_c, hid_c)
    h = jax.nn.relu(h)
    out = _sg_prop(h, edge_index, num_nodes) @ W2.T + b2  # SGConv(hid_c, out_c)
    return jax.nn.log_softmax(out, axis=1)

if __name__ == "__main__":
    import jax
    _d = setup_inputs()
    print(jax.jit(kernel)(*tuple(_d.values())))

</pallas_src>

<mosaic_0001>
#map = affine_map<(d0, d1) -> (0, 0)>
module attributes {stable_mosaic.version = 14 : i64} {
  func.func @_sc_hist_body(%arg0: i32, %arg1: i32, %arg2: memref<2560x128xi32, #tpu.memory_space<hbm>>, %arg3: memref<2x10240xf32, #tpu.memory_space<hbm>>, %arg4: memref<80x128xi32, #tpu.memory_space<vmem>>, %arg5: memref<128xf32, #tpu.memory_space<vmem>>, %arg6: memref<640xf32, #tpu.memory_space<vmem>>, %arg7: memref<10240xf32, #tpu.memory_space<vmem_shared>>, %arg8: memref<!tpu.dma_semaphore, #tpu.memory_space<semaphore_mem>>, %arg9: memref<!tpu.dma_semaphore, #tpu.memory_space<semaphore_mem>>, %arg10: memref<!tpu.dma_semaphore, #tpu.memory_space<semaphore_mem>>, %arg11: memref<!tpu.dma_semaphore, #tpu.memory_space<semaphore_mem>>) attributes {dimension_semantics = [#tpu.dimension_semantics<core_parallel>, #tpu.dimension_semantics<subcore_parallel>], iteration_bounds = array<i64: 2, 16>, scalar_prefetch = 0 : i64, scratch_operands = 8 : i64, tpu.core_type = #tpu.core_type<sc_vector_subcore>, window_params = [{transform_indices = #map}, {transform_indices = #map}]} {
    %mul3A = arith.constant 16 : i32
    %mul3A_0 = arith.muli %arg0, %mul3A : i32
    %add3A = arith.addi %mul3A_0, %arg1 : i32
    %broadcast_in_dim3A = arith.constant 1.000000e+00 : f32
    %broadcast_in_dim3A_1 = vector.broadcast %broadcast_in_dim3A : f32 to vector<16xf32>
    %swap3A = arith.constant 0 : index
    %swap3A_2 = tpu.vector_load %arg5[%swap3A] {strides = array<i32>} : memref<128xf32, #tpu.memory_space<vmem>>, vector<16xf32>,
    %swap3A_3 = vector.shape_cast %swap3A_2 : vector<16xf32> to vector<16xf32>
    %swap3A_4 = vector.shape_cast %broadcast_in_dim3A_1 : vector<16xf32> to vector<16xf32>
    tpu.vector_store %arg5[%swap3A], %swap3A_4 {strides = array<i32>} : memref<128xf32, #tpu.memory_space<vmem>>, vector<16xf32>,
    %broadcast_in_dim3A_5 = arith.constant 1.000000e+00 : f32
    %broadcast_in_dim3A_6 = vector.broadcast %broadcast_in_dim3A_5 : f32 to vector<16xf32>
    %swap3A_7 = arith.constant 16 : index
    %swap3A_8 = tpu.vector_load %arg5[%swap3A_7] {strides = array<i32>} : memref<128xf32, #tpu.memory_space<vmem>>, vector<16xf32>,
    %swap3A_9 = vector.shape_cast %swap3A_8 : vector<16xf32> to vector<16xf32>
    %swap3A_10 = vector.shape_cast %broadcast_in_dim3A_6 : vector<16xf32> to vector<16xf32>
    tpu.vector_store %arg5[%swap3A_7], %swap3A_10 {strides = array<i32>} : memref<128xf32, #tpu.memory_space<vmem>>, vector<16xf32>,
    %broadcast_in_dim3A_11 = arith.constant 1.000000e+00 : f32
    %broadcast_in_dim3A_12 = vector.broadcast %broadcast_in_dim3A_11 : f32 to vector<16xf32>
    %swap3A_13 = arith.constant 32 : index
    %swap3A_14 = tpu.vector_load %arg5[%swap3A_13] {strides = array<i32>} : memref<128xf32, #tpu.memory_space<vmem>>, vector<16xf32>,
    %swap3A_15 = vector.shape_cast %swap3A_14 : vector<16xf32> to vector<16xf32>
    %swap3A_16 = vector.shape_cast %broadcast_in_dim3A_12 : vector<16xf32> to vector<16xf32>
    tpu.vector_store %arg5[%swap3A_13], %swap3A_16 {strides = array<i32>} : memref<128xf32, #tpu.memory_space<vmem>>, vector<16xf32>,
    %broadcast_in_dim3A_17 = arith.constant 1.000000e+00 : f32
    %broadcast_in_dim3A_18 = vector.broadcast %broadcast_in_dim3A_17 : f32 to vector<16xf32>
    %swap3A_19 = arith.constant 48 : index
    %swap3A_20 = tpu.vector_load %arg5[%swap3A_19] {strides = array<i32>} : memref<128xf32, #tpu.memory_space<vmem>>, vector<16xf32>,
    %swap3A_21 = vector.shape_cast %swap3A_20 : vector<16xf32> to vector<16xf32>
    %swap3A_22 = vector.shape_cast %broadcast_in_dim3A_18 : vector<16xf32> to vector<16xf32>
    tpu.vector_store %arg5[%swap3A_19], %swap3A_22 {strides = array<i32>} : memref<128xf32, #tpu.memory_space<vmem>>, vector<16xf32>,
    %broadcast_in_dim3A_23 = arith.constant 1.000000e+00 : f32
    %broadcast_in_dim3A_24 = vector.broadcast %broadcast_in_dim3A_23 : f32 to vector<16xf32>
    %swap3A_25 = arith.constant 64 : index
    %swap3A_26 = tpu.vector_load %arg5[%swap3A_25] {strides = array<i32>} : memref<128xf32, #tpu.memory_space<vmem>>, vector<16xf32>,
    %swap3A_27 = vector.shape_cast %swap3A_26 : vector<16xf32> to vector<16xf32>
    %swap3A_28 = vector.shape_cast %broadcast_in_dim3A_24 : vector<16xf32> to vector<16xf32>
    tpu.vector_store %arg5[%swap3A_25], %swap3A_28 {strides = array<i32>} : memref<128xf32, #tpu.memory_space<vmem>>, vector<16xf32>,
    %broadcast_in_dim3A_29 = arith.constant 1.000000e+00 : f32
    %broadcast_in_dim3A_30 = vector.broadcast %broadcast_in_dim3A_29 : f32 to vector<16xf32>
    %swap3A_31 = arith.constant 80 : index
    %swap3A_32 = tpu.vector_load %arg5[%swap3A_31] {strides = array<i32>} : memref<128xf32, #tpu.memory_space<vmem>>, vector<16xf32>,
    %swap3A_33 = vector.shape_cast %swap3A_32 : vector<16xf32> to vector<16xf32>
    %swap3A_34 = vector.shape_cast %broadcast_in_dim3A_30 : vector<16xf32> to vector<16xf32>
    tpu.vector_store %arg5[%swap3A_31], %swap3A_34 {strides = array<i32>} : memref<128xf32, #tpu.memory_space<vmem>>, vector<16xf32>,
    %broadcast_in_dim3A_35 = arith.constant 1.000000e+00 : f32
    %broadcast_in_dim3A_36 = vector.broadcast %broadcast_in_dim3A_35 : f32 to vector<16xf32>
    %swap3A_37 = arith.constant 96 : index
    %swap3A_38 = tpu.vector_load %arg5[%swap3A_37] {strides = array<i32>} : memref<128xf32, #tpu.memory_space<vmem>>, vector<16xf32>,
    %swap3A_39 = vector.shape_cast %swap3A_38 : vector<16xf32> to vector<16xf32>
    %swap3A_40 = vector.shape_cast %broadcast_in_dim3A_36 : vector<16xf32> to vector<16xf32>
    tpu.vector_store %arg5[%swap3A_37], %swap3A_40 {strides = array<i32>} : memref<128xf32, #tpu.memory_space<vmem>>, vector<16xf32>,
    %broadcast_in_dim3A_41 = arith.constant 1.000000e+00 : f32
    %broadcast_in_dim3A_42 = vector.broadcast %broadcast_in_dim3A_41 : f32 to vector<16xf32>
    %swap3A_43 = arith.constant 112 : index
    %swap3A_44 = tpu.vector_load %arg5[%swap3A_43] {strides = array<i32>} : memref<128xf32, #tpu.memory_space<vmem>>, vector<16xf32>,
    %swap3A_45 = vector.shape_cast %swap3A_44 : vector<16xf32> to vector<16xf32>
    %swap3A_46 = vector.shape_cast %broadcast_in_dim3A_42 : vector<16xf32> to vector<16xf32>
    tpu.vector_store %arg5[%swap3A_43], %swap3A_46 {strides = array<i32>} : memref<128xf32, #tpu.memory_space<vmem>>, vector<16xf32>,
    %scan3A = arith.constant 0 : i32
    %scan3A_47 = arith.constant 0 : i32
    %scan3A_48 = arith.constant 40 : i32
    %scan3A_49 = arith.addi %scan3A_47, %scan3A_48 : i32
    %scan3A_50 = arith.constant 1 : i32
    scf.for %scan3A_90 = %scan3A_47 to %scan3A_49 step %scan3A_50  : i32 {
      %broadcast_in_dim3A_91 = arith.constant 0.000000e+00 : f32
      %broadcast_in_dim3A_92 = vector.broadcast %broadcast_in_dim3A_91 : f32 to vector<16xf32>
      %mul3A_93 = arith.constant 16 : i32
      %mul3A_94 = arith.muli %scan3A_90, %mul3A_93 : i32
      %swap3A_95 = arith.index_cast %mul3A_94 : i32 to index
      %swap3A_96 = tpu.vector_load %arg6[%swap3A_95] {strides = array<i32>} : memref<640xf32, #tpu.memory_space<vmem>>, vector<16xf32>,
      %swap3A_97 = vector.shape_cast %swap3A_96 : vector<16xf32> to vector<16xf32>
      %swap3A_98 = vector.shape_cast %broadcast_in_dim3A_92 : vector<16xf32> to vector<16xf32>
      tpu.vector_store %arg6[%swap3A_95], %swap3A_98 {strides = array<i32>} : memref<640xf32, #tpu.memory_space<vmem>>, vector<16xf32>,
    }
    %scan3A_51 = arith.constant 40 : i32
    %mul3A_52 = arith.constant 640 : i32
    %mul3A_53 = arith.muli %arg1, %mul3A_52 : i32
    "tpu.region"() ({
      %run_scoped3A = tpu.sem_alloc : memref<!tpu.dma_semaphore, #tpu.memory_space<semaphore_mem>>
      %dma_start3A = tpu.memref_slice %arg7[%mul3A_53] : memref<10240xf32, #tpu.memory_space<vmem_shared>> -> memref<640xf32, #tpu.memory_space<vmem_shared>>
      %dma_start3A_90 = tpu.memref_slice %arg7[%mul3A_53] : memref<10240xf32, #tpu.memory_space<vmem_shared>> -> memref<640xf32, #tpu.memory_space<vmem_shared>>
      tpu.enqueue_dma source(%arg6 : memref<640xf32, #tpu.memory_space<vmem>>) target(%dma_start3A_90 : memref<640xf32, #tpu.memory_space<vmem_shared>>) target_semaphore(%run_scoped3A : memref<!tpu.dma_semaphore, #tpu.memory_space<semaphore_mem>>)
      %dma_wait3A_91 = tpu.memref_slice %arg7[%mul3A_53] : memref<10240xf32, #tpu.memory_space<vmem_shared>> -> memref<640xf32, #tpu.memory_space<vmem_shared>>
      %dma_wait3A_92 = tpu.memref_slice %arg7[%mul3A_53] : memref<10240xf32, #tpu.memory_space<vmem_shared>> -> memref<640xf32, #tpu.memory_space<vmem_shared>>
      tpu.wait_dma2 semaphore(%run_scoped3A : memref<!tpu.dma_semaphore, #tpu.memory_space<semaphore_mem>>) src(%arg6 : memref<640xf32, #tpu.memory_space<vmem>>) dst(%dma_wait3A_92 : memref<640xf32, #tpu.memory_space<vmem_shared>>)
      tpu.yield
    }) : () -> ()
    %mul3A_54 = arith.constant 80 : i32
    %mul3A_55 = arith.muli %add3A, %mul3A_54 : i32
    "tpu.region"() ({
      %run_scoped3A = tpu.sem_alloc : memref<!tpu.dma_semaphore, #tpu.memory_space<semaphore_mem>>
      %dma_start3A = arith.constant 0 : i32
      %dma_start3A_90 = tpu.memref_slice %arg2[%mul3A_55, %dma_start3A] : memref<2560x128xi32, #tpu.memory_space<hbm>> -> memref<80x128xi32, #tpu.memory_space<hbm>>
      %dma_start3A_91 = arith.constant 0 : i32
      %dma_start3A_92 = tpu.memref_slice %arg2[%mul3A_55, %dma_start3A_91] : memref<2560x128xi32, #tpu.memory_space<hbm>> -> memref<80x128xi32, #tpu.memory_space<hbm>>
      tpu.enqueue_dma source(%dma_start3A_92 : memref<80x128xi32, #tpu.memory_space<hbm>>) target(%arg4 : memref<80x128xi32, #tpu.memory_space<vmem>>) target_semaphore(%run_scoped3A : memref<!tpu.dma_semaphore, #tpu.memory_space<semaphore_mem>>)
      %dma_wait3A_93 = arith.constant 0 : i32
      %dma_wait3A_94 = tpu.memref_slice %arg2[%mul3A_55, %dma_wait3A_93] : memref<2560x128xi32, #tpu.memory_space<hbm>> -> memref<80x128xi32, #tpu.memory_space<hbm>>
      %dma_wait3A_95 = arith.constant 0 : i32
      %dma_wait3A_96 = tpu.memref_slice %arg2[%mul3A_55, %dma_wait3A_95] : memref<2560x128xi32, #tpu.memory_space<hbm>> -> memref<80x128xi32, #tpu.memory_space<hbm>>
      tpu.wait_dma2 semaphore(%run_scoped3A : memref<!tpu.dma_semaphore, #tpu.memory_space<semaphore_mem>>) src(%dma_wait3A_96 : memref<80x128xi32, #tpu.memory_space<hbm>>) dst(%arg4 : memref<80x128xi32, #tpu.memory_space<vmem>>)
      tpu.yield
    }) : () -> ()
    %barrier3A = arith.constant 0 : index
    tpu.barrier barrier_id(%barrier3A)
    %scan3A_56 = arith.constant 0 : i32
    %scan3A_57 = arith.constant 0 : i32
    %scan3A_58 = arith.constant 20 : i32
    %scan3A_59 = arith.addi %scan3A_57, %scan3A_58 : i32
    %scan3A_60 = arith.constant 1 : i32
    scf.for %scan3A_90 = %scan3A_57 to %scan3A_59 step %scan3A_60  : i32 {
      %mul3A_91 = arith.constant 4 : i32
      %mul3A_92 = arith.muli %scan3A_90, %mul3A_91 : i32
      %add3A_93 = arith.constant 0 : i32
      %add3A_94 = arith.addi %mul3A_92, %add3A_93 : i32
      %gt3A = arith.constant 0 : i32
      %gt3A_95 = arith.cmpi sgt, %scan3A_90, %gt3A : i32
      %convert_element_type3A = arith.extui %gt3A_95 : i1 to i32
      %cond3A = arith.constant 0 : i32
      %cond3A_96 = arith.cmpi ne, %convert_element_type3A, %cond3A : i32
      scf.if %cond3A_96 {
        %dma_wait3A_143 = arith.constant 0 : i32
        %dma_wait3A_144 = arith.constant 0 : i32
        %dma_wait3A_145 = tpu.memref_slice %arg4[%dma_wait3A_143, %dma_wait3A_144] : memref<80x128xi32, #tpu.memory_space<vmem>> -> memref<1x128xi32, #tpu.memory_space<vmem>>
        %dma_wait3A_146 = tpu.memref_squeeze %dma_wait3A_145 : memref<1x128xi32, #tpu.memory_space<vmem>> -> memref<128xi32, #tpu.memory_space<vmem>>
        %dma_wait3A_147 = arith.constant 0 : i32
        %dma_wait3A_148 = tpu.memref_slice %arg7[%dma_wait3A_147] : memref<10240xf32, #tpu.memory_space<vmem_shared>> -> memref<10240xf32, #tpu.memory_space<vmem_shared>>
        tpu.wait_indirect_dma semaphore(%arg8 : memref<!tpu.dma_semaphore, #tpu.memory_space<semaphore_mem>>) src(%arg5 : memref<128xf32, #tpu.memory_space<vmem>>) dst(%dma_wait3A_148 : memref<10240xf32, #tpu.memory_space<vmem_shared>>)
      } else {
      }
      %dma_start3A = arith.constant 0 : i32
      %dma_start3A_97 = tpu.memref_slice %arg4[%add3A_94, %dma_start3A] : memref<80x128xi32, #tpu.memory_space<vmem>> -> memref<1x128xi32, #tpu.memory_space<vmem>>
      %dma_start3A_98 = tpu.memref_squeeze %dma_start3A_97 : memref<1x128xi32, #tpu.memory_space<vmem>> -> memref<128xi32, #tpu.memory_space<vmem>>
      %dma_start3A_99 = arith.constant 0 : i32
      %dma_start3A_100 = tpu.memref_slice %arg7[%dma_start3A_99] : memref<10240xf32, #tpu.memory_space<vmem_shared>> -> memref<10240xf32, #tpu.memory_space<vmem_shared>>
      tpu.enqueue_indirect_dma source(%arg5 : memref<128xf32, #tpu.memory_space<vmem>>) target(%dma_start3A_100 : memref<10240xf32, #tpu.memory_space<vmem_shared>>) offsets(%dma_start3A_98 : memref<128xi32, #tpu.memory_space<vmem>>) semaphore(%arg8 : memref<!tpu.dma_semaphore, #tpu.memory_space<semaphore_mem>>) {add = true}
      %mul3A_101 = arith.constant 4 : i32
      %mul3A_102 = arith.muli %scan3A_90, %mul3A_101 : i32
      %add3A_103 = arith.constant 1 : i32
      %add3A_104 = arith.addi %mul3A_102, %add3A_103 : i32
      %gt3A_105 = arith.constant 0 : i32
      %gt3A_106 = arith.cmpi sgt, %scan3A_90, %gt3A_105 : i32
      %convert_element_type3A_107 = arith.extui %gt3A_106 : i1 to i32
      %cond3A_108 = arith.constant 0 : i32
      %cond3A_109 = arith.cmpi ne, %convert_element_type3A_107, %cond3A_108 : i32
      scf.if %cond3A_109 {
        %dma_wait3A_143 = arith.constant 0 : i32
        %dma_wait3A_144 = arith.constant 0 : i32
        %dma_wait3A_145 = tpu.memref_slice %arg4[%dma_wait3A_143, %dma_wait3A_144] : memref<80x128xi32, #tpu.memory_space<vmem>> -> memref<1x128xi32, #tpu.memory_space<vmem>>
        %dma_wait3A_146 = tpu.memref_squeeze %dma_wait3A_145 : memref<1x128xi32, #tpu.memory_space<vmem>> -> memref<128xi32, #tpu.memory_space<vmem>>
        %dma_wait3A_147 = arith.constant 0 : i32
        %dma_wait3A_148 = tpu.memref_slice %arg7[%dma_wait3A_147] : memref<10240xf32, #tpu.memory_space<vmem_shared>> -> memref<10240xf32, #tpu.memory_space<vmem_shared>>
        tpu.wait_indirect_dma semaphore(%arg9 : memref<!tpu.dma_semaphore, #tpu.memory_space<semaphore_mem>>) src(%arg5 : memref<128xf32, #tpu.memory_space<vmem>>) dst(%dma_wait3A_148 : memref<10240xf32, #tpu.memory_space<vmem_shared>>)
      } else {
      }
      %dma_start3A_110 = arith.constant 0 : i32
      %dma_start3A_111 = tpu.memref_slice %arg4[%add3A_104, %dma_start3A_110] : memref<80x128xi32, #tpu.memory_space<vmem>> -> memref<1x128xi32, #tpu.memory_space<vmem>>
      %dma_start3A_112 = tpu.memref_squeeze %dma_start3A_111 : memref<1x128xi32, #tpu.memory_space<vmem>> -> memref<128xi32, #tpu.memory_space<vmem>>
      %dma_start3A_113 = arith.constant 0 : i32
      %dma_start3A_114 = tpu.memref_slice %arg7[%dma_start3A_113] : memref<10240xf32, #tpu.memory_space<vmem_shared>> -> memref<10240xf32, #tpu.memory_space<vmem_shared>>
      tpu.enqueue_indirect_dma source(%arg5 : memref<128xf32, #tpu.memory_space<vmem>>) target(%dma_start3A_114 : memref<10240xf32, #tpu.memory_space<vmem_shared>>) offsets(%dma_start3A_112 : memref<128xi32, #tpu.memory_space<vmem>>) semaphore(%arg9 : memref<!tpu.dma_semaphore, #tpu.memory_space<semaphore_mem>>) {add = true}
      %mul3A_115 = arith.constant 4 : i32
      %mul3A_116 = arith.muli %scan3A_90, %mul3A_115 : i32
      %add3A_117 = arith.constant 2 : i32
      %add3A_118 = arith.addi %mul3A_116, %add3A_117 : i32
      %gt3A_119 = arith.constant 0 : i32
      %gt3A_120 = arith.cmpi sgt, %scan3A_90, %gt3A_119 : i32
      %convert_element_type3A_121 = arith.extui %gt3A_120 : i1 to i32
      %cond3A_122 = arith.constant 0 : i32
      %cond3A_123 = arith.cmpi ne, %convert_element_type3A_121, %cond3A_122 : i32
      scf.if %cond3A_123 {
        %dma_wait3A_143 = arith.constant 0 : i32
        %dma_wait3A_144 = arith.constant 0 : i32
        %dma_wait3A_145 = tpu.memref_slice %arg4[%dma_wait3A_143, %dma_wait3A_144] : memref<80x128xi32, #tpu.memory_space<vmem>> -> memref<1x128xi32, #tpu.memory_space<vmem>>
        %dma_wait3A_146 = tpu.memref_squeeze %dma_wait3A_145 : memref<1x128xi32, #tpu.memory_space<vmem>> -> memref<128xi32, #tpu.memory_space<vmem>>
        %dma_wait3A_147 = arith.constant 0 : i32
        %dma_wait3A_148 = tpu.memref_slice %arg7[%dma_wait3A_147] : memref<10240xf32, #tpu.memory_space<vmem_shared>> -> memref<10240xf32, #tpu.memory_space<vmem_shared>>
        tpu.wait_indirect_dma semaphore(%arg10 : memref<!tpu.dma_semaphore, #tpu.memory_space<semaphore_mem>>) src(%arg5 : memref<128xf32, #tpu.memory_space<vmem>>) dst(%dma_wait3A_148 : memref<10240xf32, #tpu.memory_space<vmem_shared>>)
      } else {
      }
      %dma_start3A_124 = arith.constant 0 : i32
      %dma_start3A_125 = tpu.memref_slice %arg4[%add3A_118, %dma_start3A_124] : memref<80x128xi32, #tpu.memory_space<vmem>> -> memref<1x128xi32, #tpu.memory_space<vmem>>
      %dma_start3A_126 = tpu.memref_squeeze %dma_start3A_125 : memref<1x128xi32, #tpu.memory_space<vmem>> -> memref<128xi32, #tpu.memory_space<vmem>>
      %dma_start3A_127 = arith.constant 0 : i32
      %dma_start3A_128 = tpu.memref_slice %arg7[%dma_start3A_127] : memref<10240xf32, #tpu.memory_space<vmem_shared>> -> memref<10240xf32, #tpu.memory_space<vmem_shared>>
      tpu.enqueue_indirect_dma source(%arg5 : memref<128xf32, #tpu.memory_space<vmem>>) target(%dma_start3A_128 : memref<10240xf32, #tpu.memory_space<vmem_shared>>) offsets(%dma_start3A_126 : memref<128xi32, #tpu.memory_space<vmem>>) semaphore(%arg10 : memref<!tpu.dma_semaphore, #tpu.memory_space<semaphore_mem>>) {add = true}
      %mul3A_129 = arith.constant 4 : i32
      %mul3A_130 = arith.muli %scan3A_90, %mul3A_129 : i32
      %add3A_131 = arith.constant 3 : i32
      %add3A_132 = arith.addi %mul3A_130, %add3A_131 : i32
      %gt3A_133 = arith.constant 0 : i32
      %gt3A_134 = arith.cmpi sgt, %scan3A_90, %gt3A_133 : i32
      %convert_element_type3A_135 = arith.extui %gt3A_134 : i1 to i32
      %cond3A_136 = arith.constant 0 : i32
      %cond3A_137 = arith.cmpi ne, %convert_element_type3A_135, %cond3A_136 : i32
      scf.if %cond3A_137 {
        %dma_wait3A_143 = arith.constant 0 : i32
        %dma_wait3A_144 = arith.constant 0 : i32
        %dma_wait3A_145 = tpu.memref_slice %arg4[%dma_wait3A_143, %dma_wait3A_144] : memref<80x128xi32, #tpu.memory_space<vmem>> -> memref<1x128xi32, #tpu.memory_space<vmem>>
        %dma_wait3A_146 = tpu.memref_squeeze %dma_wait3A_145 : memref<1x128xi32, #tpu.memory_space<vmem>> -> memref<128xi32, #tpu.memory_space<vmem>>
        %dma_wait3A_147 = arith.constant 0 : i32
        %dma_wait3A_148 = tpu.memref_slice %arg7[%dma_wait3A_147] : memref<10240xf32, #tpu.memory_space<vmem_shared>> -> memref<10240xf32, #tpu.memory_space<vmem_shared>>
        tpu.wait_indirect_dma semaphore(%arg11 : memref<!tpu.dma_semaphore, #tpu.memory_space<semaphore_mem>>) src(%arg5 : memref<128xf32, #tpu.memory_space<vmem>>) dst(%dma_wait3A_148 : memref<10240xf32, #tpu.memory_space<vmem_shared>>)
      } else {
      }
      %dma_start3A_138 = arith.constant 0 : i32
      %dma_start3A_139 = tpu.memref_slice %arg4[%add3A_132, %dma_start3A_138] : memref<80x128xi32, #tpu.memory_space<vmem>> -> memref<1x128xi32, #tpu.memory_space<vmem>>
      %dma_start3A_140 = tpu.memref_squeeze %dma_start3A_139 : memref<1x128xi32, #tpu.memory_space<vmem>> -> memref<128xi32, #tpu.memory_space<vmem>>
      %dma_start3A_141 = arith.constant 0 : i32
      %dma_start3A_142 = tpu.memref_slice %arg7[%dma_start3A_141] : memref<10240xf32, #tpu.memory_space<vmem_shared>> -> memref<10240xf32, #tpu.memory_space<vmem_shared>>
      tpu.enqueue_indirect_dma source(%arg5 : memref<128xf32, #tpu.memory_space<vmem>>) target(%dma_start3A_142 : memref<10240xf32, #tpu.memory_space<vmem_shared>>) offsets(%dma_start3A_140 : memref<128xi32, #tpu.memory_space<vmem>>) semaphore(%arg11 : memref<!tpu.dma_semaphore, #tpu.memory_space<semaphore_mem>>) {add = true}
    }
    %scan3A_61 = arith.constant 20 : i32
    %dma_wait3A = arith.constant 0 : i32
    %dma_wait3A_62 = arith.constant 0 : i32
    %dma_wait3A_63 = tpu.memref_slice %arg4[%dma_wait3A, %dma_wait3A_62] : memref<80x128xi32, #tpu.memory_space<vmem>> -> memref<1x128xi32, #tpu.memory_space<vmem>>
    %dma_wait3A_64 = tpu.memref_squeeze %dma_wait3A_63 : memref<1x128xi32, #tpu.memory_space<vmem>> -> memref<128xi32, #tpu.memory_space<vmem>>
    %dma_wait3A_65 = arith.constant 0 : i32
    %dma_wait3A_66 = tpu.memref_slice %arg7[%dma_wait3A_65] : memref<10240xf32, #tpu.memory_space<vmem_shared>> -> memref<10240xf32, #tpu.memory_space<vmem_shared>>
    tpu.wait_indirect_dma semaphore(%arg8 : memref<!tpu.dma_semaphore, #tpu.memory_space<semaphore_mem>>) src(%arg5 : memref<128xf32, #tpu.memory_space<vmem>>) dst(%dma_wait3A_66 : memref<10240xf32, #tpu.memory_space<vmem_shared>>)
    %dma_wait3A_67 = arith.constant 0 : i32
    %dma_wait3A_68 = arith.constant 0 : i32
    %dma_wait3A_69 = tpu.memref_slice %arg4[%dma_wait3A_67, %dma_wait3A_68] : memref<80x128xi32, #tpu.memory_space<vmem>> -> memref<1x128xi32, #tpu.memory_space<vmem>>
    %dma_wait3A_70 = tpu.memref_squeeze %dma_wait3A_69 : memref<1x128xi32, #tpu.memory_space<vmem>> -> memref<128xi32, #tpu.memory_space<vmem>>
    %dma_wait3A_71 = arith.constant 0 : i32
    %dma_wait3A_72 = tpu.memref_slice %arg7[%dma_wait3A_71] : memref<10240xf32, #tpu.memory_space<vmem_shared>> -> memref<10240xf32, #tpu.memory_space<vmem_shared>>
    tpu.wait_indirect_dma semaphore(%arg9 : memref<!tpu.dma_semaphore, #tpu.memory_space<semaphore_mem>>) src(%arg5 : memref<128xf32, #tpu.memory_space<vmem>>) dst(%dma_wait3A_72 : memref<10240xf32, #tpu.memory_space<vmem_shared>>)
    %dma_wait3A_73 = arith.constant 0 : i32
    %dma_wait3A_74 = arith.constant 0 : i32
    %dma_wait3A_75 = tpu.memref_slice %arg4[%dma_wait3A_73, %dma_wait3A_74] : memref<80x128xi32, #tpu.memory_space<vmem>> -> memref<1x128xi32, #tpu.memory_space<vmem>>
    %dma_wait3A_76 = tpu.memref_squeeze %dma_wait3A_75 : memref<1x128xi32, #tpu.memory_space<vmem>> -> memref<128xi32, #tpu.memory_space<vmem>>
    %dma_wait3A_77 = arith.constant 0 : i32
    %dma_wait3A_78 = tpu.memref_slice %arg7[%dma_wait3A_77] : memref<10240xf32, #tpu.memory_space<vmem_shared>> -> memref<10240xf32, #tpu.memory_space<vmem_shared>>
    tpu.wait_indirect_dma semaphore(%arg10 : memref<!tpu.dma_semaphore, #tpu.memory_space<semaphore_mem>>) src(%arg5 : memref<128xf32, #tpu.memory_space<vmem>>) dst(%dma_wait3A_78 : memref<10240xf32, #tpu.memory_space<vmem_shared>>)
    %dma_wait3A_79 = arith.constant 0 : i32
    %dma_wait3A_80 = arith.constant 0 : i32
    %dma_wait3A_81 = tpu.memref_slice %arg4[%dma_wait3A_79, %dma_wait3A_80] : memref<80x128xi32, #tpu.memory_space<vmem>> -> memref<1x128xi32, #tpu.memory_space<vmem>>
    %dma_wait3A_82 = tpu.memref_squeeze %dma_wait3A_81 : memref<1x128xi32, #tpu.memory_space<vmem>> -> memref<128xi32, #tpu.memory_space<vmem>>
    %dma_wait3A_83 = arith.constant 0 : i32
    %dma_wait3A_84 = tpu.memref_slice %arg7[%dma_wait3A_83] : memref<10240xf32, #tpu.memory_space<vmem_shared>> -> memref<10240xf32, #tpu.memory_space<vmem_shared>>
    tpu.wait_indirect_dma semaphore(%arg11 : memref<!tpu.dma_semaphore, #tpu.memory_space<semaphore_mem>>) src(%arg5 : memref<128xf32, #tpu.memory_space<vmem>>) dst(%dma_wait3A_84 : memref<10240xf32, #tpu.memory_space<vmem_shared>>)
    %barrier3A_85 = arith.constant 0 : index
    tpu.barrier barrier_id(%barrier3A_85)
    %mul3A_86 = arith.constant 640 : i32
    %mul3A_87 = arith.muli %arg1, %mul3A_86 : i32
    %mul3A_88 = arith.constant 640 : i32
    %mul3A_89 = arith.muli %arg1, %mul3A_88 : i32
    "tpu.region"() ({
      %run_scoped3A = tpu.sem_alloc : memref<!tpu.dma_semaphore, #tpu.memory_space<semaphore_mem>>
      %dma_start3A = tpu.memref_slice %arg3[%arg0, %mul3A_89] : memref<2x10240xf32, #tpu.memory_space<hbm>> -> memref<1x640xf32, #tpu.memory_space<hbm>>
      %dma_start3A_90 = tpu.memref_squeeze %dma_start3A : memref<1x640xf32, #tpu.memory_space<hbm>> -> memref<640xf32, #tpu.memory_space<hbm>>
      %dma_start3A_91 = tpu.memref_slice %arg7[%mul3A_87] : memref<10240xf32, #tpu.memory_space<vmem_shared>> -> memref<640xf32, #tpu.memory_space<vmem_shared>>
      tpu.enqueue_dma source(%dma_start3A_91 : memref<640xf32, #tpu.memory_space<vmem_shared>>) target(%dma_start3A_90 : memref<640xf32, #tpu.memory_space<hbm>>) target_semaphore(%run_scoped3A : memref<!tpu.dma_semaphore, #tpu.memory_space<semaphore_mem>>)
      %dma_wait3A_92 = tpu.memref_slice %arg3[%arg0, %mul3A_89] : memref<2x10240xf32, #tpu.memory_space<hbm>> -> memref<1x640xf32, #tpu.memory_space<hbm>>
      %dma_wait3A_93 = tpu.memref_squeeze %dma_wait3A_92 : memref<1x640xf32, #tpu.memory_space<hbm>> -> memref<640xf32, #tpu.memory_space<hbm>>
      %dma_wait3A_94 = tpu.memref_slice %arg7[%mul3A_87] : memref<10240xf32, #tpu.memory_space<vmem_shared>> -> memref<640xf32, #tpu.memory_space<vmem_shared>>
      tpu.wait_dma2 semaphore(%run_scoped3A : memref<!tpu.dma_semaphore, #tpu.memory_space<semaphore_mem>>) src(%dma_wait3A_94 : memref<640xf32, #tpu.memory_space<vmem_shared>>) dst(%dma_wait3A_93 : memref<640xf32, #tpu.memory_space<hbm>>)
      tpu.yield
    }) : () -> ()
    return
  }
}

#map = affine_map<(d0, d1) -> (0, 0)>
#map1 = affine_map<(d0, d1) -> (0, 0, 0)>
module attributes {stable_mosaic.version = 14 : i64} {
  func.func @_sc_prop_body(%arg0: i32, %arg1: i32, %arg2: memref<10240x64xf32, #tpu.memory_space<hbm>>, %arg3: memref<2560x128xi32, #tpu.memory_space<hbm>>, %arg4: memref<2560x128xi32, #tpu.memory_space<hbm>>, %arg5: memref<2x10240x64xf32, #tpu.memory_space<hbm>>, %arg6: memref<80x128xi32, #tpu.memory_space<vmem>>, %arg7: memref<80x128xi32, #tpu.memory_space<vmem>>, %arg8: memref<10240x64xf32, #tpu.memory_space<vmem_shared>>, %arg9: memref<128x64xf32, #tpu.memory_space<vmem>>, %arg10: memref<128x64xf32, #tpu.memory_space<vmem>>, %arg11: memref<128x64xf32, #tpu.memory_space<vmem>>, %arg12: memref<128x64xf32, #tpu.memory_space<vmem>>, %arg13: memref<128x64xf32, #tpu.memory_space<vmem>>, %arg14: memref<128x64xf32, #tpu.memory_space<vmem>>, %arg15: memref<128x64xf32, #tpu.memory_space<vmem>>, %arg16: memref<128x64xf32, #tpu.memory_space<vmem>>, %arg17: memref<!tpu.dma_semaphore, #tpu.memory_space<semaphore_mem>>, %arg18: memref<!tpu.dma_semaphore, #tpu.memory_space<semaphore_mem>>, %arg19: memref<!tpu.dma_semaphore, #tpu.memory_space<semaphore_mem>>, %arg20: memref<!tpu.dma_semaphore, #tpu.memory_space<semaphore_mem>>, %arg21: memref<!tpu.dma_semaphore, #tpu.memory_space<semaphore_mem>>, %arg22: memref<!tpu.dma_semaphore, #tpu.memory_space<semaphore_mem>>, %arg23: memref<!tpu.dma_semaphore, #tpu.memory_space<semaphore_mem>>, %arg24: memref<!tpu.dma_semaphore, #tpu.memory_space<semaphore_mem>>, %arg25: memref<!tpu.dma_semaphore, #tpu.memory_space<semaphore_mem>>, %arg26: memref<!tpu.dma_semaphore, #tpu.memory_space<semaphore_mem>>, %arg27: memref<!tpu.dma_semaphore, #tpu.memory_space<semaphore_mem>>, %arg28: memref<!tpu.dma_semaphore, #tpu.memory_space<semaphore_mem>>, %arg29: memref<!tpu.dma_semaphore, #tpu.memory_space<semaphore_mem>>, %arg30: memref<!tpu.dma_semaphore, #tpu.memory_space<semaphore_mem>>, %arg31: memref<!tpu.dma_semaphore, #tpu.memory_space<semaphore_mem>>, %arg32: memref<!tpu.dma_semaphore, #tpu.memory_space<semaphore_mem>>) attributes {dimension_semantics = [#tpu.dimension_semantics<core_parallel>, #tpu.dimension_semantics<subcore_parallel>], iteration_bounds = array<i64: 2, 16>, scalar_prefetch = 0 : i64, scratch_operands = 27 : i64, tpu.core_type = #tpu.core_type<sc_vector_subcore>, window_params = [{transform_indices = #map}, {transform_indices = #map}, {transform_indices = #map}, {transform_indices = #map1}]} {
    %mul3A = arith.constant 16 : i32
    %mul3A_0 = arith.muli %arg0, %mul3A : i32
    %add3A = arith.addi %mul3A_0, %arg1 : i32
    %eq3A = arith.constant 0 : i32
    %eq3A_1 = arith.cmpi eq, %arg0, %eq3A : i32
    %convert_element_type3A = arith.extui %eq3A_1 : i1 to i32
    %cond3A = arith.constant 0 : i32
    %cond3A_2 = arith.cmpi ne, %convert_element_type3A, %cond3A : i32
    scf.if %cond3A_2 {
      %mul3A_76 = arith.constant 640 : i32
      %mul3A_77 = arith.muli %arg1, %mul3A_76 : i32
      %mul3A_78 = arith.constant 640 : i32
      %mul3A_79 = arith.muli %arg1, %mul3A_78 : i32
      "tpu.region"() ({
        %run_scoped3A = tpu.sem_alloc : memref<!tpu.dma_semaphore, #tpu.memory_space<semaphore_mem>>
        %dma_start3A = arith.constant 0 : i32
        %dma_start3A_80 = tpu.memref_slice %arg8[%mul3A_79, %dma_start3A] : memref<10240x64xf32, #tpu.memory_space<vmem_shared>> -> memref<640x64xf32, #tpu.memory_space<vmem_shared>>
        %dma_start3A_81 = arith.constant 0 : i32
        %dma_start3A_82 = tpu.memref_slice %arg2[%mul3A_77, %dma_start3A_81] : memref<10240x64xf32, #tpu.memory_space<hbm>> -> memref<640x64xf32, #tpu.memory_space<hbm>>
        tpu.enqueue_dma source(%dma_start3A_82 : memref<640x64xf32, #tpu.memory_space<hbm>>) target(%dma_start3A_80 : memref<640x64xf32, #tpu.memory_space<vmem_shared>>) target_semaphore(%run_scoped3A : memref<!tpu.dma_semaphore, #tpu.memory_space<semaphore_mem>>)
        %dma_wait3A_83 = arith.constant 0 : i32
        %dma_wait3A_84 = tpu.memref_slice %arg8[%mul3A_79, %dma_wait3A_83] : memref<10240x64xf32, #tpu.memory_space<vmem_shared>> -> memref<640x64xf32, #tpu.memory_space<vmem_shared>>
        %dma_wait3A_85 = arith.constant 0 : i32
        %dma_wait3A_86 = tpu.memref_slice %arg2[%mul3A_77, %dma_wait3A_85] : memref<10240x64xf32, #tpu.memory_space<hbm>> -> memref<640x64xf32, #tpu.memory_space<hbm>>
        tpu.wait_dma2 semaphore(%run_scoped3A : memref<!tpu.dma_semaphore, #tpu.memory_space<semaphore_mem>>) src(%dma_wait3A_86 : memref<640x64xf32, #tpu.memory_space<hbm>>) dst(%dma_wait3A_84 : memref<640x64xf32, #tpu.memory_space<vmem_shared>>)
        tpu.yield
      }) : () -> ()
    } else {
    }
    %ne3A = arith.constant 0 : i32
    %ne3A_3 = arith.cmpi ne, %arg0, %ne3A : i32
    %convert_element_type3A_4 = arith.extui %ne3A_3 : i1 to i32
    %cond3A_5 = arith.constant 0 : i32
    %cond3A_6 = arith.cmpi ne, %convert_element_type3A_4, %cond3A_5 : i32
    scf.if %cond3A_6 {
      %scan3A_76 = arith.constant 0 : i32
      %scan3A_77 = arith.constant 0 : i32
      %scan3A_78 = arith.constant 128 : i32
      %scan3A_79 = arith.addi %scan3A_77, %scan3A_78 : i32
      %scan3A_80 = arith.constant 1 : i32
      scf.for %scan3A_102 = %scan3A_77 to %scan3A_79 step %scan3A_80  : i32 {
        %broadcast_in_dim3A = arith.constant 0.000000e+00 : f32
        %broadcast_in_dim3A_103 = vector.broadcast %broadcast_in_dim3A : f32 to vector<16xf32>
        %swap3A = arith.index_cast %scan3A_102 : i32 to index
        %swap3A_104 = arith.constant 0 : index
        %swap3A_105 = tpu.vector_load %arg9[%swap3A, %swap3A_104] {strides = array<i32>} : memref<128x64xf32, #tpu.memory_space<vmem>>, vector<1x16xf32>,
        %swap3A_106 = vector.shape_cast %swap3A_105 : vector<1x16xf32> to vector<16xf32>
        %swap3A_107 = vector.shape_cast %broadcast_in_dim3A_103 : vector<16xf32> to vector<1x16xf32>
        tpu.vector_store %arg9[%swap3A, %swap3A_104], %swap3A_107 {strides = array<i32>} : memref<128x64xf32, #tpu.memory_space<vmem>>, vector<1x16xf32>,
        %broadcast_in_dim3A_108 = arith.constant 0.000000e+00 : f32
        %broadcast_in_dim3A_109 = vector.broadcast %broadcast_in_dim3A_108 : f32 to vector<16xf32>
        %swap3A_110 = arith.index_cast %scan3A_102 : i32 to index
        %swap3A_111 = arith.constant 16 : index
        %swap3A_112 = tpu.vector_load %arg9[%swap3A_110, %swap3A_111] {strides = array<i32>} : memref<128x64xf32, #tpu.memory_space<vmem>>, vector<1x16xf32>,
        %swap3A_113 = vector.shape_cast %swap3A_112 : vector<1x16xf32> to vector<16xf32>
        %swap3A_114 = vector.shape_cast %broadcast_in_dim3A_109 : vector<16xf32> to vector<1x16xf32>
        tpu.vector_store %arg9[%swap3A_110, %swap3A_111], %swap3A_114 {strides = array<i32>} : memref<128x64xf32, #tpu.memory_space<vmem>>, vector<1x16xf32>,
        %broadcast_in_dim3A_115 = arith.constant 0.000000e+00 : f32
        %broadcast_in_dim3A_116 = vector.broadcast %broadcast_in_dim3A_115 : f32 to vector<16xf32>
        %swap3A_117 = arith.index_cast %scan3A_102 : i32 to index
        %swap3A_118 = arith.constant 32 : index
        %swap3A_119 = tpu.vector_load %arg9[%swap3A_117, %swap3A_118] {strides = array<i32>} : memref<128x64xf32, #tpu.memory_space<vmem>>, vector<1x16xf32>,
        %swap3A_120 = vector.shape_cast %swap3A_119 : vector<1x16xf32> to vector<16xf32>
        %swap3A_121 = vector.shape_cast %broadcast_in_dim3A_116 : vector<16xf32> to vector<1x16xf32>
        tpu.vector_store %arg9[%swap3A_117, %swap3A_118], %swap3A_121 {strides = array<i32>} : memref<128x64xf32, #tpu.memory_space<vmem>>, vector<1x16xf32>,
        %broadcast_in_dim3A_122 = arith.constant 0.000000e+00 : f32
        %broadcast_in_dim3A_123 = vector.broadcast %broadcast_in_dim3A_122 : f32 to vector<16xf32>
        %swap3A_124 = arith.index_cast %scan3A_102 : i32 to index
        %swap3A_125 = arith.constant 48 : index
        %swap3A_126 = tpu.vector_load %arg9[%swap3A_124, %swap3A_125] {strides = array<i32>} : memref<128x64xf32, #tpu.memory_space<vmem>>, vector<1x16xf32>,
        %swap3A_127 = vector.shape_cast %swap3A_126 : vector<1x16xf32> to vector<16xf32>
        %swap3A_128 = vector.shape_cast %broadcast_in_dim3A_123 : vector<16xf32> to vector<1x16xf32>
        tpu.vector_store %arg9[%swap3A_124, %swap3A_125], %swap3A_128 {strides = array<i32>} : memref<128x64xf32, #tpu.memory_space<vmem>>, vector<1x16xf32>,
      }
      %scan3A_81 = arith.constant 128 : i32
      %mul3A_82 = arith.constant 640 : i32
      %mul3A_83 = arith.muli %arg1, %mul3A_82 : i32
      %add3A_84 = arith.constant 0 : i32
      %add3A_85 = arith.addi %mul3A_83, %add3A_84 : i32
      "tpu.region"() ({
        %run_scoped3A = tpu.sem_alloc : memref<!tpu.dma_semaphore, #tpu.memory_space<semaphore_mem>>
        %dma_start3A = arith.constant 0 : i32
        %dma_start3A_102 = tpu.memref_slice %arg8[%add3A_85, %dma_start3A] : memref<10240x64xf32, #tpu.memory_space<vmem_shared>> -> memref<128x64xf32, #tpu.memory_space<vmem_shared>>
        %dma_start3A_103 = arith.constant 0 : i32
        %dma_start3A_104 = tpu.memref_slice %arg8[%add3A_85, %dma_start3A_103] : memref<10240x64xf32, #tpu.memory_space<vmem_shared>> -> memref<128x64xf32, #tpu.memory_space<vmem_shared>>
        tpu.enqueue_dma source(%arg9 : memref<128x64xf32, #tpu.memory_space<vmem>>) target(%dma_start3A_104 : memref<128x64xf32, #tpu.memory_space<vmem_shared>>) target_semaphore(%run_scoped3A : memref<!tpu.dma_semaphore, #tpu.memory_space<semaphore_mem>>)
        %dma_wait3A_105 = arith.constant 0 : i32
        %dma_wait3A_106 = tpu.memref_slice %arg8[%add3A_85, %dma_wait3A_105] : memref<10240x64xf32, #tpu.memory_space<vmem_shared>> -> memref<128x64xf32, #tpu.memory_space<vmem_shared>>
        %dma_wait3A_107 = arith.constant 0 : i32
        %dma_wait3A_108 = tpu.memref_slice %arg8[%add3A_85, %dma_wait3A_107] : memref<10240x64xf32, #tpu.memory_space<vmem_shared>> -> memref<128x64xf32, #tpu.memory_space<vmem_shared>>
        tpu.wait_dma2 semaphore(%run_scoped3A : memref<!tpu.dma_semaphore, #tpu.memory_space<semaphore_mem>>) src(%arg9 : memref<128x64xf32, #tpu.memory_space<vmem>>) dst(%dma_wait3A_108 : memref<128x64xf32, #tpu.memory_space<vmem_shared>>)
        tpu.yield
      }) : () -> ()
      %mul3A_86 = arith.constant 640 : i32
      %mul3A_87 = arith.muli %arg1, %mul3A_86 : i32
      %add3A_88 = arith.constant 128 : i32
      %add3A_89 = arith.addi %mul3A_87, %add3A_88 : i32
      "tpu.region"() ({
        %run_scoped3A = tpu.sem_alloc : memref<!tpu.dma_semaphore, #tpu.memory_space<semaphore_mem>>
        %dma_start3A = arith.constant 0 : i32
        %dma_start3A_102 = tpu.memref_slice %arg8[%add3A_89, %dma_start3A] : memref<10240x64xf32, #tpu.memory_space<vmem_shared>> -> memref<128x64xf32, #tpu.memory_space<vmem_shared>>
        %dma_start3A_103 = arith.constant 0 : i32
        %dma_start3A_104 = tpu.memref_slice %arg8[%add3A_89, %dma_start3A_103] : memref<10240x64xf32, #tpu.memory_space<vmem_shared>> -> memref<128x64xf32, #tpu.memory_space<vmem_shared>>
        tpu.enqueue_dma source(%arg9 : memref<128x64xf32, #tpu.memory_space<vmem>>) target(%dma_start3A_104 : memref<128x64xf32, #tpu.memory_space<vmem_shared>>) target_semaphore(%run_scoped3A : memref<!tpu.dma_semaphore, #tpu.memory_space<semaphore_mem>>)
        %dma_wait3A_105 = arith.constant 0 : i32
        %dma_wait3A_106 = tpu.memref_slice %arg8[%add3A_89, %dma_wait3A_105] : memref<10240x64xf32, #tpu.memory_space<vmem_shared>> -> memref<128x64xf32, #tpu.memory_space<vmem_shared>>
        %dma_wait3A_107 = arith.constant 0 : i32
        %dma_wait3A_108 = tpu.memref_slice %arg8[%add3A_89, %dma_wait3A_107] : memref<10240x64xf32, #tpu.memory_space<vmem_shared>> -> memref<128x64xf32, #tpu.memory_space<vmem_shared>>
        tpu.wait_dma2 semaphore(%run_scoped3A : memref<!tpu.dma_semaphore, #tpu.memory_space<semaphore_mem>>) src(%arg9 : memref<128x64xf32, #tpu.memory_space<vmem>>) dst(%dma_wait3A_108 : memref<128x64xf32, #tpu.memory_space<vmem_shared>>)
        tpu.yield
      }) : () -> ()
      %mul3A_90 = arith.constant 640 : i32
      %mul3A_91 = arith.muli %arg1, %mul3A_90 : i32
      %add3A_92 = arith.constant 256 : i32
      %add3A_93 = arith.addi %mul3A_91, %add3A_92 : i32
      "tpu.region"() ({
        %run_scoped3A = tpu.sem_alloc : memref<!tpu.dma_semaphore, #tpu.memory_space<semaphore_mem>>
        %dma_start3A = arith.constant 0 : i32
        %dma_start3A_102 = tpu.memref_slice %arg8[%add3A_93, %dma_start3A] : memref<10240x64xf32, #tpu.memory_space<vmem_shared>> -> memref<128x64xf32, #tpu.memory_space<vmem_shared>>
        %dma_start3A_103 = arith.constant 0 : i32
        %dma_start3A_104 = tpu.memref_slice %arg8[%add3A_93, %dma_start3A_103] : memref<10240x64xf32, #tpu.memory_space<vmem_shared>> -> memref<128x64xf32, #tpu.memory_space<vmem_shared>>
        tpu.enqueue_dma source(%arg9 : memref<128x64xf32, #tpu.memory_space<vmem>>) target(%dma_start3A_104 : memref<128x64xf32, #tpu.memory_space<vmem_shared>>) target_semaphore(%run_scoped3A : memref<!tpu.dma_semaphore, #tpu.memory_space<semaphore_mem>>)
        %dma_wait3A_105 = arith.constant 0 : i32
        %dma_wait3A_106 = tpu.memref_slice %arg8[%add3A_93, %dma_wait3A_105] : memref<10240x64xf32, #tpu.memory_space<vmem_shared>> -> memref<128x64xf32, #tpu.memory_space<vmem_shared>>
        %dma_wait3A_107 = arith.constant 0 : i32
        %dma_wait3A_108 = tpu.memref_slice %arg8[%add3A_93, %dma_wait3A_107] : memref<10240x64xf32, #tpu.memory_space<vmem_shared>> -> memref<128x64xf32, #tpu.memory_space<vmem_shared>>
        tpu.wait_dma2 semaphore(%run_scoped3A : memref<!tpu.dma_semaphore, #tpu.memory_space<semaphore_mem>>) src(%arg9 : memref<128x64xf32, #tpu.memory_space<vmem>>) dst(%dma_wait3A_108 : memref<128x64xf32, #tpu.memory_space<vmem_shared>>)
        tpu.yield
      }) : () -> ()
      %mul3A_94 = arith.constant 640 : i32
      %mul3A_95 = arith.muli %arg1, %mul3A_94 : i32
      %add3A_96 = arith.constant 384 : i32
      %add3A_97 = arith.addi %mul3A_95, %add3A_96 : i32
      "tpu.region"() ({
        %run_scoped3A = tpu.sem_alloc : memref<!tpu.dma_semaphore, #tpu.memory_space<semaphore_mem>>
        %dma_start3A = arith.constant 0 : i32
        %dma_start3A_102 = tpu.memref_slice %arg8[%add3A_97, %dma_start3A] : memref<10240x64xf32, #tpu.memory_space<vmem_shared>> -> memref<128x64xf32, #tpu.memory_space<vmem_shared>>
        %dma_start3A_103 = arith.constant 0 : i32
        %dma_start3A_104 = tpu.memref_slice %arg8[%add3A_97, %dma_start3A_103] : memref<10240x64xf32, #tpu.memory_space<vmem_shared>> -> memref<128x64xf32, #tpu.memory_space<vmem_shared>>
        tpu.enqueue_dma source(%arg9 : memref<128x64xf32, #tpu.memory_space<vmem>>) target(%dma_start3A_104 : memref<128x64xf32, #tpu.memory_space<vmem_shared>>) target_semaphore(%run_scoped3A : memref<!tpu.dma_semaphore, #tpu.memory_space<semaphore_mem>>)
        %dma_wait3A_105 = arith.constant 0 : i32
        %dma_wait3A_106 = tpu.memref_slice %arg8[%add3A_97, %dma_wait3A_105] : memref<10240x64xf32, #tpu.memory_space<vmem_shared>> -> memref<128x64xf32, #tpu.memory_space<vmem_shared>>
        %dma_wait3A_107 = arith.constant 0 : i32
        %dma_wait3A_108 = tpu.memref_slice %arg8[%add3A_97, %dma_wait3A_107] : memref<10240x64xf32, #tpu.memory_space<vmem_shared>> -> memref<128x64xf32, #tpu.memory_space<vmem_shared>>
        tpu.wait_dma2 semaphore(%run_scoped3A : memref<!tpu.dma_semaphore, #tpu.memory_space<semaphore_mem>>) src(%arg9 : memref<128x64xf32, #tpu.memory_space<vmem>>) dst(%dma_wait3A_108 : memref<128x64xf32, #tpu.memory_space<vmem_shared>>)
        tpu.yield
      }) : () -> ()
      %mul3A_98 = arith.constant 640 : i32
      %mul3A_99 = arith.muli %arg1, %mul3A_98 : i32
      %add3A_100 = arith.constant 512 : i32
      %add3A_101 = arith.addi %mul3A_99, %add3A_100 : i32
      "tpu.region"() ({
        %run_scoped3A = tpu.sem_alloc : memref<!tpu.dma_semaphore, #tpu.memory_space<semaphore_mem>>
        %dma_start3A = arith.constant 0 : i32
        %dma_start3A_102 = tpu.memref_slice %arg8[%add3A_101, %dma_start3A] : memref<10240x64xf32, #tpu.memory_space<vmem_shared>> -> memref<128x64xf32, #tpu.memory_space<vmem_shared>>
        %dma_start3A_103 = arith.constant 0 : i32
        %dma_start3A_104 = tpu.memref_slice %arg8[%add3A_101, %dma_start3A_103] : memref<10240x64xf32, #tpu.memory_space<vmem_shared>> -> memref<128x64xf32, #tpu.memory_space<vmem_shared>>
        tpu.enqueue_dma source(%arg9 : memref<128x64xf32, #tpu.memory_space<vmem>>) target(%dma_start3A_104 : memref<128x64xf32, #tpu.memory_space<vmem_shared>>) target_semaphore(%run_scoped3A : memref<!tpu.dma_semaphore, #tpu.memory_space<semaphore_mem>>)
        %dma_wait3A_105 = arith.constant 0 : i32
        %dma_wait3A_106 = tpu.memref_slice %arg8[%add3A_101, %dma_wait3A_105] : memref<10240x64xf32, #tpu.memory_space<vmem_shared>> -> memref<128x64xf32, #tpu.memory_space<vmem_shared>>
        %dma_wait3A_107 = arith.constant 0 : i32
        %dma_wait3A_108 = tpu.memref_slice %arg8[%add3A_101, %dma_wait3A_107] : memref<10240x64xf32, #tpu.memory_space<vmem_shared>> -> memref<128x64xf32, #tpu.memory_space<vmem_shared>>
        tpu.wait_dma2 semaphore(%run_scoped3A : memref<!tpu.dma_semaphore, #tpu.memory_space<semaphore_mem>>) src(%arg9 : memref<128x64xf32, #tpu.memory_space<vmem>>) dst(%dma_wait3A_108 : memref<128x64xf32, #tpu.memory_space<vmem_shared>>)
        tpu.yield
      }) : () -> ()
    } else {
    }
    %mul3A_7 = arith.constant 80 : i32
    %mul3A_8 = arith.muli %add3A, %mul3A_7 : i32
    "tpu.region"() ({
      %run_scoped3A = tpu.sem_alloc : memref<!tpu.dma_semaphore, #tpu.memory_space<semaphore_mem>>
      %dma_start3A = arith.constant 0 : i32
      %dma_start3A_76 = tpu.memref_slice %arg3[%mul3A_8, %dma_start3A] : memref<2560x128xi32, #tpu.memory_space<hbm>> -> memref<80x128xi32, #tpu.memory_space<hbm>>
      %dma_start3A_77 = arith.constant 0 : i32
      %dma_start3A_78 = tpu.memref_slice %arg3[%mul3A_8, %dma_start3A_77] : memref<2560x128xi32, #tpu.memory_space<hbm>> -> memref<80x128xi32, #tpu.memory_space<hbm>>
      tpu.enqueue_dma source(%dma_start3A_78 : memref<80x128xi32, #tpu.memory_space<hbm>>) target(%arg6 : memref<80x128xi32, #tpu.memory_space<vmem>>) target_semaphore(%run_scoped3A : memref<!tpu.dma_semaphore, #tpu.memory_space<semaphore_mem>>)
      %dma_wait3A_79 = arith.constant 0 : i32
      %dma_wait3A_80 = tpu.memref_slice %arg3[%mul3A_8, %dma_wait3A_79] : memref<2560x128xi32, #tpu.memory_space<hbm>> -> memref<80x128xi32, #tpu.memory_space<hbm>>
      %dma_wait3A_81 = arith.constant 0 : i32
      %dma_wait3A_82 = tpu.memref_slice %arg3[%mul3A_8, %dma_wait3A_81] : memref<2560x128xi32, #tpu.memory_space<hbm>> -> memref<80x128xi32, #tpu.memory_space<hbm>>
      tpu.wait_dma2 semaphore(%run_scoped3A : memref<!tpu.dma_semaphore, #tpu.memory_space<semaphore_mem>>) src(%dma_wait3A_82 : memref<80x128xi32, #tpu.memory_space<hbm>>) dst(%arg6 : memref<80x128xi32, #tpu.memory_space<vmem>>)
      tpu.yield
    }) : () -> ()
    %mul3A_9 = arith.constant 80 : i32
    %mul3A_10 = arith.muli %add3A, %mul3A_9 : i32
    "tpu.region"() ({
      %run_scoped3A = tpu.sem_alloc : memref<!tpu.dma_semaphore, #tpu.memory_space<semaphore_mem>>
      %dma_start3A = arith.constant 0 : i32
      %dma_start3A_76 = tpu.memref_slice %arg4[%mul3A_10, %dma_start3A] : memref<2560x128xi32, #tpu.memory_space<hbm>> -> memref<80x128xi32, #tpu.memory_space<hbm>>
      %dma_start3A_77 = arith.constant 0 : i32
      %dma_start3A_78 = tpu.memref_slice %arg4[%mul3A_10, %dma_start3A_77] : memref<2560x128xi32, #tpu.memory_space<hbm>> -> memref<80x128xi32, #tpu.memory_space<hbm>>
      tpu.enqueue_dma source(%dma_start3A_78 : memref<80x128xi32, #tpu.memory_space<hbm>>) target(%arg7 : memref<80x128xi32, #tpu.memory_space<vmem>>) target_semaphore(%run_scoped3A : memref<!tpu.dma_semaphore, #tpu.memory_space<semaphore_mem>>)
      %dma_wait3A_79 = arith.constant 0 : i32
      %dma_wait3A_80 = tpu.memref_slice %arg4[%mul3A_10, %dma_wait3A_79] : memref<2560x128xi32, #tpu.memory_space<hbm>> -> memref<80x128xi32, #tpu.memory_space<hbm>>
      %dma_wait3A_81 = arith.constant 0 : i32
      %dma_wait3A_82 = tpu.memref_slice %arg4[%mul3A_10, %dma_wait3A_81] : memref<2560x128xi32, #tpu.memory_space<hbm>> -> memref<80x128xi32, #tpu.memory_space<hbm>>
      tpu.wait_dma2 semaphore(%run_scoped3A : memref<!tpu.dma_semaphore, #tpu.memory_space<semaphore_mem>>) src(%dma_wait3A_82 : memref<80x128xi32, #tpu.memory_space<hbm>>) dst(%arg7 : memref<80x128xi32, #tpu.memory_space<vmem>>)
      tpu.yield
    }) : () -> ()
    %barrier3A = arith.constant 0 : index
    tpu.barrier barrier_id(%barrier3A)
    %scan3A = arith.constant 0 : i32
    %scan3A_11 = arith.constant 0 : i32
    %scan3A_12 = arith.constant 10 : i32
    %scan3A_13 = arith.addi %scan3A_11, %scan3A_12 : i32
    %scan3A_14 = arith.constant 1 : i32
    scf.for %scan3A_76 = %scan3A_11 to %scan3A_13 step %scan3A_14  : i32 {
      %mul3A_77 = arith.constant 8 : i32
      %mul3A_78 = arith.muli %scan3A_76, %mul3A_77 : i32
      %add3A_79 = arith.constant 0 : i32
      %add3A_80 = arith.addi %mul3A_78, %add3A_79 : i32
      %gt3A = arith.constant 0 : i32
      %gt3A_81 = arith.cmpi sgt, %scan3A_76, %gt3A : i32
      %convert_element_type3A_82 = arith.extui %gt3A_81 : i1 to i32
      %cond3A_83 = arith.constant 0 : i32
      %cond3A_84 = arith.cmpi ne, %convert_element_type3A_82, %cond3A_83 : i32
      scf.if %cond3A_84 {
        %dma_wait3A_323 = arith.constant 0 : i32
        %dma_wait3A_324 = arith.constant 0 : i32
        %dma_wait3A_325 = tpu.memref_slice %arg7[%dma_wait3A_323, %dma_wait3A_324] : memref<80x128xi32, #tpu.memory_space<vmem>> -> memref<1x128xi32, #tpu.memory_space<vmem>>
        %dma_wait3A_326 = tpu.memref_squeeze %dma_wait3A_325 : memref<1x128xi32, #tpu.memory_space<vmem>> -> memref<128xi32, #tpu.memory_space<vmem>>
        %dma_wait3A_327 = arith.constant 0 : i32
        %dma_wait3A_328 = arith.constant 0 : i32
        %dma_wait3A_329 = tpu.memref_slice %arg8[%dma_wait3A_327, %dma_wait3A_328] : memref<10240x64xf32, #tpu.memory_space<vmem_shared>> -> memref<10240x64xf32, #tpu.memory_space<vmem_shared>>
        tpu.wait_indirect_dma semaphore(%arg25 : memref<!tpu.dma_semaphore, #tpu.memory_space<semaphore_mem>>) src(%arg9 : memref<128x64xf32, #tpu.memory_space<vmem>>) dst(%dma_wait3A_329 : memref<10240x64xf32, #tpu.memory_space<vmem_shared>>)
      } else {
      }
      %dma_start3A = arith.constant 0 : i32
      %dma_start3A_85 = tpu.memref_slice %arg6[%add3A_80, %dma_start3A] : memref<80x128xi32, #tpu.memory_space<vmem>> -> memref<1x128xi32, #tpu.memory_space<vmem>>
      %dma_start3A_86 = tpu.memref_squeeze %dma_start3A_85 : memref<1x128xi32, #tpu.memory_space<vmem>> -> memref<128xi32, #tpu.memory_space<vmem>>
      %dma_start3A_87 = arith.constant 0 : i32
      %dma_start3A_88 = arith.constant 0 : i32
      %dma_start3A_89 = tpu.memref_slice %arg2[%dma_start3A_87, %dma_start3A_88] : memref<10240x64xf32, #tpu.memory_space<hbm>> -> memref<10240x64xf32, #tpu.memory_space<hbm>>
      tpu.enqueue_indirect_dma source(%dma_start3A_89 : memref<10240x64xf32, #tpu.memory_space<hbm>>) target(%arg9 : memref<128x64xf32, #tpu.memory_space<vmem>>) offsets(%dma_start3A_86 : memref<128xi32, #tpu.memory_space<vmem>>) semaphore(%arg17 : memref<!tpu.dma_semaphore, #tpu.memory_space<semaphore_mem>>)
      %mul3A_90 = arith.constant 8 : i32
      %mul3A_91 = arith.muli %scan3A_76, %mul3A_90 : i32
      %add3A_92 = arith.constant 1 : i32
      %add3A_93 = arith.addi %mul3A_91, %add3A_92 : i32
      %gt3A_94 = arith.constant 0 : i32
      %gt3A_95 = arith.cmpi sgt, %scan3A_76, %gt3A_94 : i32
      %convert_element_type3A_96 = arith.extui %gt3A_95 : i1 to i32
      %cond3A_97 = arith.constant 0 : i32
      %cond3A_98 = arith.cmpi ne, %convert_element_type3A_96, %cond3A_97 : i32
      scf.if %cond3A_98 {
        %dma_wait3A_323 = arith.constant 0 : i32
        %dma_wait3A_324 = arith.constant 0 : i32
        %dma_wait3A_325 = tpu.memref_slice %arg7[%dma_wait3A_323, %dma_wait3A_324] : memref<80x128xi32, #tpu.memory_space<vmem>> -> memref<1x128xi32, #tpu.memory_space<vmem>>
        %dma_wait3A_326 = tpu.memref_squeeze %dma_wait3A_325 : memref<1x128xi32, #tpu.memory_space<vmem>> -> memref<128xi32, #tpu.memory_space<vmem>>
        %dma_wait3A_327 = arith.constant 0 : i32
        %dma_wait3A_328 = arith.constant 0 : i32
        %dma_wait3A_329 = tpu.memref_slice %arg8[%dma_wait3A_327, %dma_wait3A_328] : memref<10240x64xf32, #tpu.memory_space<vmem_shared>> -> memref<10240x64xf32, #tpu.memory_space<vmem_shared>>
        tpu.wait_indirect_dma semaphore(%arg26 : memref<!tpu.dma_semaphore, #tpu.memory_space<semaphore_mem>>) src(%arg10 : memref<128x64xf32, #tpu.memory_space<vmem>>) dst(%dma_wait3A_329 : memref<10240x64xf32, #tpu.memory_space<vmem_shared>>)
      } else {
      }
      %dma_start3A_99 = arith.constant 0 : i32
      %dma_start3A_100 = tpu.memref_slice %arg6[%add3A_93, %dma_start3A_99] : memref<80x128xi32, #tpu.memory_space<vmem>> -> memref<1x128xi32, #tpu.memory_space<vmem>>
      %dma_start3A_101 = tpu.memref_squeeze %dma_start3A_100 : memref<1x128xi32, #tpu.memory_space<vmem>> -> memref<128xi32, #tpu.memory_space<vmem>>
      %dma_start3A_102 = arith.constant 0 : i32
      %dma_start3A_103 = arith.constant 0 : i32
      %dma_start3A_104 = tpu.memref_slice %arg2[%dma_start3A_102, %dma_start3A_103] : memref<10240x64xf32, #tpu.memory_space<hbm>> -> memref<10240x64xf32, #tpu.memory_space<hbm>>
      tpu.enqueue_indirect_dma source(%dma_start3A_104 : memref<10240x64xf32, #tpu.memory_space<hbm>>) target(%arg10 : memref<128x64xf32, #tpu.memory_space<vmem>>) offsets(%dma_start3A_101 : memref<128xi32, #tpu.memory_space<vmem>>) semaphore(%arg18 : memref<!tpu.dma_semaphore, #tpu.memory_space<semaphore_mem>>)
      %mul3A_105 = arith.constant 8 : i32
      %mul3A_106 = arith.muli %scan3A_76, %mul3A_105 : i32
      %add3A_107 = arith.constant 2 : i32
      %add3A_108 = arith.addi %mul3A_106, %add3A_107 : i32
      %gt3A_109 = arith.constant 0 : i32
      %gt3A_110 = arith.cmpi sgt, %scan3A_76, %gt3A_109 : i32
      %convert_element_type3A_111 = arith.extui %gt3A_110 : i1 to i32
      %cond3A_112 = arith.constant 0 : i32
      %cond3A_113 = arith.cmpi ne, %convert_element_type3A_111, %cond3A_112 : i32
      scf.if %cond3A_113 {
        %dma_wait3A_323 = arith.constant 0 : i32
        %dma_wait3A_324 = arith.constant 0 : i32
        %dma_wait3A_325 = tpu.memref_slice %arg7[%dma_wait3A_323, %dma_wait3A_324] : memref<80x128xi32, #tpu.memory_space<vmem>> -> memref<1x128xi32, #tpu.memory_space<vmem>>
        %dma_wait3A_326 = tpu.memref_squeeze %dma_wait3A_325 : memref<1x128xi32, #tpu.memory_space<vmem>> -> memref<128xi32, #tpu.memory_space<vmem>>
        %dma_wait3A_327 = arith.constant 0 : i32
        %dma_wait3A_328 = arith.constant 0 : i32
        %dma_wait3A_329 = tpu.memref_slice %arg8[%dma_wait3A_327, %dma_wait3A_328] : memref<10240x64xf32, #tpu.memory_space<vmem_shared>> -> memref<10240x64xf32, #tpu.memory_space<vmem_shared>>
        tpu.wait_indirect_dma semaphore(%arg27 : memref<!tpu.dma_semaphore, #tpu.memory_space<semaphore_mem>>) src(%arg11 : memref<128x64xf32, #tpu.memory_space<vmem>>) dst(%dma_wait3A_329 : memref<10240x64xf32, #tpu.memory_space<vmem_shared>>)
      } else {
      }
      %dma_start3A_114 = arith.constant 0 : i32
      %dma_start3A_115 = tpu.memref_slice %arg6[%add3A_108, %dma_start3A_114] : memref<80x128xi32, #tpu.memory_space<vmem>> -> memref<1x128xi32, #tpu.memory_space<vmem>>
      %dma_start3A_116 = tpu.memref_squeeze %dma_start3A_115 : memref<1x128xi32, #tpu.memory_space<vmem>> -> memref<128xi32, #tpu.memory_space<vmem>>
      %dma_start3A_117 = arith.constant 0 : i32
      %dma_start3A_118 = arith.constant 0 : i32
      %dma_start3A_119 = tpu.memref_slice %arg2[%dma_start3A_117, %dma_start3A_118] : memref<10240x64xf32, #tpu.memory_space<hbm>> -> memref<10240x64xf32, #tpu.memory_space<hbm>>
      tpu.enqueue_indirect_dma source(%dma_start3A_119 : memref<10240x64xf32, #tpu.memory_space<hbm>>) target(%arg11 : memref<128x64xf32, #tpu.memory_space<vmem>>) offsets(%dma_start3A_116 : memref<128xi32, #tpu.memory_space<vmem>>) semaphore(%arg19 : memref<!tpu.dma_semaphore, #tpu.memory_space<semaphore_mem>>)
      %mul3A_120 = arith.constant 8 : i32
      %mul3A_121 = arith.muli %scan3A_76, %mul3A_120 : i32
      %add3A_122 = arith.constant 3 : i32
      %add3A_123 = arith.addi %mul3A_121, %add3A_122 : i32
      %gt3A_124 = arith.constant 0 : i32
      %gt3A_125 = arith.cmpi sgt, %scan3A_76, %gt3A_124 : i32
      %convert_element_type3A_126 = arith.extui %gt3A_125 : i1 to i32
      %cond3A_127 = arith.constant 0 : i32
      %cond3A_128 = arith.cmpi ne, %convert_element_type3A_126, %cond3A_127 : i32
      scf.if %cond3A_128 {
        %dma_wait3A_323 = arith.constant 0 : i32
        %dma_wait3A_324 = arith.constant 0 : i32
        %dma_wait3A_325 = tpu.memref_slice %arg7[%dma_wait3A_323, %dma_wait3A_324] : memref<80x128xi32, #tpu.memory_space<vmem>> -> memref<1x128xi32, #tpu.memory_space<vmem>>
        %dma_wait3A_326 = tpu.memref_squeeze %dma_wait3A_325 : memref<1x128xi32, #tpu.memory_space<vmem>> -> memref<128xi32, #tpu.memory_space<vmem>>
        %dma_wait3A_327 = arith.constant 0 : i32
        %dma_wait3A_328 = arith.constant 0 : i32
        %dma_wait3A_329 = tpu.memref_slice %arg8[%dma_wait3A_327, %dma_wait3A_328] : memref<10240x64xf32, #tpu.memory_space<vmem_shared>> -> memref<10240x64xf32, #tpu.memory_space<vmem_shared>>
        tpu.wait_indirect_dma semaphore(%arg28 : memref<!tpu.dma_semaphore, #tpu.memory_space<semaphore_mem>>) src(%arg12 : memref<128x64xf32, #tpu.memory_space<vmem>>) dst(%dma_wait3A_329 : memref<10240x64xf32, #tpu.memory_space<vmem_shared>>)
      } else {
      }
      %dma_start3A_129 = arith.constant 0 : i32
      %dma_start3A_130 = tpu.memref_slice %arg6[%add3A_123, %dma_start3A_129] : memref<80x128xi32, #tpu.memory_space<vmem>> -> memref<1x128xi32, #tpu.memory_space<vmem>>
      %dma_start3A_131 = tpu.memref_squeeze %dma_start3A_130 : memref<1x128xi32, #tpu.memory_space<vmem>> -> memref<128xi32, #tpu.memory_space<vmem>>
      %dma_start3A_132 = arith.constant 0 : i32
      %dma_start3A_133 = arith.constant 0 : i32
      %dma_start3A_134 = tpu.memref_slice %arg2[%dma_start3A_132, %dma_start3A_133] : memref<10240x64xf32, #tpu.memory_space<hbm>> -> memref<10240x64xf32, #tpu.memory_space<hbm>>
      tpu.enqueue_indirect_dma source(%dma_start3A_134 : memref<10240x64xf32, #tpu.memory_space<hbm>>) target(%arg12 : memref<128x64xf32, #tpu.memory_space<vmem>>) offsets(%dma_start3A_131 : memref<128xi32, #tpu.memory_space<vmem>>) semaphore(%arg20 : memref<!tpu.dma_semaphore, #tpu.memory_space<semaphore_mem>>)
      %mul3A_135 = arith.constant 8 : i32
      %mul3A_136 = arith.muli %scan3A_76, %mul3A_135 : i32
      %add3A_137 = arith.constant 4 : i32
      %add3A_138 = arith.addi %mul3A_136, %add3A_137 : i32
      %gt3A_139 = arith.constant 0 : i32
      %gt3A_140 = arith.cmpi sgt, %scan3A_76, %gt3A_139 : i32
      %convert_element_type3A_141 = arith.extui %gt3A_140 : i1 to i32
      %cond3A_142 = arith.constant 0 : i32
      %cond3A_143 = arith.cmpi ne, %convert_element_type3A_141, %cond3A_142 : i32
      scf.if %cond3A_143 {
        %dma_wait3A_323 = arith.constant 0 : i32
        %dma_wait3A_324 = arith.constant 0 : i32
        %dma_wait3A_325 = tpu.memref_slice %arg7[%dma_wait3A_323, %dma_wait3A_324] : memref<80x128xi32, #tpu.memory_space<vmem>> -> memref<1x128xi32, #tpu.memory_space<vmem>>
        %dma_wait3A_326 = tpu.memref_squeeze %dma_wait3A_325 : memref<1x128xi32, #tpu.memory_space<vmem>> -> memref<128xi32, #tpu.memory_space<vmem>>
        %dma_wait3A_327 = arith.constant 0 : i32
        %dma_wait3A_328 = arith.constant 0 : i32
        %dma_wait3A_329 = tpu.memref_slice %arg8[%dma_wait3A_327, %dma_wait3A_328] : memref<10240x64xf32, #tpu.memory_space<vmem_shared>> -> memref<10240x64xf32, #tpu.memory_space<vmem_shared>>
        tpu.wait_indirect_dma semaphore(%arg29 : memref<!tpu.dma_semaphore, #tpu.memory_space<semaphore_mem>>) src(%arg13 : memref<128x64xf32, #tpu.memory_space<vmem>>) dst(%dma_wait3A_329 : memref<10240x64xf32, #tpu.memory_space<vmem_shared>>)
      } else {
      }
      %dma_start3A_144 = arith.constant 0 : i32
      %dma_start3A_145 = tpu.memref_slice %arg6[%add3A_138, %dma_start3A_144] : memref<80x128xi32, #tpu.memory_space<vmem>> -> memref<1x128xi32, #tpu.memory_space<vmem>>
      %dma_start3A_146 = tpu.memref_squeeze %dma_start3A_145 : memref<1x128xi32, #tpu.memory_space<vmem>> -> memref<128xi32, #tpu.memory_space<vmem>>
      %dma_start3A_147 = arith.constant 0 : i32
      %dma_start3A_148 = arith.constant 0 : i32
      %dma_start3A_149 = tpu.memref_slice %arg2[%dma_start3A_147, %dma_start3A_148] : memref<10240x64xf32, #tpu.memory_space<hbm>> -> memref<10240x64xf32, #tpu.memory_space<hbm>>
      tpu.enqueue_indirect_dma source(%dma_start3A_149 : memref<10240x64xf32, #tpu.memory_space<hbm>>) target(%arg13 : memref<128x64xf32, #tpu.memory_space<vmem>>) offsets(%dma_start3A_146 : memref<128xi32, #tpu.memory_space<vmem>>) semaphore(%arg21 : memref<!tpu.dma_semaphore, #tpu.memory_space<semaphore_mem>>)
      %mul3A_150 = arith.constant 8 : i32
      %mul3A_151 = arith.muli %scan3A_76, %mul3A_150 : i32
      %add3A_152 = arith.constant 5 : i32
      %add3A_153 = arith.addi %mul3A_151, %add3A_152 : i32
      %gt3A_154 = arith.constant 0 : i32
      %gt3A_155 = arith.cmpi sgt, %scan3A_76, %gt3A_154 : i32
      %convert_element_type3A_156 = arith.extui %gt3A_155 : i1 to i32
      %cond3A_157 = arith.constant 0 : i32
      %cond3A_158 = arith.cmpi ne, %convert_element_type3A_156, %cond3A_157 : i32
      scf.if %cond3A_158 {
        %dma_wait3A_323 = arith.constant 0 : i32
        %dma_wait3A_324 = arith.constant 0 : i32
        %dma_wait3A_325 = tpu.memref_slice %arg7[%dma_wait3A_323, %dma_wait3A_324] : memref<80x128xi32, #tpu.memory_space<vmem>> -> memref<1x128xi32, #tpu.memory_space<vmem>>
        %dma_wait3A_326 = tpu.memref_squeeze %dma_wait3A_325 : memref<1x128xi32, #tpu.memory_space<vmem>> -> memref<128xi32, #tpu.memory_space<vmem>>
        %dma_wait3A_327 = arith.constant 0 : i32
        %dma_wait3A_328 = arith.constant 0 : i32
        %dma_wait3A_329 = tpu.memref_slice %arg8[%dma_wait3A_327, %dma_wait3A_328] : memref<10240x64xf32, #tpu.memory_space<vmem_shared>> -> memref<10240x64xf32, #tpu.memory_space<vmem_shared>>
        tpu.wait_indirect_dma semaphore(%arg30 : memref<!tpu.dma_semaphore, #tpu.memory_space<semaphore_mem>>) src(%arg14 : memref<128x64xf32, #tpu.memory_space<vmem>>) dst(%dma_wait3A_329 : memref<10240x64xf32, #tpu.memory_space<vmem_shared>>)
      } else {
      }
      %dma_start3A_159 = arith.constant 0 : i32
      %dma_start3A_160 = tpu.memref_slice %arg6[%add3A_153, %dma_start3A_159] : memref<80x128xi32, #tpu.memory_space<vmem>> -> memref<1x128xi32, #tpu.memory_space<vmem>>
      %dma_start3A_161 = tpu.memref_squeeze %dma_start3A_160 : memref<1x128xi32, #tpu.memory_space<vmem>> -> memref<128xi32, #tpu.memory_space<vmem>>
      %dma_start3A_162 = arith.constant 0 : i32
      %dma_start3A_163 = arith.constant 0 : i32
      %dma_start3A_164 = tpu.memref_slice %arg2[%dma_start3A_162, %dma_start3A_163] : memref<10240x64xf32, #tpu.memory_space<hbm>> -> memref<10240x64xf32, #tpu.memory_space<hbm>>
      tpu.enqueue_indirect_dma source(%dma_start3A_164 : memref<10240x64xf32, #tpu.memory_space<hbm>>) target(%arg14 : memref<128x64xf32, #tpu.memory_space<vmem>>) offsets(%dma_start3A_161 : memref<128xi32, #tpu.memory_space<vmem>>) semaphore(%arg22 : memref<!tpu.dma_semaphore, #tpu.memory_space<semaphore_mem>>)
      %mul3A_165 = arith.constant 8 : i32
      %mul3A_166 = arith.muli %scan3A_76, %mul3A_165 : i32
      %add3A_167 = arith.constant 6 : i32
      %add3A_168 = arith.addi %mul3A_166, %add3A_167 : i32
      %gt3A_169 = arith.constant 0 : i32
      %gt3A_170 = arith.cmpi sgt, %scan3A_76, %gt3A_169 : i32
      %convert_element_type3A_171 = arith.extui %gt3A_170 : i1 to i32
      %cond3A_172 = arith.constant 0 : i32
      %cond3A_173 = arith.cmpi ne, %convert_element_type3A_171, %cond3A_172 : i32
      scf.if %cond3A_173 {
        %dma_wait3A_323 = arith.constant 0 : i32
        %dma_wait3A_324 = arith.constant 0 : i32
        %dma_wait3A_325 = tpu.memref_slice %arg7[%dma_wait3A_323, %dma_wait3A_324] : memref<80x128xi32, #tpu.memory_space<vmem>> -> memref<1x128xi32, #tpu.memory_space<vmem>>
        %dma_wait3A_326 = tpu.memref_squeeze %dma_wait3A_325 : memref<1x128xi32, #tpu.memory_space<vmem>> -> memref<128xi32, #tpu.memory_space<vmem>>
        %dma_wait3A_327 = arith.constant 0 : i32
        %dma_wait3A_328 = arith.constant 0 : i32
        %dma_wait3A_329 = tpu.memref_slice %arg8[%dma_wait3A_327, %dma_wait3A_328] : memref<10240x64xf32, #tpu.memory_space<vmem_shared>> -> memref<10240x64xf32, #tpu.memory_space<vmem_shared>>
        tpu.wait_indirect_dma semaphore(%arg31 : memref<!tpu.dma_semaphore, #tpu.memory_space<semaphore_mem>>) src(%arg15 : memref<128x64xf32, #tpu.memory_space<vmem>>) dst(%dma_wait3A_329 : memref<10240x64xf32, #tpu.memory_space<vmem_shared>>)
      } else {
      }
      %dma_start3A_174 = arith.constant 0 : i32
      %dma_start3A_175 = tpu.memref_slice %arg6[%add3A_168, %dma_start3A_174] : memref<80x128xi32, #tpu.memory_space<vmem>> -> memref<1x128xi32, #tpu.memory_space<vmem>>
      %dma_start3A_176 = tpu.memref_squeeze %dma_start3A_175 : memref<1x128xi32, #tpu.memory_space<vmem>> -> memref<128xi32, #tpu.memory_space<vmem>>
      %dma_start3A_177 = arith.constant 0 : i32
      %dma_start3A_178 = arith.constant 0 : i32
      %dma_start3A_179 = tpu.memref_slice %arg2[%dma_start3A_177, %dma_start3A_178] : memref<10240x64xf32, #tpu.memory_space<hbm>> -> memref<10240x64xf32, #tpu.memory_space<hbm>>
      tpu.enqueue_indirect_dma source(%dma_start3A_179 : memref<10240x64xf32, #tpu.memory_space<hbm>>) target(%arg15 : memref<128x64xf32, #tpu.memory_space<vmem>>) offsets(%dma_start3A_176 : memref<128xi32, #tpu.memory_space<vmem>>) semaphore(%arg23 : memref<!tpu.dma_semaphore, #tpu.memory_space<semaphore_mem>>)
      %mul3A_180 = arith.constant 8 : i32
      %mul3A_181 = arith.muli %scan3A_76, %mul3A_180 : i32
      %add3A_182 = arith.constant 7 : i32
      %add3A_183 = arith.addi %mul3A_181, %add3A_182 : i32
      %gt3A_184 = arith.constant 0 : i32
      %gt3A_185 = arith.cmpi sgt, %scan3A_76, %gt3A_184 : i32
      %convert_element_type3A_186 = arith.extui %gt3A_185 : i1 to i32
      %cond3A_187 = arith.constant 0 : i32
      %cond3A_188 = arith.cmpi ne, %convert_element_type3A_186, %cond3A_187 : i32
      scf.if %cond3A_188 {
        %dma_wait3A_323 = arith.constant 0 : i32
        %dma_wait3A_324 = arith.constant 0 : i32
        %dma_wait3A_325 = tpu.memref_slice %arg7[%dma_wait3A_323, %dma_wait3A_324] : memref<80x128xi32, #tpu.memory_space<vmem>> -> memref<1x128xi32, #tpu.memory_space<vmem>>
        %dma_wait3A_326 = tpu.memref_squeeze %dma_wait3A_325 : memref<1x128xi32, #tpu.memory_space<vmem>> -> memref<128xi32, #tpu.memory_space<vmem>>
        %dma_wait3A_327 = arith.constant 0 : i32
        %dma_wait3A_328 = arith.constant 0 : i32
        %dma_wait3A_329 = tpu.memref_slice %arg8[%dma_wait3A_327, %dma_wait3A_328] : memref<10240x64xf32, #tpu.memory_space<vmem_shared>> -> memref<10240x64xf32, #tpu.memory_space<vmem_shared>>
        tpu.wait_indirect_dma semaphore(%arg32 : memref<!tpu.dma_semaphore, #tpu.memory_space<semaphore_mem>>) src(%arg16 : memref<128x64xf32, #tpu.memory_space<vmem>>) dst(%dma_wait3A_329 : memref<10240x64xf32, #tpu.memory_space<vmem_shared>>)
      } else {
      }
      %dma_start3A_189 = arith.constant 0 : i32
      %dma_start3A_190 = tpu.memref_slice %arg6[%add3A_183, %dma_start3A_189] : memref<80x128xi32, #tpu.memory_space<vmem>> -> memref<1x128xi32, #tpu.memory_space<vmem>>
      %dma_start3A_191 = tpu.memref_squeeze %dma_start3A_190 : memref<1x128xi32, #tpu.memory_space<vmem>> -> memref<128xi32, #tpu.memory_space<vmem>>
      %dma_start3A_192 = arith.constant 0 : i32
      %dma_start3A_193 = arith.constant 0 : i32
      %dma_start3A_194 = tpu.memref_slice %arg2[%dma_start3A_192, %dma_start3A_193] : memref<10240x64xf32, #tpu.memory_space<hbm>> -> memref<10240x64xf32, #tpu.memory_space<hbm>>
      tpu.enqueue_indirect_dma source(%dma_start3A_194 : memref<10240x64xf32, #tpu.memory_space<hbm>>) target(%arg16 : memref<128x64xf32, #tpu.memory_space<vmem>>) offsets(%dma_start3A_191 : memref<128xi32, #tpu.memory_space<vmem>>) semaphore(%arg24 : memref<!tpu.dma_semaphore, #tpu.memory_space<semaphore_mem>>)
      %mul3A_195 = arith.constant 8 : i32
      %mul3A_196 = arith.muli %scan3A_76, %mul3A_195 : i32
      %add3A_197 = arith.constant 0 : i32
      %add3A_198 = arith.addi %mul3A_196, %add3A_197 : i32
      %dma_wait3A_199 = arith.constant 0 : i32
      %dma_wait3A_200 = tpu.memref_slice %arg6[%add3A_80, %dma_wait3A_199] : memref<80x128xi32, #tpu.memory_space<vmem>> -> memref<1x128xi32, #tpu.memory_space<vmem>>
      %dma_wait3A_201 = tpu.memref_squeeze %dma_wait3A_200 : memref<1x128xi32, #tpu.memory_space<vmem>> -> memref<128xi32, #tpu.memory_space<vmem>>
      %dma_wait3A_202 = arith.constant 0 : i32
      %dma_wait3A_203 = arith.constant 0 : i32
      %dma_wait3A_204 = tpu.memref_slice %arg2[%dma_wait3A_202, %dma_wait3A_203] : memref<10240x64xf32, #tpu.memory_space<hbm>> -> memref<10240x64xf32, #tpu.memory_space<hbm>>
      tpu.wait_indirect_dma semaphore(%arg17 : memref<!tpu.dma_semaphore, #tpu.memory_space<semaphore_mem>>) src(%dma_wait3A_204 : memref<10240x64xf32, #tpu.memory_space<hbm>>) dst(%arg9 : memref<128x64xf32, #tpu.memory_space<vmem>>)
      %dma_start3A_205 = arith.constant 0 : i32
      %dma_start3A_206 = tpu.memref_slice %arg7[%add3A_198, %dma_start3A_205] : memref<80x128xi32, #tpu.memory_space<vmem>> -> memref<1x128xi32, #tpu.memory_space<vmem>>
      %dma_start3A_207 = tpu.memref_squeeze %dma_start3A_206 : memref<1x128xi32, #tpu.memory_space<vmem>> -> memref<128xi32, #tpu.memory_space<vmem>>
      %dma_start3A_208 = arith.constant 0 : i32
      %dma_start3A_209 = arith.constant 0 : i32
      %dma_start3A_210 = tpu.memref_slice %arg8[%dma_start3A_208, %dma_start3A_209] : memref<10240x64xf32, #tpu.memory_space<vmem_shared>> -> memref<10240x64xf32, #tpu.memory_space<vmem_shared>>
      tpu.enqueue_indirect_dma source(%arg9 : memref<128x64xf32, #tpu.memory_space<vmem>>) target(%dma_start3A_210 : memref<10240x64xf32, #tpu.memory_space<vmem_shared>>) offsets(%dma_start3A_207 : memref<128xi32, #tpu.memory_space<vmem>>) semaphore(%arg25 : memref<!tpu.dma_semaphore, #tpu.memory_space<semaphore_mem>>) {add = true}
      %mul3A_211 = arith.constant 8 : i32
      %mul3A_212 = arith.muli %scan3A_76, %mul3A_211 : i32
      %add3A_213 = arith.constant 1 : i32
      %add3A_214 = arith.addi %mul3A_212, %add3A_213 : i32
      %dma_wait3A_215 = arith.constant 0 : i32
      %dma_wait3A_216 = tpu.memref_slice %arg6[%add3A_93, %dma_wait3A_215] : memref<80x128xi32, #tpu.memory_space<vmem>> -> memref<1x128xi32, #tpu.memory_space<vmem>>
      %dma_wait3A_217 = tpu.memref_squeeze %dma_wait3A_216 : memref<1x128xi32, #tpu.memory_space<vmem>> -> memref<128xi32, #tpu.memory_space<vmem>>
      %dma_wait3A_218 = arith.constant 0 : i32
      %dma_wait3A_219 = arith.constant 0 : i32
      %dma_wait3A_220 = tpu.memref_slice %arg2[%dma_wait3A_218, %dma_wait3A_219] : memref<10240x64xf32, #tpu.memory_space<hbm>> -> memref<10240x64xf32, #tpu.memory_space<hbm>>
      tpu.wait_indirect_dma semaphore(%arg18 : memref<!tpu.dma_semaphore, #tpu.memory_space<semaphore_mem>>) src(%dma_wait3A_220 : memref<10240x64xf32, #tpu.memory_space<hbm>>) dst(%arg10 : memref<128x64xf32, #tpu.memory_space<vmem>>)
      %dma_start3A_221 = arith.constant 0 : i32
      %dma_start3A_222 = tpu.memref_slice %arg7[%add3A_214, %dma_start3A_221] : memref<80x128xi32, #tpu.memory_space<vmem>> -> memref<1x128xi32, #tpu.memory_space<vmem>>
      %dma_start3A_223 = tpu.memref_squeeze %dma_start3A_222 : memref<1x128xi32, #tpu.memory_space<vmem>> -> memref<128xi32, #tpu.memory_space<vmem>>
      %dma_start3A_224 = arith.constant 0 : i32
      %dma_start3A_225 = arith.constant 0 : i32
      %dma_start3A_226 = tpu.memref_slice %arg8[%dma_start3A_224, %dma_start3A_225] : memref<10240x64xf32, #tpu.memory_space<vmem_shared>> -> memref<10240x64xf32, #tpu.memory_space<vmem_shared>>
      tpu.enqueue_indirect_dma source(%arg10 : memref<128x64xf32, #tpu.memory_space<vmem>>) target(%dma_start3A_226 : memref<10240x64xf32, #tpu.memory_space<vmem_shared>>) offsets(%dma_start3A_223 : memref<128xi32, #tpu.memory_space<vmem>>) semaphore(%arg26 : memref<!tpu.dma_semaphore, #tpu.memory_space<semaphore_mem>>) {add = true}
      %mul3A_227 = arith.constant 8 : i32
      %mul3A_228 = arith.muli %scan3A_76, %mul3A_227 : i32
      %add3A_229 = arith.constant 2 : i32
      %add3A_230 = arith.addi %mul3A_228, %add3A_229 : i32
      %dma_wait3A_231 = arith.constant 0 : i32
      %dma_wait3A_232 = tpu.memref_slice %arg6[%add3A_108, %dma_wait3A_231] : memref<80x128xi32, #tpu.memory_space<vmem>> -> memref<1x128xi32, #tpu.memory_space<vmem>>
      %dma_wait3A_233 = tpu.memref_squeeze %dma_wait3A_232 : memref<1x128xi32, #tpu.memory_space<vmem>> -> memref<128xi32, #tpu.memory_space<vmem>>
      %dma_wait3A_234 = arith.constant 0 : i32
      %dma_wait3A_235 = arith.constant 0 : i32
      %dma_wait3A_236 = tpu.memref_slice %arg2[%dma_wait3A_234, %dma_wait3A_235] : memref<10240x64xf32, #tpu.memory_space<hbm>> -> memref<10240x64xf32, #tpu.memory_space<hbm>>
      tpu.wait_indirect_dma semaphore(%arg19 : memref<!tpu.dma_semaphore, #tpu.memory_space<semaphore_mem>>) src(%dma_wait3A_236 : memref<10240x64xf32, #tpu.memory_space<hbm>>) dst(%arg11 : memref<128x64xf32, #tpu.memory_space<vmem>>)
      %dma_start3A_237 = arith.constant 0 : i32
      %dma_start3A_238 = tpu.memref_slice %arg7[%add3A_230, %dma_start3A_237] : memref<80x128xi32, #tpu.memory_space<vmem>> -> memref<1x128xi32, #tpu.memory_space<vmem>>
      %dma_start3A_239 = tpu.memref_squeeze %dma_start3A_238 : memref<1x128xi32, #tpu.memory_space<vmem>> -> memref<128xi32, #tpu.memory_space<vmem>>
      %dma_start3A_240 = arith.constant 0 : i32
      %dma_start3A_241 = arith.constant 0 : i32
      %dma_start3A_242 = tpu.memref_slice %arg8[%dma_start3A_240, %dma_start3A_241] : memref<10240x64xf32, #tpu.memory_space<vmem_shared>> -> memref<10240x64xf32, #tpu.memory_space<vmem_shared>>
      tpu.enqueue_indirect_dma source(%arg11 : memref<128x64xf32, #tpu.memory_space<vmem>>) target(%dma_start3A_242 : memref<10240x64xf32, #tpu.memory_space<vmem_shared>>) offsets(%dma_start3A_239 : memref<128xi32, #tpu.memory_space<vmem>>) semaphore(%arg27 : memref<!tpu.dma_semaphore, #tpu.memory_space<semaphore_mem>>) {add = true}
      %mul3A_243 = arith.constant 8 : i32
      %mul3A_244 = arith.muli %scan3A_76, %mul3A_243 : i32
      %add3A_245 = arith.constant 3 : i32
      %add3A_246 = arith.addi %mul3A_244, %add3A_245 : i32
      %dma_wait3A_247 = arith.constant 0 : i32
      %dma_wait3A_248 = tpu.memref_slice %arg6[%add3A_123, %dma_wait3A_247] : memref<80x128xi32, #tpu.memory_space<vmem>> -> memref<1x128xi32, #tpu.memory_space<vmem>>
      %dma_wait3A_249 = tpu.memref_squeeze %dma_wait3A_248 : memref<1x128xi32, #tpu.memory_space<vmem>> -> memref<128xi32, #tpu.memory_space<vmem>>
      %dma_wait3A_250 = arith.constant 0 : i32
      %dma_wait3A_251 = arith.constant 0 : i32
      %dma_wait3A_252 = tpu.memref_slice %arg2[%dma_wait3A_250, %dma_wait3A_251] : memref<10240x64xf32, #tpu.memory_space<hbm>> -> memref<10240x64xf32, #tpu.memory_space<hbm>>
      tpu.wait_indirect_dma semaphore(%arg20 : memref<!tpu.dma_semaphore, #tpu.memory_space<semaphore_mem>>) src(%dma_wait3A_252 : memref<10240x64xf32, #tpu.memory_space<hbm>>) dst(%arg12 : memref<128x64xf32, #tpu.memory_space<vmem>>)
      %dma_start3A_253 = arith.constant 0 : i32
      %dma_start3A_254 = tpu.memref_slice %arg7[%add3A_246, %dma_start3A_253] : memref<80x128xi32, #tpu.memory_space<vmem>> -> memref<1x128xi32, #tpu.memory_space<vmem>>
      %dma_start3A_255 = tpu.memref_squeeze %dma_start3A_254 : memref<1x128xi32, #tpu.memory_space<vmem>> -> memref<128xi32, #tpu.memory_space<vmem>>
      %dma_start3A_256 = arith.constant 0 : i32
      %dma_start3A_257 = arith.constant 0 : i32
      %dma_start3A_258 = tpu.memref_slice %arg8[%dma_start3A_256, %dma_start3A_257] : memref<10240x64xf32, #tpu.memory_space<vmem_shared>> -> memref<10240x64xf32, #tpu.memory_space<vmem_shared>>
      tpu.enqueue_indirect_dma source(%arg12 : memref<128x64xf32, #tpu.memory_space<vmem>>) target(%dma_start3A_258 : memref<10240x64xf32, #tpu.memory_space<vmem_shared>>) offsets(%dma_start3A_255 : memref<128xi32, #tpu.memory_space<vmem>>) semaphore(%arg28 : memref<!tpu.dma_semaphore, #tpu.memory_space<semaphore_mem>>) {add = true}
      %mul3A_259 = arith.constant 8 : i32
      %mul3A_260 = arith.muli %scan3A_76, %mul3A_259 : i32
      %add3A_261 = arith.constant 4 : i32
      %add3A_262 = arith.addi %mul3A_260, %add3A_261 : i32
      %dma_wait3A_263 = arith.constant 0 : i32
      %dma_wait3A_264 = tpu.memref_slice %arg6[%add3A_138, %dma_wait3A_263] : memref<80x128xi32, #tpu.memory_space<vmem>> -> memref<1x128xi32, #tpu.memory_space<vmem>>
      %dma_wait3A_265 = tpu.memref_squeeze %dma_wait3A_264 : memref<1x128xi32, #tpu.memory_space<vmem>> -> memref<128xi32, #tpu.memory_space<vmem>>
      %dma_wait3A_266 = arith.constant 0 : i32
      %dma_wait3A_267 = arith.constant 0 : i32
      %dma_wait3A_268 = tpu.memref_slice %arg2[%dma_wait3A_266, %dma_wait3A_267] : memref<10240x64xf32, #tpu.memory_space<hbm>> -> memref<10240x64xf32, #tpu.memory_space<hbm>>
      tpu.wait_indirect_dma semaphore(%arg21 : memref<!tpu.dma_semaphore, #tpu.memory_space<semaphore_mem>>) src(%dma_wait3A_268 : memref<10240x64xf32, #tpu.memory_space<hbm>>) dst(%arg13 : memref<128x64xf32, #tpu.memory_space<vmem>>)
      %dma_start3A_269 = arith.constant 0 : i32
      %dma_start3A_270 = tpu.memref_slice %arg7[%add3A_262, %dma_start3A_269] : memref<80x128xi32, #tpu.memory_space<vmem>> -> memref<1x128xi32, #tpu.memory_space<vmem>>
      %dma_start3A_271 = tpu.memref_squeeze %dma_start3A_270 : memref<1x128xi32, #tpu.memory_space<vmem>> -> memref<128xi32, #tpu.memory_space<vmem>>
      %dma_start3A_272 = arith.constant 0 : i32
      %dma_start3A_273 = arith.constant 0 : i32
      %dma_start3A_274 = tpu.memref_slice %arg8[%dma_start3A_272, %dma_start3A_273] : memref<10240x64xf32, #tpu.memory_space<vmem_shared>> -> memref<10240x64xf32, #tpu.memory_space<vmem_shared>>
      tpu.enqueue_indirect_dma source(%arg13 : memref<128x64xf32, #tpu.memory_space<vmem>>) target(%dma_start3A_274 : memref<10240x64xf32, #tpu.memory_space<vmem_shared>>) offsets(%dma_start3A_271 : memref<128xi32, #tpu.memory_space<vmem>>) semaphore(%arg29 : memref<!tpu.dma_semaphore, #tpu.memory_space<semaphore_mem>>) {add = true}
      %mul3A_275 = arith.constant 8 : i32
      %mul3A_276 = arith.muli %scan3A_76, %mul3A_275 : i32
      %add3A_277 = arith.constant 5 : i32
      %add3A_278 = arith.addi %mul3A_276, %add3A_277 : i32
      %dma_wait3A_279 = arith.constant 0 : i32
      %dma_wait3A_280 = tpu.memref_slice %arg6[%add3A_153, %dma_wait3A_279] : memref<80x128xi32, #tpu.memory_space<vmem>> -> memref<1x128xi32, #tpu.memory_space<vmem>>
      %dma_wait3A_281 = tpu.memref_squeeze %dma_wait3A_280 : memref<1x128xi32, #tpu.memory_space<vmem>> -> memref<128xi32, #tpu.memory_space<vmem>>
      %dma_wait3A_282 = arith.constant 0 : i32
      %dma_wait3A_283 = arith.constant 0 : i32
      %dma_wait3A_284 = tpu.memref_slice %arg2[%dma_wait3A_282, %dma_wait3A_283] : memref<10240x64xf32, #tpu.memory_space<hbm>> -> memref<10240x64xf32, #tpu.memory_space<hbm>>
      tpu.wait_indirect_dma semaphore(%arg22 : memref<!tpu.dma_semaphore, #tpu.memory_space<semaphore_mem>>) src(%dma_wait3A_284 : memref<10240x64xf32, #tpu.memory_space<hbm>>) dst(%arg14 : memref<128x64xf32, #tpu.memory_space<vmem>>)
      %dma_start3A_285 = arith.constant 0 : i32
      %dma_start3A_286 = tpu.memref_slice %arg7[%add3A_278, %dma_start3A_285] : memref<80x128xi32, #tpu.memory_space<vmem>> -> memref<1x128xi32, #tpu.memory_space<vmem>>
      %dma_start3A_287 = tpu.memref_squeeze %dma_start3A_286 : memref<1x128xi32, #tpu.memory_space<vmem>> -> memref<128xi32, #tpu.memory_space<vmem>>
      %dma_start3A_288 = arith.constant 0 : i32
      %dma_start3A_289 = arith.constant 0 : i32
      %dma_start3A_290 = tpu.memref_slice %arg8[%dma_start3A_288, %dma_start3A_289] : memref<10240x64xf32, #tpu.memory_space<vmem_shared>> -> memref<10240x64xf32, #tpu.memory_space<vmem_shared>>
      tpu.enqueue_indirect_dma source(%arg14 : memref<128x64xf32, #tpu.memory_space<vmem>>) target(%dma_start3A_290 : memref<10240x64xf32, #tpu.memory_space<vmem_shared>>) offsets(%dma_start3A_287 : memref<128xi32, #tpu.memory_space<vmem>>) semaphore(%arg30 : memref<!tpu.dma_semaphore, #tpu.memory_space<semaphore_mem>>) {add = true}
      %mul3A_291 = arith.constant 8 : i32
      %mul3A_292 = arith.muli %scan3A_76, %mul3A_291 : i32
      %add3A_293 = arith.constant 6 : i32
      %add3A_294 = arith.addi %mul3A_292, %add3A_293 : i32
      %dma_wait3A_295 = arith.constant 0 : i32
      %dma_wait3A_296 = tpu.memref_slice %arg6[%add3A_168, %dma_wait3A_295] : memref<80x128xi32, #tpu.memory_space<vmem>> -> memref<1x128xi32, #tpu.memory_space<vmem>>
      %dma_wait3A_297 = tpu.memref_squeeze %dma_wait3A_296 : memref<1x128xi32, #tpu.memory_space<vmem>> -> memref<128xi32, #tpu.memory_space<vmem>>
      %dma_wait3A_298 = arith.constant 0 : i32
      %dma_wait3A_299 = arith.constant 0 : i32
      %dma_wait3A_300 = tpu.memref_slice %arg2[%dma_wait3A_298, %dma_wait3A_299] : memref<10240x64xf32, #tpu.memory_space<hbm>> -> memref<10240x64xf32, #tpu.memory_space<hbm>>
      tpu.wait_indirect_dma semaphore(%arg23 : memref<!tpu.dma_semaphore, #tpu.memory_space<semaphore_mem>>) src(%dma_wait3A_300 : memref<10240x64xf32, #tpu.memory_space<hbm>>) dst(%arg15 : memref<128x64xf32, #tpu.memory_space<vmem>>)
      %dma_start3A_301 = arith.constant 0 : i32
      %dma_start3A_302 = tpu.memref_slice %arg7[%add3A_294, %dma_start3A_301] : memref<80x128xi32, #tpu.memory_space<vmem>> -> memref<1x128xi32, #tpu.memory_space<vmem>>
      %dma_start3A_303 = tpu.memref_squeeze %dma_start3A_302 : memref<1x128xi32, #tpu.memory_space<vmem>> -> memref<128xi32, #tpu.memory_space<vmem>>
      %dma_start3A_304 = arith.constant 0 : i32
      %dma_start3A_305 = arith.constant 0 : i32
      %dma_start3A_306 = tpu.memref_slice %arg8[%dma_start3A_304, %dma_start3A_305] : memref<10240x64xf32, #tpu.memory_space<vmem_shared>> -> memref<10240x64xf32, #tpu.memory_space<vmem_shared>>
      tpu.enqueue_indirect_dma source(%arg15 : memref<128x64xf32, #tpu.memory_space<vmem>>) target(%dma_start3A_306 : memref<10240x64xf32, #tpu.memory_space<vmem_shared>>) offsets(%dma_start3A_303 : memref<128xi32, #tpu.memory_space<vmem>>) semaphore(%arg31 : memref<!tpu.dma_semaphore, #tpu.memory_space<semaphore_mem>>) {add = true}
      %mul3A_307 = arith.constant 8 : i32
      %mul3A_308 = arith.muli %scan3A_76, %mul3A_307 : i32
      %add3A_309 = arith.constant 7 : i32
      %add3A_310 = arith.addi %mul3A_308, %add3A_309 : i32
      %dma_wait3A_311 = arith.constant 0 : i32
      %dma_wait3A_312 = tpu.memref_slice %arg6[%add3A_183, %dma_wait3A_311] : memref<80x128xi32, #tpu.memory_space<vmem>> -> memref<1x128xi32, #tpu.memory_space<vmem>>
      %dma_wait3A_313 = tpu.memref_squeeze %dma_wait3A_312 : memref<1x128xi32, #tpu.memory_space<vmem>> -> memref<128xi32, #tpu.memory_space<vmem>>
      %dma_wait3A_314 = arith.constant 0 : i32
      %dma_wait3A_315 = arith.constant 0 : i32
      %dma_wait3A_316 = tpu.memref_slice %arg2[%dma_wait3A_314, %dma_wait3A_315] : memref<10240x64xf32, #tpu.memory_space<hbm>> -> memref<10240x64xf32, #tpu.memory_space<hbm>>
      tpu.wait_indirect_dma semaphore(%arg24 : memref<!tpu.dma_semaphore, #tpu.memory_space<semaphore_mem>>) src(%dma_wait3A_316 : memref<10240x64xf32, #tpu.memory_space<hbm>>) dst(%arg16 : memref<128x64xf32, #tpu.memory_space<vmem>>)
      %dma_start3A_317 = arith.constant 0 : i32
      %dma_start3A_318 = tpu.memref_slice %arg7[%add3A_310, %dma_start3A_317] : memref<80x128xi32, #tpu.memory_space<vmem>> -> memref<1x128xi32, #tpu.memory_space<vmem>>
      %dma_start3A_319 = tpu.memref_squeeze %dma_start3A_318 : memref<1x128xi32, #tpu.memory_space<vmem>> -> memref<128xi32, #tpu.memory_space<vmem>>
      %dma_start3A_320 = arith.constant 0 : i32
      %dma_start3A_321 = arith.constant 0 : i32
      %dma_start3A_322 = tpu.memref_slice %arg8[%dma_start3A_320, %dma_start3A_321] : memref<10240x64xf32, #tpu.memory_space<vmem_shared>> -> memref<10240x64xf32, #tpu.memory_space<vmem_shared>>
      tpu.enqueue_indirect_dma source(%arg16 : memref<128x64xf32, #tpu.memory_space<vmem>>) target(%dma_start3A_322 : memref<10240x64xf32, #tpu.memory_space<vmem_shared>>) offsets(%dma_start3A_319 : memref<128xi32, #tpu.memory_space<vmem>>) semaphore(%arg32 : memref<!tpu.dma_semaphore, #tpu.memory_space<semaphore_mem>>) {add = true}
    }
    %scan3A_15 = arith.constant 10 : i32
    %dma_wait3A = arith.constant 0 : i32
    %dma_wait3A_16 = arith.constant 0 : i32
    %dma_wait3A_17 = tpu.memref_slice %arg7[%dma_wait3A, %dma_wait3A_16] : memref<80x128xi32, #tpu.memory_space<vmem>> -> memref<1x128xi32, #tpu.memory_space<vmem>>
    %dma_wait3A_18 = tpu.memref_squeeze %dma_wait3A_17 : memref<1x128xi32, #tpu.memory_space<vmem>> -> memref<128xi32, #tpu.memory_space<vmem>>
    %dma_wait3A_19 = arith.constant 0 : i32
    %dma_wait3A_20 = arith.constant 0 : i32
    %dma_wait3A_21 = tpu.memref_slice %arg8[%dma_wait3A_19, %dma_wait3A_20] : memref<10240x64xf32, #tpu.memory_space<vmem_shared>> -> memref<10240x64xf32, #tpu.memory_space<vmem_shared>>
    tpu.wait_indirect_dma semaphore(%arg25 : memref<!tpu.dma_semaphore, #tpu.memory_space<semaphore_mem>>) src(%arg9 : memref<128x64xf32, #tpu.memory_space<vmem>>) dst(%dma_wait3A_21 : memref<10240x64xf32, #tpu.memory_space<vmem_shared>>)
    %dma_wait3A_22 = arith.constant 0 : i32
    %dma_wait3A_23 = arith.constant 0 : i32
    %dma_wait3A_24 = tpu.memref_slice %arg7[%dma_wait3A_22, %dma_wait3A_23] : memref<80x128xi32, #tpu.memory_space<vmem>> -> memref<1x128xi32, #tpu.memory_space<vmem>>
    %dma_wait3A_25 = tpu.memref_squeeze %dma_wait3A_24 : memref<1x128xi32, #tpu.memory_space<vmem>> -> memref<128xi32, #tpu.memory_space<vmem>>
    %dma_wait3A_26 = arith.constant 0 : i32
    %dma_wait3A_27 = arith.constant 0 : i32
    %dma_wait3A_28 = tpu.memref_slice %arg8[%dma_wait3A_26, %dma_wait3A_27] : memref<10240x64xf32, #tpu.memory_space<vmem_shared>> -> memref<10240x64xf32, #tpu.memory_space<vmem_shared>>
    tpu.wait_indirect_dma semaphore(%arg26 : memref<!tpu.dma_semaphore, #tpu.memory_space<semaphore_mem>>) src(%arg10 : memref<128x64xf32, #tpu.memory_space<vmem>>) dst(%dma_wait3A_28 : memref<10240x64xf32, #tpu.memory_space<vmem_shared>>)
    %dma_wait3A_29 = arith.constant 0 : i32
    %dma_wait3A_30 = arith.constant 0 : i32
    %dma_wait3A_31 = tpu.memref_slice %arg7[%dma_wait3A_29, %dma_wait3A_30] : memref<80x128xi32, #tpu.memory_space<vmem>> -> memref<1x128xi32, #tpu.memory_space<vmem>>
    %dma_wait3A_32 = tpu.memref_squeeze %dma_wait3A_31 : memref<1x128xi32, #tpu.memory_space<vmem>> -> memref<128xi32, #tpu.memory_space<vmem>>
    %dma_wait3A_33 = arith.constant 0 : i32
    %dma_wait3A_34 = arith.constant 0 : i32
    %dma_wait3A_35 = tpu.memref_slice %arg8[%dma_wait3A_33, %dma_wait3A_34] : memref<10240x64xf32, #tpu.memory_space<vmem_shared>> -> memref<10240x64xf32, #tpu.memory_space<vmem_shared>>
    tpu.wait_indirect_dma semaphore(%arg27 : memref<!tpu.dma_semaphore, #tpu.memory_space<semaphore_mem>>) src(%arg11 : memref<128x64xf32, #tpu.memory_space<vmem>>) dst(%dma_wait3A_35 : memref<10240x64xf32, #tpu.memory_space<vmem_shared>>)
    %dma_wait3A_36 = arith.constant 0 : i32
    %dma_wait3A_37 = arith.constant 0 : i32
    %dma_wait3A_38 = tpu.memref_slice %arg7[%dma_wait3A_36, %dma_wait3A_37] : memref<80x128xi32, #tpu.memory_space<vmem>> -> memref<1x128xi32, #tpu.memory_space<vmem>>
    %dma_wait3A_39 = tpu.memref_squeeze %dma_wait3A_38 : memref<1x128xi32, #tpu.memory_space<vmem>> -> memref<128xi32, #tpu.memory_space<vmem>>
    %dma_wait3A_40 = arith.constant 0 : i32
    %dma_wait3A_41 = arith.constant 0 : i32
    %dma_wait3A_42 = tpu.memref_slice %arg8[%dma_wait3A_40, %dma_wait3A_41] : memref<10240x64xf32, #tpu.memory_space<vmem_shared>> -> memref<10240x64xf32, #tpu.memory_space<vmem_shared>>
    tpu.wait_indirect_dma semaphore(%arg28 : memref<!tpu.dma_semaphore, #tpu.memory_space<semaphore_mem>>) src(%arg12 : memref<128x64xf32, #tpu.memory_space<vmem>>) dst(%dma_wait3A_42 : memref<10240x64xf32, #tpu.memory_space<vmem_shared>>)
    %dma_wait3A_43 = arith.constant 0 : i32
    %dma_wait3A_44 = arith.constant 0 : i32
    %dma_wait3A_45 = tpu.memref_slice %arg7[%dma_wait3A_43, %dma_wait3A_44] : memref<80x128xi32, #tpu.memory_space<vmem>> -> memref<1x128xi32, #tpu.memory_space<vmem>>
    %dma_wait3A_46 = tpu.memref_squeeze %dma_wait3A_45 : memref<1x128xi32, #tpu.memory_space<vmem>> -> memref<128xi32, #tpu.memory_space<vmem>>
    %dma_wait3A_47 = arith.constant 0 : i32
    %dma_wait3A_48 = arith.constant 0 : i32
    %dma_wait3A_49 = tpu.memref_slice %arg8[%dma_wait3A_47, %dma_wait3A_48] : memref<10240x64xf32, #tpu.memory_space<vmem_shared>> -> memref<10240x64xf32, #tpu.memory_space<vmem_shared>>
    tpu.wait_indirect_dma semaphore(%arg29 : memref<!tpu.dma_semaphore, #tpu.memory_space<semaphore_mem>>) src(%arg13 : memref<128x64xf32, #tpu.memory_space<vmem>>) dst(%dma_wait3A_49 : memref<10240x64xf32, #tpu.memory_space<vmem_shared>>)
    %dma_wait3A_50 = arith.constant 0 : i32
    %dma_wait3A_51 = arith.constant 0 : i32
    %dma_wait3A_52 = tpu.memref_slice %arg7[%dma_wait3A_50, %dma_wait3A_51] : memref<80x128xi32, #tpu.memory_space<vmem>> -> memref<1x128xi32, #tpu.memory_space<vmem>>
    %dma_wait3A_53 = tpu.memref_squeeze %dma_wait3A_52 : memref<1x128xi32, #tpu.memory_space<vmem>> -> memref<128xi32, #tpu.memory_space<vmem>>
    %dma_wait3A_54 = arith.constant 0 : i32
    %dma_wait3A_55 = arith.constant 0 : i32
    %dma_wait3A_56 = tpu.memref_slice %arg8[%dma_wait3A_54, %dma_wait3A_55] : memref<10240x64xf32, #tpu.memory_space<vmem_shared>> -> memref<10240x64xf32, #tpu.memory_space<vmem_shared>>
    tpu.wait_indirect_dma semaphore(%arg30 : memref<!tpu.dma_semaphore, #tpu.memory_space<semaphore_mem>>) src(%arg14 : memref<128x64xf32, #tpu.memory_space<vmem>>) dst(%dma_wait3A_56 : memref<10240x64xf32, #tpu.memory_space<vmem_shared>>)
    %dma_wait3A_57 = arith.constant 0 : i32
    %dma_wait3A_58 = arith.constant 0 : i32
    %dma_wait3A_59 = tpu.memref_slice %arg7[%dma_wait3A_57, %dma_wait3A_58] : memref<80x128xi32, #tpu.memory_space<vmem>> -> memref<1x128xi32, #tpu.memory_space<vmem>>
    %dma_wait3A_60 = tpu.memref_squeeze %dma_wait3A_59 : memref<1x128xi32, #tpu.memory_space<vmem>> -> memref<128xi32, #tpu.memory_space<vmem>>
    %dma_wait3A_61 = arith.constant 0 : i32
    %dma_wait3A_62 = arith.constant 0 : i32
    %dma_wait3A_63 = tpu.memref_slice %arg8[%dma_wait3A_61, %dma_wait3A_62] : memref<10240x64xf32, #tpu.memory_space<vmem_shared>> -> memref<10240x64xf32, #tpu.memory_space<vmem_shared>>
    tpu.wait_indirect_dma semaphore(%arg31 : memref<!tpu.dma_semaphore, #tpu.memory_space<semaphore_mem>>) src(%arg15 : memref<128x64xf32, #tpu.memory_space<vmem>>) dst(%dma_wait3A_63 : memref<10240x64xf32, #tpu.memory_space<vmem_shared>>)
    %dma_wait3A_64 = arith.constant 0 : i32
    %dma_wait3A_65 = arith.constant 0 : i32
    %dma_wait3A_66 = tpu.memref_slice %arg7[%dma_wait3A_64, %dma_wait3A_65] : memref<80x128xi32, #tpu.memory_space<vmem>> -> memref<1x128xi32, #tpu.memory_space<vmem>>
    %dma_wait3A_67 = tpu.memref_squeeze %dma_wait3A_66 : memref<1x128xi32, #tpu.memory_space<vmem>> -> memref<128xi32, #tpu.memory_space<vmem>>
    %dma_wait3A_68 = arith.constant 0 : i32
    %dma_wait3A_69 = arith.constant 0 : i32
    %dma_wait3A_70 = tpu.memref_slice %arg8[%dma_wait3A_68, %dma_wait3A_69] : memref<10240x64xf32, #tpu.memory_space<vmem_shared>> -> memref<10240x64xf32, #tpu.memory_space<vmem_shared>>
    tpu.wait_indirect_dma semaphore(%arg32 : memref<!tpu.dma_semaphore, #tpu.memory_space<semaphore_mem>>) src(%arg16 : memref<128x64xf32, #tpu.memory_space<vmem>>) dst(%dma_wait3A_70 : memref<10240x64xf32, #tpu.memory_space<vmem_shared>>)
    %barrier3A_71 = arith.constant 0 : index
    tpu.barrier barrier_id(%barrier3A_71)
    %mul3A_72 = arith.constant 640 : i32
    %mul3A_73 = arith.muli %arg1, %mul3A_72 : i32
    %mul3A_74 = arith.constant 640 : i32
    %mul3A_75 = arith.muli %arg1, %mul3A_74 : i32
    "tpu.region"() ({
      %run_scoped3A = tpu.sem_alloc : memref<!tpu.dma_semaphore, #tpu.memory_space<semaphore_mem>>
      %dma_start3A = arith.constant 0 : i32
      %dma_start3A_76 = tpu.memref_slice %arg5[%arg0, %mul3A_75, %dma_start3A] : memref<2x10240x64xf32, #tpu.memory_space<hbm>> -> memref<1x640x64xf32, #tpu.memory_space<hbm>>
      %dma_start3A_77 = tpu.memref_squeeze %dma_start3A_76 : memref<1x640x64xf32, #tpu.memory_space<hbm>> -> memref<640x64xf32, #tpu.memory_space<hbm>>
      %dma_start3A_78 = arith.constant 0 : i32
      %dma_start3A_79 = tpu.memref_slice %arg8[%mul3A_73, %dma_start3A_78] : memref<10240x64xf32, #tpu.memory_space<vmem_shared>> -> memref<640x64xf32, #tpu.memory_space<vmem_shared>>
      tpu.enqueue_dma source(%dma_start3A_79 : memref<640x64xf32, #tpu.memory_space<vmem_shared>>) target(%dma_start3A_77 : memref<640x64xf32, #tpu.memory_space<hbm>>) target_semaphore(%run_scoped3A : memref<!tpu.dma_semaphore, #tpu.memory_space<semaphore_mem>>)
      %dma_wait3A_80 = arith.constant 0 : i32
      %dma_wait3A_81 = tpu.memref_slice %arg5[%arg0, %mul3A_75, %dma_wait3A_80] : memref<2x10240x64xf32, #tpu.memory_space<hbm>> -> memref<1x640x64xf32, #tpu.memory_space<hbm>>
      %dma_wait3A_82 = tpu.memref_squeeze %dma_wait3A_81 : memref<1x640x64xf32, #tpu.memory_space<hbm>> -> memref<640x64xf32, #tpu.memory_space<hbm>>
      %dma_wait3A_83 = arith.constant 0 : i32
      %dma_wait3A_84 = tpu.memref_slice %arg8[%mul3A_73, %dma_wait3A_83] : memref<10240x64xf32, #tpu.memory_space<vmem_shared>> -> memref<640x64xf32, #tpu.memory_space<vmem_shared>>
      tpu.wait_dma2 semaphore(%run_scoped3A : memref<!tpu.dma_semaphore, #tpu.memory_space<semaphore_mem>>) src(%dma_wait3A_84 : memref<640x64xf32, #tpu.memory_space<vmem_shared>>) dst(%dma_wait3A_82 : memref<640x64xf32, #tpu.memory_space<hbm>>)
      tpu.yield
    }) : () -> ()
    return
  }
}

#map = affine_map<(d0, d1) -> (0, 0)>
#map1 = affine_map<(d0, d1) -> (0, 0, 0)>
module attributes {stable_mosaic.version = 14 : i64} {
  func.func @_sc_prop_body(%arg0: i32, %arg1: i32, %arg2: memref<10240x64xf32, #tpu.memory_space<hbm>>, %arg3: memref<2560x128xi32, #tpu.memory_space<hbm>>, %arg4: memref<2560x128xi32, #tpu.memory_space<hbm>>, %arg5: memref<2x10240x64xf32, #tpu.memory_space<hbm>>, %arg6: memref<80x128xi32, #tpu.memory_space<vmem>>, %arg7: memref<80x128xi32, #tpu.memory_space<vmem>>, %arg8: memref<10240x64xf32, #tpu.memory_space<vmem_shared>>, %arg9: memref<128x64xf32, #tpu.memory_space<vmem>>, %arg10: memref<128x64xf32, #tpu.memory_space<vmem>>, %arg11: memref<128x64xf32, #tpu.memory_space<vmem>>, %arg12: memref<128x64xf32, #tpu.memory_space<vmem>>, %arg13: memref<128x64xf32, #tpu.memory_space<vmem>>, %arg14: memref<128x64xf32, #tpu.memory_space<vmem>>, %arg15: memref<128x64xf32, #tpu.memory_space<vmem>>, %arg16: memref<128x64xf32, #tpu.memory_space<vmem>>, %arg17: memref<!tpu.dma_semaphore, #tpu.memory_space<semaphore_mem>>, %arg18: memref<!tpu.dma_semaphore, #tpu.memory_space<semaphore_mem>>, %arg19: memref<!tpu.dma_semaphore, #tpu.memory_space<semaphore_mem>>, %arg20: memref<!tpu.dma_semaphore, #tpu.memory_space<semaphore_mem>>, %arg21: memref<!tpu.dma_semaphore, #tpu.memory_space<semaphore_mem>>, %arg22: memref<!tpu.dma_semaphore, #tpu.memory_space<semaphore_mem>>, %arg23: memref<!tpu.dma_semaphore, #tpu.memory_space<semaphore_mem>>, %arg24: memref<!tpu.dma_semaphore, #tpu.memory_space<semaphore_mem>>, %arg25: memref<!tpu.dma_semaphore, #tpu.memory_space<semaphore_mem>>, %arg26: memref<!tpu.dma_semaphore, #tpu.memory_space<semaphore_mem>>, %arg27: memref<!tpu.dma_semaphore, #tpu.memory_space<semaphore_mem>>, %arg28: memref<!tpu.dma_semaphore, #tpu.memory_space<semaphore_mem>>, %arg29: memref<!tpu.dma_semaphore, #tpu.memory_space<semaphore_mem>>, %arg30: memref<!tpu.dma_semaphore, #tpu.memory_space<semaphore_mem>>, %arg31: memref<!tpu.dma_semaphore, #tpu.memory_space<semaphore_mem>>, %arg32: memref<!tpu.dma_semaphore, #tpu.memory_space<semaphore_mem>>) attributes {dimension_semantics = [#tpu.dimension_semantics<core_parallel>, #tpu.dimension_semantics<subcore_parallel>], iteration_bounds = array<i64: 2, 16>, scalar_prefetch = 0 : i64, scratch_operands = 27 : i64, tpu.core_type = #tpu.core_type<sc_vector_subcore>, window_params = [{transform_indices = #map}, {transform_indices = #map}, {transform_indices = #map}, {transform_indices = #map1}]} {
    %mul3A = arith.constant 16 : i32
    %mul3A_0 = arith.muli %arg0, %mul3A : i32
    %add3A = arith.addi %mul3A_0, %arg1 : i32
    %eq3A = arith.constant 0 : i32
    %eq3A_1 = arith.cmpi eq, %arg0, %eq3A : i32
    %convert_element_type3A = arith.extui %eq3A_1 : i1 to i32
    %cond3A = arith.constant 0 : i32
    %cond3A_2 = arith.cmpi ne, %convert_element_type3A, %cond3A : i32
    scf.if %cond3A_2 {
      %mul3A_76 = arith.constant 640 : i32
      %mul3A_77 = arith.muli %arg1, %mul3A_76 : i32
      %mul3A_78 = arith.constant 640 : i32
      %mul3A_79 = arith.muli %arg1, %mul3A_78 : i32
      "tpu.region"() ({
        %run_scoped3A = tpu.sem_alloc : memref<!tpu.dma_semaphore, #tpu.memory_space<semaphore_mem>>
        %dma_start3A = arith.constant 0 : i32
        %dma_start3A_80 = tpu.memref_slice %arg8[%mul3A_79, %dma_start3A] : memref<10240x64xf32, #tpu.memory_space<vmem_shared>> -> memref<640x64xf32, #tpu.memory_space<vmem_shared>>
        %dma_start3A_81 = arith.constant 0 : i32
        %dma_start3A_82 = tpu.memref_slice %arg2[%mul3A_77, %dma_start3A_81] : memref<10240x64xf32, #tpu.memory_space<hbm>> -> memref<640x64xf32, #tpu.memory_space<hbm>>
        tpu.enqueue_dma source(%dma_start3A_82 : memref<640x64xf32, #tpu.memory_space<hbm>>) target(%dma_start3A_80 : memref<640x64xf32, #tpu.memory_space<vmem_shared>>) target_semaphore(%run_scoped3A : memref<!tpu.dma_semaphore, #tpu.memory_space<semaphore_mem>>)
        %dma_wait3A_83 = arith.constant 0 : i32
        %dma_wait3A_84 = tpu.memref_slice %arg8[%mul3A_79, %dma_wait3A_83] : memref<10240x64xf32, #tpu.memory_space<vmem_shared>> -> memref<640x64xf32, #tpu.memory_space<vmem_shared>>
        %dma_wait3A_85 = arith.constant 0 : i32
        %dma_wait3A_86 = tpu.memref_slice %arg2[%mul3A_77, %dma_wait3A_85] : memref<10240x64xf32, #tpu.memory_space<hbm>> -> memref<640x64xf32, #tpu.memory_space<hbm>>
        tpu.wait_dma2 semaphore(%run_scoped3A : memref<!tpu.dma_semaphore, #tpu.memory_space<semaphore_mem>>) src(%dma_wait3A_86 : memref<640x64xf32, #tpu.memory_space<hbm>>) dst(%dma_wait3A_84 : memref<640x64xf32, #tpu.memory_space<vmem_shared>>)
        tpu.yield
      }) : () -> ()
    } else {
    }
    %ne3A = arith.constant 0 : i32
    %ne3A_3 = arith.cmpi ne, %arg0, %ne3A : i32
    %convert_element_type3A_4 = arith.extui %ne3A_3 : i1 to i32
    %cond3A_5 = arith.constant 0 : i32
    %cond3A_6 = arith.cmpi ne, %convert_element_type3A_4, %cond3A_5 : i32
    scf.if %cond3A_6 {
      %scan3A_76 = arith.constant 0 : i32
      %scan3A_77 = arith.constant 0 : i32
      %scan3A_78 = arith.constant 128 : i32
      %scan3A_79 = arith.addi %scan3A_77, %scan3A_78 : i32
      %scan3A_80 = arith.constant 1 : i32
      scf.for %scan3A_102 = %scan3A_77 to %scan3A_79 step %scan3A_80  : i32 {
        %broadcast_in_dim3A = arith.constant 0.000000e+00 : f32
        %broadcast_in_dim3A_103 = vector.broadcast %broadcast_in_dim3A : f32 to vector<16xf32>
        %swap3A = arith.index_cast %scan3A_102 : i32 to index
        %swap3A_104 = arith.constant 0 : index
        %swap3A_105 = tpu.vector_load %arg9[%swap3A, %swap3A_104] {strides = array<i32>} : memref<128x64xf32, #tpu.memory_space<vmem>>, vector<1x16xf32>,
        %swap3A_106 = vector.shape_cast %swap3A_105 : vector<1x16xf32> to vector<16xf32>
        %swap3A_107 = vector.shape_cast %broadcast_in_dim3A_103 : vector<16xf32> to vector<1x16xf32>
        tpu.vector_store %arg9[%swap3A, %swap3A_104], %swap3A_107 {strides = array<i32>} : memref<128x64xf32, #tpu.memory_space<vmem>>, vector<1x16xf32>,
        %broadcast_in_dim3A_108 = arith.constant 0.000000e+00 : f32
        %broadcast_in_dim3A_109 = vector.broadcast %broadcast_in_dim3A_108 : f32 to vector<16xf32>
        %swap3A_110 = arith.index_cast %scan3A_102 : i32 to index
        %swap3A_111 = arith.constant 16 : index
        %swap3A_112 = tpu.vector_load %arg9[%swap3A_110, %swap3A_111] {strides = array<i32>} : memref<128x64xf32, #tpu.memory_space<vmem>>, vector<1x16xf32>,
        %swap3A_113 = vector.shape_cast %swap3A_112 : vector<1x16xf32> to vector<16xf32>
        %swap3A_114 = vector.shape_cast %broadcast_in_dim3A_109 : vector<16xf32> to vector<1x16xf32>
        tpu.vector_store %arg9[%swap3A_110, %swap3A_111], %swap3A_114 {strides = array<i32>} : memref<128x64xf32, #tpu.memory_space<vmem>>, vector<1x16xf32>,
        %broadcast_in_dim3A_115 = arith.constant 0.000000e+00 : f32
        %broadcast_in_dim3A_116 = vector.broadcast %broadcast_in_dim3A_115 : f32 to vector<16xf32>
        %swap3A_117 = arith.index_cast %scan3A_102 : i32 to index
        %swap3A_118 = arith.constant 32 : index
        %swap3A_119 = tpu.vector_load %arg9[%swap3A_117, %swap3A_118] {strides = array<i32>} : memref<128x64xf32, #tpu.memory_space<vmem>>, vector<1x16xf32>,
        %swap3A_120 = vector.shape_cast %swap3A_119 : vector<1x16xf32> to vector<16xf32>
        %swap3A_121 = vector.shape_cast %broadcast_in_dim3A_116 : vector<16xf32> to vector<1x16xf32>
        tpu.vector_store %arg9[%swap3A_117, %swap3A_118], %swap3A_121 {strides = array<i32>} : memref<128x64xf32, #tpu.memory_space<vmem>>, vector<1x16xf32>,
        %broadcast_in_dim3A_122 = arith.constant 0.000000e+00 : f32
        %broadcast_in_dim3A_123 = vector.broadcast %broadcast_in_dim3A_122 : f32 to vector<16xf32>
        %swap3A_124 = arith.index_cast %scan3A_102 : i32 to index
        %swap3A_125 = arith.constant 48 : index
        %swap3A_126 = tpu.vector_load %arg9[%swap3A_124, %swap3A_125] {strides = array<i32>} : memref<128x64xf32, #tpu.memory_space<vmem>>, vector<1x16xf32>,
        %swap3A_127 = vector.shape_cast %swap3A_126 : vector<1x16xf32> to vector<16xf32>
        %swap3A_128 = vector.shape_cast %broadcast_in_dim3A_123 : vector<16xf32> to vector<1x16xf32>
        tpu.vector_store %arg9[%swap3A_124, %swap3A_125], %swap3A_128 {strides = array<i32>} : memref<128x64xf32, #tpu.memory_space<vmem>>, vector<1x16xf32>,
      }
      %scan3A_81 = arith.constant 128 : i32
      %mul3A_82 = arith.constant 640 : i32
      %mul3A_83 = arith.muli %arg1, %mul3A_82 : i32
      %add3A_84 = arith.constant 0 : i32
      %add3A_85 = arith.addi %mul3A_83, %add3A_84 : i32
      "tpu.region"() ({
        %run_scoped3A = tpu.sem_alloc : memref<!tpu.dma_semaphore, #tpu.memory_space<semaphore_mem>>
        %dma_start3A = arith.constant 0 : i32
        %dma_start3A_102 = tpu.memref_slice %arg8[%add3A_85, %dma_start3A] : memref<10240x64xf32, #tpu.memory_space<vmem_shared>> -> memref<128x64xf32, #tpu.memory_space<vmem_shared>>
        %dma_start3A_103 = arith.constant 0 : i32
        %dma_start3A_104 = tpu.memref_slice %arg8[%add3A_85, %dma_start3A_103] : memref<10240x64xf32, #tpu.memory_space<vmem_shared>> -> memref<128x64xf32, #tpu.memory_space<vmem_shared>>
        tpu.enqueue_dma source(%arg9 : memref<128x64xf32, #tpu.memory_space<vmem>>) target(%dma_start3A_104 : memref<128x64xf32, #tpu.memory_space<vmem_shared>>) target_semaphore(%run_scoped3A : memref<!tpu.dma_semaphore, #tpu.memory_space<semaphore_mem>>)
        %dma_wait3A_105 = arith.constant 0 : i32
        %dma_wait3A_106 = tpu.memref_slice %arg8[%add3A_85, %dma_wait3A_105] : memref<10240x64xf32, #tpu.memory_space<vmem_shared>> -> memref<128x64xf32, #tpu.memory_space<vmem_shared>>
        %dma_wait3A_107 = arith.constant 0 : i32
        %dma_wait3A_108 = tpu.memref_slice %arg8[%add3A_85, %dma_wait3A_107] : memref<10240x64xf32, #tpu.memory_space<vmem_shared>> -> memref<128x64xf32, #tpu.memory_space<vmem_shared>>
        tpu.wait_dma2 semaphore(%run_scoped3A : memref<!tpu.dma_semaphore, #tpu.memory_space<semaphore_mem>>) src(%arg9 : memref<128x64xf32, #tpu.memory_space<vmem>>) dst(%dma_wait3A_108 : memref<128x64xf32, #tpu.memory_space<vmem_shared>>)
        tpu.yield
      }) : () -> ()
      %mul3A_86 = arith.constant 640 : i32
      %mul3A_87 = arith.muli %arg1, %mul3A_86 : i32
      %add3A_88 = arith.constant 128 : i32
      %add3A_89 = arith.addi %mul3A_87, %add3A_88 : i32
      "tpu.region"() ({
        %run_scoped3A = tpu.sem_alloc : memref<!tpu.dma_semaphore, #tpu.memory_space<semaphore_mem>>
        %dma_start3A = arith.constant 0 : i32
        %dma_start3A_102 = tpu.memref_slice %arg8[%add3A_89, %dma_start3A] : memref<10240x64xf32, #tpu.memory_space<vmem_shared>> -> memref<128x64xf32, #tpu.memory_space<vmem_shared>>
        %dma_start3A_103 = arith.constant 0 : i32
        %dma_start3A_104 = tpu.memref_slice %arg8[%add3A_89, %dma_start3A_103] : memref<10240x64xf32, #tpu.memory_space<vmem_shared>> -> memref<128x64xf32, #tpu.memory_space<vmem_shared>>
        tpu.enqueue_dma source(%arg9 : memref<128x64xf32, #tpu.memory_space<vmem>>) target(%dma_start3A_104 : memref<128x64xf32, #tpu.memory_space<vmem_shared>>) target_semaphore(%run_scoped3A : memref<!tpu.dma_semaphore, #tpu.memory_space<semaphore_mem>>)
        %dma_wait3A_105 = arith.constant 0 : i32
        %dma_wait3A_106 = tpu.memref_slice %arg8[%add3A_89, %dma_wait3A_105] : memref<10240x64xf32, #tpu.memory_space<vmem_shared>> -> memref<128x64xf32, #tpu.memory_space<vmem_shared>>
        %dma_wait3A_107 = arith.constant 0 : i32
        %dma_wait3A_108 = tpu.memref_slice %arg8[%add3A_89, %dma_wait3A_107] : memref<10240x64xf32, #tpu.memory_space<vmem_shared>> -> memref<128x64xf32, #tpu.memory_space<vmem_shared>>
        tpu.wait_dma2 semaphore(%run_scoped3A : memref<!tpu.dma_semaphore, #tpu.memory_space<semaphore_mem>>) src(%arg9 : memref<128x64xf32, #tpu.memory_space<vmem>>) dst(%dma_wait3A_108 : memref<128x64xf32, #tpu.memory_space<vmem_shared>>)
        tpu.yield
      }) : () -> ()
      %mul3A_90 = arith.constant 640 : i32
      %mul3A_91 = arith.muli %arg1, %mul3A_90 : i32
      %add3A_92 = arith.constant 256 : i32
      %add3A_93 = arith.addi %mul3A_91, %add3A_92 : i32
      "tpu.region"() ({
        %run_scoped3A = tpu.sem_alloc : memref<!tpu.dma_semaphore, #tpu.memory_space<semaphore_mem>>
        %dma_start3A = arith.constant 0 : i32
        %dma_start3A_102 = tpu.memref_slice %arg8[%add3A_93, %dma_start3A] : memref<10240x64xf32, #tpu.memory_space<vmem_shared>> -> memref<128x64xf32, #tpu.memory_space<vmem_shared>>
        %dma_start3A_103 = arith.constant 0 : i32
        %dma_start3A_104 = tpu.memref_slice %arg8[%add3A_93, %dma_start3A_103] : memref<10240x64xf32, #tpu.memory_space<vmem_shared>> -> memref<128x64xf32, #tpu.memory_space<vmem_shared>>
        tpu.enqueue_dma source(%arg9 : memref<128x64xf32, #tpu.memory_space<vmem>>) target(%dma_start3A_104 : memref<128x64xf32, #tpu.memory_space<vmem_shared>>) target_semaphore(%run_scoped3A : memref<!tpu.dma_semaphore, #tpu.memory_space<semaphore_mem>>)
        %dma_wait3A_105 = arith.constant 0 : i32
        %dma_wait3A_106 = tpu.memref_slice %arg8[%add3A_93, %dma_wait3A_105] : memref<10240x64xf32, #tpu.memory_space<vmem_shared>> -> memref<128x64xf32, #tpu.memory_space<vmem_shared>>
        %dma_wait3A_107 = arith.constant 0 : i32
        %dma_wait3A_108 = tpu.memref_slice %arg8[%add3A_93, %dma_wait3A_107] : memref<10240x64xf32, #tpu.memory_space<vmem_shared>> -> memref<128x64xf32, #tpu.memory_space<vmem_shared>>
        tpu.wait_dma2 semaphore(%run_scoped3A : memref<!tpu.dma_semaphore, #tpu.memory_space<semaphore_mem>>) src(%arg9 : memref<128x64xf32, #tpu.memory_space<vmem>>) dst(%dma_wait3A_108 : memref<128x64xf32, #tpu.memory_space<vmem_shared>>)
        tpu.yield
      }) : () -> ()
      %mul3A_94 = arith.constant 640 : i32
      %mul3A_95 = arith.muli %arg1, %mul3A_94 : i32
      %add3A_96 = arith.constant 384 : i32
      %add3A_97 = arith.addi %mul3A_95, %add3A_96 : i32
      "tpu.region"() ({
        %run_scoped3A = tpu.sem_alloc : memref<!tpu.dma_semaphore, #tpu.memory_space<semaphore_mem>>
        %dma_start3A = arith.constant 0 : i32
        %dma_start3A_102 = tpu.memref_slice %arg8[%add3A_97, %dma_start3A] : memref<10240x64xf32, #tpu.memory_space<vmem_shared>> -> memref<128x64xf32, #tpu.memory_space<vmem_shared>>
        %dma_start3A_103 = arith.constant 0 : i32
        %dma_start3A_104 = tpu.memref_slice %arg8[%add3A_97, %dma_start3A_103] : memref<10240x64xf32, #tpu.memory_space<vmem_shared>> -> memref<128x64xf32, #tpu.memory_space<vmem_shared>>
        tpu.enqueue_dma source(%arg9 : memref<128x64xf32, #tpu.memory_space<vmem>>) target(%dma_start3A_104 : memref<128x64xf32, #tpu.memory_space<vmem_shared>>) target_semaphore(%run_scoped3A : memref<!tpu.dma_semaphore, #tpu.memory_space<semaphore_mem>>)
        %dma_wait3A_105 = arith.constant 0 : i32
        %dma_wait3A_106 = tpu.memref_slice %arg8[%add3A_97, %dma_wait3A_105] : memref<10240x64xf32, #tpu.memory_space<vmem_shared>> -> memref<128x64xf32, #tpu.memory_space<vmem_shared>>
        %dma_wait3A_107 = arith.constant 0 : i32
        %dma_wait3A_108 = tpu.memref_slice %arg8[%add3A_97, %dma_wait3A_107] : memref<10240x64xf32, #tpu.memory_space<vmem_shared>> -> memref<128x64xf32, #tpu.memory_space<vmem_shared>>
        tpu.wait_dma2 semaphore(%run_scoped3A : memref<!tpu.dma_semaphore, #tpu.memory_space<semaphore_mem>>) src(%arg9 : memref<128x64xf32, #tpu.memory_space<vmem>>) dst(%dma_wait3A_108 : memref<128x64xf32, #tpu.memory_space<vmem_shared>>)
        tpu.yield
      }) : () -> ()
      %mul3A_98 = arith.constant 640 : i32
      %mul3A_99 = arith.muli %arg1, %mul3A_98 : i32
      %add3A_100 = arith.constant 512 : i32
      %add3A_101 = arith.addi %mul3A_99, %add3A_100 : i32
      "tpu.region"() ({
        %run_scoped3A = tpu.sem_alloc : memref<!tpu.dma_semaphore, #tpu.memory_space<semaphore_mem>>
        %dma_start3A = arith.constant 0 : i32
        %dma_start3A_102 = tpu.memref_slice %arg8[%add3A_101, %dma_start3A] : memref<10240x64xf32, #tpu.memory_space<vmem_shared>> -> memref<128x64xf32, #tpu.memory_space<vmem_shared>>
        %dma_start3A_103 = arith.constant 0 : i32
        %dma_start3A_104 = tpu.memref_slice %arg8[%add3A_101, %dma_start3A_103] : memref<10240x64xf32, #tpu.memory_space<vmem_shared>> -> memref<128x64xf32, #tpu.memory_space<vmem_shared>>
        tpu.enqueue_dma source(%arg9 : memref<128x64xf32, #tpu.memory_space<vmem>>) target(%dma_start3A_104 : memref<128x64xf32, #tpu.memory_space<vmem_shared>>) target_semaphore(%run_scoped3A : memref<!tpu.dma_semaphore, #tpu.memory_space<semaphore_mem>>)
        %dma_wait3A_105 = arith.constant 0 : i32
        %dma_wait3A_106 = tpu.memref_slice %arg8[%add3A_101, %dma_wait3A_105] : memref<10240x64xf32, #tpu.memory_space<vmem_shared>> -> memref<128x64xf32, #tpu.memory_space<vmem_shared>>
        %dma_wait3A_107 = arith.constant 0 : i32
        %dma_wait3A_108 = tpu.memref_slice %arg8[%add3A_101, %dma_wait3A_107] : memref<10240x64xf32, #tpu.memory_space<vmem_shared>> -> memref<128x64xf32, #tpu.memory_space<vmem_shared>>
        tpu.wait_dma2 semaphore(%run_scoped3A : memref<!tpu.dma_semaphore, #tpu.memory_space<semaphore_mem>>) src(%arg9 : memref<128x64xf32, #tpu.memory_space<vmem>>) dst(%dma_wait3A_108 : memref<128x64xf32, #tpu.memory_space<vmem_shared>>)
        tpu.yield
      }) : () -> ()
    } else {
    }
    %mul3A_7 = arith.constant 80 : i32
    %mul3A_8 = arith.muli %add3A, %mul3A_7 : i32
    "tpu.region"() ({
      %run_scoped3A = tpu.sem_alloc : memref<!tpu.dma_semaphore, #tpu.memory_space<semaphore_mem>>
      %dma_start3A = arith.constant 0 : i32
      %dma_start3A_76 = tpu.memref_slice %arg3[%mul3A_8, %dma_start3A] : memref<2560x128xi32, #tpu.memory_space<hbm>> -> memref<80x128xi32, #tpu.memory_space<hbm>>
      %dma_start3A_77 = arith.constant 0 : i32
      %dma_start3A_78 = tpu.memref_slice %arg3[%mul3A_8, %dma_start3A_77] : memref<2560x128xi32, #tpu.memory_space<hbm>> -> memref<80x128xi32, #tpu.memory_space<hbm>>
      tpu.enqueue_dma source(%dma_start3A_78 : memref<80x128xi32, #tpu.memory_space<hbm>>) target(%arg6 : memref<80x128xi32, #tpu.memory_space<vmem>>) target_semaphore(%run_scoped3A : memref<!tpu.dma_semaphore, #tpu.memory_space<semaphore_mem>>)
      %dma_wait3A_79 = arith.constant 0 : i32
      %dma_wait3A_80 = tpu.memref_slice %arg3[%mul3A_8, %dma_wait3A_79] : memref<2560x128xi32, #tpu.memory_space<hbm>> -> memref<80x128xi32, #tpu.memory_space<hbm>>
      %dma_wait3A_81 = arith.constant 0 : i32
      %dma_wait3A_82 = tpu.memref_slice %arg3[%mul3A_8, %dma_wait3A_81] : memref<2560x128xi32, #tpu.memory_space<hbm>> -> memref<80x128xi32, #tpu.memory_space<hbm>>
      tpu.wait_dma2 semaphore(%run_scoped3A : memref<!tpu.dma_semaphore, #tpu.memory_space<semaphore_mem>>) src(%dma_wait3A_82 : memref<80x128xi32, #tpu.memory_space<hbm>>) dst(%arg6 : memref<80x128xi32, #tpu.memory_space<vmem>>)
      tpu.yield
    }) : () -> ()
    %mul3A_9 = arith.constant 80 : i32
    %mul3A_10 = arith.muli %add3A, %mul3A_9 : i32
    "tpu.region"() ({
      %run_scoped3A = tpu.sem_alloc : memref<!tpu.dma_semaphore, #tpu.memory_space<semaphore_mem>>
      %dma_start3A = arith.constant 0 : i32
      %dma_start3A_76 = tpu.memref_slice %arg4[%mul3A_10, %dma_start3A] : memref<2560x128xi32, #tpu.memory_space<hbm>> -> memref<80x128xi32, #tpu.memory_space<hbm>>
      %dma_start3A_77 = arith.constant 0 : i32
      %dma_start3A_78 = tpu.memref_slice %arg4[%mul3A_10, %dma_start3A_77] : memref<2560x128xi32, #tpu.memory_space<hbm>> -> memref<80x128xi32, #tpu.memory_space<hbm>>
      tpu.enqueue_dma source(%dma_start3A_78 : memref<80x128xi32, #tpu.memory_space<hbm>>) target(%arg7 : memref<80x128xi32, #tpu.memory_space<vmem>>) target_semaphore(%run_scoped3A : memref<!tpu.dma_semaphore, #tpu.memory_space<semaphore_mem>>)
      %dma_wait3A_79 = arith.constant 0 : i32
      %dma_wait3A_80 = tpu.memref_slice %arg4[%mul3A_10, %dma_wait3A_79] : memref<2560x128xi32, #tpu.memory_space<hbm>> -> memref<80x128xi32, #tpu.memory_space<hbm>>
      %dma_wait3A_81 = arith.constant 0 : i32
      %dma_wait3A_82 = tpu.memref_slice %arg4[%mul3A_10, %dma_wait3A_81] : memref<2560x128xi32, #tpu.memory_space<hbm>> -> memref<80x128xi32, #tpu.memory_space<hbm>>
      tpu.wait_dma2 semaphore(%run_scoped3A : memref<!tpu.dma_semaphore, #tpu.memory_space<semaphore_mem>>) src(%dma_wait3A_82 : memref<80x128xi32, #tpu.memory_space<hbm>>) dst(%arg7 : memref<80x128xi32, #tpu.memory_space<vmem>>)
      tpu.yield
    }) : () -> ()
    %barrier3A = arith.constant 0 : index
    tpu.barrier barrier_id(%barrier3A)
    %scan3A = arith.constant 0 : i32
    %scan3A_11 = arith.constant 0 : i32
    %scan3A_12 = arith.constant 10 : i32
    %scan3A_13 = arith.addi %scan3A_11, %scan3A_12 : i32
    %scan3A_14 = arith.constant 1 : i32
    scf.for %scan3A_76 = %scan3A_11 to %scan3A_13 step %scan3A_14  : i32 {
      %mul3A_77 = arith.constant 8 : i32
      %mul3A_78 = arith.muli %scan3A_76, %mul3A_77 : i32
      %add3A_79 = arith.constant 0 : i32
      %add3A_80 = arith.addi %mul3A_78, %add3A_79 : i32
      %gt3A = arith.constant 0 : i32
      %gt3A_81 = arith.cmpi sgt, %scan3A_76, %gt3A : i32
      %convert_element_type3A_82 = arith.extui %gt3A_81 : i1 to i32
      %cond3A_83 = arith.constant 0 : i32
      %cond3A_84 = arith.cmpi ne, %convert_element_type3A_82, %cond3A_83 : i32
      scf.if %cond3A_84 {
        %dma_wait3A_323 = arith.constant 0 : i32
        %dma_wait3A_324 = arith.constant 0 : i32
        %dma_wait3A_325 = tpu.memref_slice %arg7[%dma_wait3A_323, %dma_wait3A_324] : memref<80x128xi32, #tpu.memory_space<vmem>> -> memref<1x128xi32, #tpu.memory_space<vmem>>
        %dma_wait3A_326 = tpu.memref_squeeze %dma_wait3A_325 : memref<1x128xi32, #tpu.memory_space<vmem>> -> memref<128xi32, #tpu.memory_space<vmem>>
        %dma_wait3A_327 = arith.constant 0 : i32
        %dma_wait3A_328 = arith.constant 0 : i32
        %dma_wait3A_329 = tpu.memref_slice %arg8[%dma_wait3A_327, %dma_wait3A_328] : memref<10240x64xf32, #tpu.memory_space<vmem_shared>> -> memref<10240x64xf32, #tpu.memory_space<vmem_shared>>
        tpu.wait_indirect_dma semaphore(%arg25 : memref<!tpu.dma_semaphore, #tpu.memory_space<semaphore_mem>>) src(%arg9 : memref<128x64xf32, #tpu.memory_space<vmem>>) dst(%dma_wait3A_329 : memref<10240x64xf32, #tpu.memory_space<vmem_shared>>)
      } else {
      }
      %dma_start3A = arith.constant 0 : i32
      %dma_start3A_85 = tpu.memref_slice %arg6[%add3A_80, %dma_start3A] : memref<80x128xi32, #tpu.memory_space<vmem>> -> memref<1x128xi32, #tpu.memory_space<vmem>>
      %dma_start3A_86 = tpu.memref_squeeze %dma_start3A_85 : memref<1x128xi32, #tpu.memory_space<vmem>> -> memref<128xi32, #tpu.memory_space<vmem>>
      %dma_start3A_87 = arith.constant 0 : i32
      %dma_start3A_88 = arith.constant 0 : i32
      %dma_start3A_89 = tpu.memref_slice %arg2[%dma_start3A_87, %dma_start3A_88] : memref<10240x64xf32, #tpu.memory_space<hbm>> -> memref<10240x64xf32, #tpu.memory_space<hbm>>
      tpu.enqueue_indirect_dma source(%dma_start3A_89 : memref<10240x64xf32, #tpu.memory_space<hbm>>) target(%arg9 : memref<128x64xf32, #tpu.memory_space<vmem>>) offsets(%dma_start3A_86 : memref<128xi32, #tpu.memory_space<vmem>>) semaphore(%arg17 : memref<!tpu.dma_semaphore, #tpu.memory_space<semaphore_mem>>)
      %mul3A_90 = arith.constant 8 : i32
      %mul3A_91 = arith.muli %scan3A_76, %mul3A_90 : i32
      %add3A_92 = arith.constant 1 : i32
      %add3A_93 = arith.addi %mul3A_91, %add3A_92 : i32
      %gt3A_94 = arith.constant 0 : i32
      %gt3A_95 = arith.cmpi sgt, %scan3A_76, %gt3A_94 : i32
      %convert_element_type3A_96 = arith.extui %gt3A_95 : i1 to i32
      %cond3A_97 = arith.constant 0 : i32
      %cond3A_98 = arith.cmpi ne, %convert_element_type3A_96, %cond3A_97 : i32
      scf.if %cond3A_98 {
        %dma_wait3A_323 = arith.constant 0 : i32
        %dma_wait3A_324 = arith.constant 0 : i32
        %dma_wait3A_325 = tpu.memref_slice %arg7[%dma_wait3A_323, %dma_wait3A_324] : memref<80x128xi32, #tpu.memory_space<vmem>> -> memref<1x128xi32, #tpu.memory_space<vmem>>
        %dma_wait3A_326 = tpu.memref_squeeze %dma_wait3A_325 : memref<1x128xi32, #tpu.memory_space<vmem>> -> memref<128xi32, #tpu.memory_space<vmem>>
        %dma_wait3A_327 = arith.constant 0 : i32
        %dma_wait3A_328 = arith.constant 0 : i32
        %dma_wait3A_329 = tpu.memref_slice %arg8[%dma_wait3A_327, %dma_wait3A_328] : memref<10240x64xf32, #tpu.memory_space<vmem_shared>> -> memref<10240x64xf32, #tpu.memory_space<vmem_shared>>
        tpu.wait_indirect_dma semaphore(%arg26 : memref<!tpu.dma_semaphore, #tpu.memory_space<semaphore_mem>>) src(%arg10 : memref<128x64xf32, #tpu.memory_space<vmem>>) dst(%dma_wait3A_329 : memref<10240x64xf32, #tpu.memory_space<vmem_shared>>)
      } else {
      }
      %dma_start3A_99 = arith.constant 0 : i32
      %dma_start3A_100 = tpu.memref_slice %arg6[%add3A_93, %dma_start3A_99] : memref<80x128xi32, #tpu.memory_space<vmem>> -> memref<1x128xi32, #tpu.memory_space<vmem>>
      %dma_start3A_101 = tpu.memref_squeeze %dma_start3A_100 : memref<1x128xi32, #tpu.memory_space<vmem>> -> memref<128xi32, #tpu.memory_space<vmem>>
      %dma_start3A_102 = arith.constant 0 : i32
      %dma_start3A_103 = arith.constant 0 : i32
      %dma_start3A_104 = tpu.memref_slice %arg2[%dma_start3A_102, %dma_start3A_103] : memref<10240x64xf32, #tpu.memory_space<hbm>> -> memref<10240x64xf32, #tpu.memory_space<hbm>>
      tpu.enqueue_indirect_dma source(%dma_start3A_104 : memref<10240x64xf32, #tpu.memory_space<hbm>>) target(%arg10 : memref<128x64xf32, #tpu.memory_space<vmem>>) offsets(%dma_start3A_101 : memref<128xi32, #tpu.memory_space<vmem>>) semaphore(%arg18 : memref<!tpu.dma_semaphore, #tpu.memory_space<semaphore_mem>>)
      %mul3A_105 = arith.constant 8 : i32
      %mul3A_106 = arith.muli %scan3A_76, %mul3A_105 : i32
      %add3A_107 = arith.constant 2 : i32
      %add3A_108 = arith.addi %mul3A_106, %add3A_107 : i32
      %gt3A_109 = arith.constant 0 : i32
      %gt3A_110 = arith.cmpi sgt, %scan3A_76, %gt3A_109 : i32
      %convert_element_type3A_111 = arith.extui %gt3A_110 : i1 to i32
      %cond3A_112 = arith.constant 0 : i32
      %cond3A_113 = arith.cmpi ne, %convert_element_type3A_111, %cond3A_112 : i32
      scf.if %cond3A_113 {
        %dma_wait3A_323 = arith.constant 0 : i32
        %dma_wait3A_324 = arith.constant 0 : i32
        %dma_wait3A_325 = tpu.memref_slice %arg7[%dma_wait3A_323, %dma_wait3A_324] : memref<80x128xi32, #tpu.memory_space<vmem>> -> memref<1x128xi32, #tpu.memory_space<vmem>>
        %dma_wait3A_326 = tpu.memref_squeeze %dma_wait3A_325 : memref<1x128xi32, #tpu.memory_space<vmem>> -> memref<128xi32, #tpu.memory_space<vmem>>
        %dma_wait3A_327 = arith.constant 0 : i32
        %dma_wait3A_328 = arith.constant 0 : i32
        %dma_wait3A_329 = tpu.memref_slice %arg8[%dma_wait3A_327, %dma_wait3A_328] : memref<10240x64xf32, #tpu.memory_space<vmem_shared>> -> memref<10240x64xf32, #tpu.memory_space<vmem_shared>>
        tpu.wait_indirect_dma semaphore(%arg27 : memref<!tpu.dma_semaphore, #tpu.memory_space<semaphore_mem>>) src(%arg11 : memref<128x64xf32, #tpu.memory_space<vmem>>) dst(%dma_wait3A_329 : memref<10240x64xf32, #tpu.memory_space<vmem_shared>>)
      } else {
      }
      %dma_start3A_114 = arith.constant 0 : i32
      %dma_start3A_115 = tpu.memref_slice %arg6[%add3A_108, %dma_start3A_114] : memref<80x128xi32, #tpu.memory_space<vmem>> -> memref<1x128xi32, #tpu.memory_space<vmem>>
      %dma_start3A_116 = tpu.memref_squeeze %dma_start3A_115 : memref<1x128xi32, #tpu.memory_space<vmem>> -> memref<128xi32, #tpu.memory_space<vmem>>
      %dma_start3A_117 = arith.constant 0 : i32
      %dma_start3A_118 = arith.constant 0 : i32
      %dma_start3A_119 = tpu.memref_slice %arg2[%dma_start3A_117, %dma_start3A_118] : memref<10240x64xf32, #tpu.memory_space<hbm>> -> memref<10240x64xf32, #tpu.memory_space<hbm>>
      tpu.enqueue_indirect_dma source(%dma_start3A_119 : memref<10240x64xf32, #tpu.memory_space<hbm>>) target(%arg11 : memref<128x64xf32, #tpu.memory_space<vmem>>) offsets(%dma_start3A_116 : memref<128xi32, #tpu.memory_space<vmem>>) semaphore(%arg19 : memref<!tpu.dma_semaphore, #tpu.memory_space<semaphore_mem>>)
      %mul3A_120 = arith.constant 8 : i32
      %mul3A_121 = arith.muli %scan3A_76, %mul3A_120 : i32
      %add3A_122 = arith.constant 3 : i32
      %add3A_123 = arith.addi %mul3A_121, %add3A_122 : i32
      %gt3A_124 = arith.constant 0 : i32
      %gt3A_125 = arith.cmpi sgt, %scan3A_76, %gt3A_124 : i32
      %convert_element_type3A_126 = arith.extui %gt3A_125 : i1 to i32
      %cond3A_127 = arith.constant 0 : i32
      %cond3A_128 = arith.cmpi ne, %convert_element_type3A_126, %cond3A_127 : i32
      scf.if %cond3A_128 {
        %dma_wait3A_323 = arith.constant 0 : i32
        %dma_wait3A_324 = arith.constant 0 : i32
        %dma_wait3A_325 = tpu.memref_slice %arg7[%dma_wait3A_323, %dma_wait3A_324] : memref<80x128xi32, #tpu.memory_space<vmem>> -> memref<1x128xi32, #tpu.memory_space<vmem>>
        %dma_wait3A_326 = tpu.memref_squeeze %dma_wait3A_325 : memref<1x128xi32, #tpu.memory_space<vmem>> -> memref<128xi32, #tpu.memory_space<vmem>>
        %dma_wait3A_327 = arith.constant 0 : i32
        %dma_wait3A_328 = arith.constant 0 : i32
        %dma_wait3A_329 = tpu.memref_slice %arg8[%dma_wait3A_327, %dma_wait3A_328] : memref<10240x64xf32, #tpu.memory_space<vmem_shared>> -> memref<10240x64xf32, #tpu.memory_space<vmem_shared>>
        tpu.wait_indirect_dma semaphore(%arg28 : memref<!tpu.dma_semaphore, #tpu.memory_space<semaphore_mem>>) src(%arg12 : memref<128x64xf32, #tpu.memory_space<vmem>>) dst(%dma_wait3A_329 : memref<10240x64xf32, #tpu.memory_space<vmem_shared>>)
      } else {
      }
      %dma_start3A_129 = arith.constant 0 : i32
      %dma_start3A_130 = tpu.memref_slice %arg6[%add3A_123, %dma_start3A_129] : memref<80x128xi32, #tpu.memory_space<vmem>> -> memref<1x128xi32, #tpu.memory_space<vmem>>
      %dma_start3A_131 = tpu.memref_squeeze %dma_start3A_130 : memref<1x128xi32, #tpu.memory_space<vmem>> -> memref<128xi32, #tpu.memory_space<vmem>>
      %dma_start3A_132 = arith.constant 0 : i32
      %dma_start3A_133 = arith.constant 0 : i32
      %dma_start3A_134 = tpu.memref_slice %arg2[%dma_start3A_132, %dma_start3A_133] : memref<10240x64xf32, #tpu.memory_space<hbm>> -> memref<10240x64xf32, #tpu.memory_space<hbm>>
      tpu.enqueue_indirect_dma source(%dma_start3A_134 : memref<10240x64xf32, #tpu.memory_space<hbm>>) target(%arg12 : memref<128x64xf32, #tpu.memory_space<vmem>>) offsets(%dma_start3A_131 : memref<128xi32, #tpu.memory_space<vmem>>) semaphore(%arg20 : memref<!tpu.dma_semaphore, #tpu.memory_space<semaphore_mem>>)
      %mul3A_135 = arith.constant 8 : i32
      %mul3A_136 = arith.muli %scan3A_76, %mul3A_135 : i32
      %add3A_137 = arith.constant 4 : i32
      %add3A_138 = arith.addi %mul3A_136, %add3A_137 : i32
      %gt3A_139 = arith.constant 0 : i32
      %gt3A_140 = arith.cmpi sgt, %scan3A_76, %gt3A_139 : i32
      %convert_element_type3A_141 = arith.extui %gt3A_140 : i1 to i32
      %cond3A_142 = arith.constant 0 : i32
      %cond3A_143 = arith.cmpi ne, %convert_element_type3A_141, %cond3A_142 : i32
      scf.if %cond3A_143 {
        %dma_wait3A_323 = arith.constant 0 : i32
        %dma_wait3A_324 = arith.constant 0 : i32
        %dma_wait3A_325 = tpu.memref_slice %arg7[%dma_wait3A_323, %dma_wait3A_324] : memref<80x128xi32, #tpu.memory_space<vmem>> -> memref<1x128xi32, #tpu.memory_space<vmem>>
        %dma_wait3A_326 = tpu.memref_squeeze %dma_wait3A_325 : memref<1x128xi32, #tpu.memory_space<vmem>> -> memref<128xi32, #tpu.memory_space<vmem>>
        %dma_wait3A_327 = arith.constant 0 : i32
        %dma_wait3A_328 = arith.constant 0 : i32
        %dma_wait3A_329 = tpu.memref_slice %arg8[%dma_wait3A_327, %dma_wait3A_328] : memref<10240x64xf32, #tpu.memory_space<vmem_shared>> -> memref<10240x64xf32, #tpu.memory_space<vmem_shared>>
        tpu.wait_indirect_dma semaphore(%arg29 : memref<!tpu.dma_semaphore, #tpu.memory_space<semaphore_mem>>) src(%arg13 : memref<128x64xf32, #tpu.memory_space<vmem>>) dst(%dma_wait3A_329 : memref<10240x64xf32, #tpu.memory_space<vmem_shared>>)
      } else {
      }
      %dma_start3A_144 = arith.constant 0 : i32
      %dma_start3A_145 = tpu.memref_slice %arg6[%add3A_138, %dma_start3A_144] : memref<80x128xi32, #tpu.memory_space<vmem>> -> memref<1x128xi32, #tpu.memory_space<vmem>>
      %dma_start3A_146 = tpu.memref_squeeze %dma_start3A_145 : memref<1x128xi32, #tpu.memory_space<vmem>> -> memref<128xi32, #tpu.memory_space<vmem>>
      %dma_start3A_147 = arith.constant 0 : i32
      %dma_start3A_148 = arith.constant 0 : i32
      %dma_start3A_149 = tpu.memref_slice %arg2[%dma_start3A_147, %dma_start3A_148] : memref<10240x64xf32, #tpu.memory_space<hbm>> -> memref<10240x64xf32, #tpu.memory_space<hbm>>
      tpu.enqueue_indirect_dma source(%dma_start3A_149 : memref<10240x64xf32, #tpu.memory_space<hbm>>) target(%arg13 : memref<128x64xf32, #tpu.memory_space<vmem>>) offsets(%dma_start3A_146 : memref<128xi32, #tpu.memory_space<vmem>>) semaphore(%arg21 : memref<!tpu.dma_semaphore, #tpu.memory_space<semaphore_mem>>)
      %mul3A_150 = arith.constant 8 : i32
      %mul3A_151 = arith.muli %scan3A_76, %mul3A_150 : i32
      %add3A_152 = arith.constant 5 : i32
      %add3A_153 = arith.addi %mul3A_151, %add3A_152 : i32
      %gt3A_154 = arith.constant 0 : i32
      %gt3A_155 = arith.cmpi sgt, %scan3A_76, %gt3A_154 : i32
      %convert_element_type3A_156 = arith.extui %gt3A_155 : i1 to i32
      %cond3A_157 = arith.constant 0 : i32
      %cond3A_158 = arith.cmpi ne, %convert_element_type3A_156, %cond3A_157 : i32
      scf.if %cond3A_158 {
        %dma_wait3A_323 = arith.constant 0 : i32
        %dma_wait3A_324 = arith.constant 0 : i32
        %dma_wait3A_325 = tpu.memref_slice %arg7[%dma_wait3A_323, %dma_wait3A_324] : memref<80x128xi32, #tpu.memory_space<vmem>> -> memref<1x128xi32, #tpu.memory_space<vmem>>
        %dma_wait3A_326 = tpu.memref_squeeze %dma_wait3A_325 : memref<1x128xi32, #tpu.memory_space<vmem>> -> memref<128xi32, #tpu.memory_space<vmem>>
        %dma_wait3A_327 = arith.constant 0 : i32
        %dma_wait3A_328 = arith.constant 0 : i32
        %dma_wait3A_329 = tpu.memref_slice %arg8[%dma_wait3A_327, %dma_wait3A_328] : memref<10240x64xf32, #tpu.memory_space<vmem_shared>> -> memref<10240x64xf32, #tpu.memory_space<vmem_shared>>
        tpu.wait_indirect_dma semaphore(%arg30 : memref<!tpu.dma_semaphore, #tpu.memory_space<semaphore_mem>>) src(%arg14 : memref<128x64xf32, #tpu.memory_space<vmem>>) dst(%dma_wait3A_329 : memref<10240x64xf32, #tpu.memory_space<vmem_shared>>)
      } else {
      }
      %dma_start3A_159 = arith.constant 0 : i32
      %dma_start3A_160 = tpu.memref_slice %arg6[%add3A_153, %dma_start3A_159] : memref<80x128xi32, #tpu.memory_space<vmem>> -> memref<1x128xi32, #tpu.memory_space<vmem>>
      %dma_start3A_161 = tpu.memref_squeeze %dma_start3A_160 : memref<1x128xi32, #tpu.memory_space<vmem>> -> memref<128xi32, #tpu.memory_space<vmem>>
      %dma_start3A_162 = arith.constant 0 : i32
      %dma_start3A_163 = arith.constant 0 : i32
      %dma_start3A_164 = tpu.memref_slice %arg2[%dma_start3A_162, %dma_start3A_163] : memref<10240x64xf32, #tpu.memory_space<hbm>> -> memref<10240x64xf32, #tpu.memory_space<hbm>>
      tpu.enqueue_indirect_dma source(%dma_start3A_164 : memref<10240x64xf32, #tpu.memory_space<hbm>>) target(%arg14 : memref<128x64xf32, #tpu.memory_space<vmem>>) offsets(%dma_start3A_161 : memref<128xi32, #tpu.memory_space<vmem>>) semaphore(%arg22 : memref<!tpu.dma_semaphore, #tpu.memory_space<semaphore_mem>>)
      %mul3A_165 = arith.constant 8 : i32
      %mul3A_166 = arith.muli %scan3A_76, %mul3A_165 : i32
      %add3A_167 = arith.constant 6 : i32
      %add3A_168 = arith.addi %mul3A_166, %add3A_167 : i32
      %gt3A_169 = arith.constant 0 : i32
      %gt3A_170 = arith.cmpi sgt, %scan3A_76, %gt3A_169 : i32
      %convert_element_type3A_171 = arith.extui %gt3A_170 : i1 to i32
      %cond3A_172 = arith.constant 0 : i32
      %cond3A_173 = arith.cmpi ne, %convert_element_type3A_171, %cond3A_172 : i32
      scf.if %cond3A_173 {
        %dma_wait3A_323 = arith.constant 0 : i32
        %dma_wait3A_324 = arith.constant 0 : i32
        %dma_wait3A_325 = tpu.memref_slice %arg7[%dma_wait3A_323, %dma_wait3A_324] : memref<80x128xi32, #tpu.memory_space<vmem>> -> memref<1x128xi32, #tpu.memory_space<vmem>>
        %dma_wait3A_326 = tpu.memref_squeeze %dma_wait3A_325 : memref<1x128xi32, #tpu.memory_space<vmem>> -> memref<128xi32, #tpu.memory_space<vmem>>
        %dma_wait3A_327 = arith.constant 0 : i32
        %dma_wait3A_328 = arith.constant 0 : i32
        %dma_wait3A_329 = tpu.memref_slice %arg8[%dma_wait3A_327, %dma_wait3A_328] : memref<10240x64xf32, #tpu.memory_space<vmem_shared>> -> memref<10240x64xf32, #tpu.memory_space<vmem_shared>>
        tpu.wait_indirect_dma semaphore(%arg31 : memref<!tpu.dma_semaphore, #tpu.memory_space<semaphore_mem>>) src(%arg15 : memref<128x64xf32, #tpu.memory_space<vmem>>) dst(%dma_wait3A_329 : memref<10240x64xf32, #tpu.memory_space<vmem_shared>>)
      } else {
      }
      %dma_start3A_174 = arith.constant 0 : i32
      %dma_start3A_175 = tpu.memref_slice %arg6[%add3A_168, %dma_start3A_174] : memref<80x128xi32, #tpu.memory_space<vmem>> -> memref<1x128xi32, #tpu.memory_space<vmem>>
      %dma_start3A_176 = tpu.memref_squeeze %dma_start3A_175 : memref<1x128xi32, #tpu.memory_space<vmem>> -> memref<128xi32, #tpu.memory_space<vmem>>
      %dma_start3A_177 = arith.constant 0 : i32
      %dma_start3A_178 = arith.constant 0 : i32
      %dma_start3A_179 = tpu.memref_slice %arg2[%dma_start3A_177, %dma_start3A_178] : memref<10240x64xf32, #tpu.memory_space<hbm>> -> memref<10240x64xf32, #tpu.memory_space<hbm>>
      tpu.enqueue_indirect_dma source(%dma_start3A_179 : memref<10240x64xf32, #tpu.memory_space<hbm>>) target(%arg15 : memref<128x64xf32, #tpu.memory_space<vmem>>) offsets(%dma_start3A_176 : memref<128xi32, #tpu.memory_space<vmem>>) semaphore(%arg23 : memref<!tpu.dma_semaphore, #tpu.memory_space<semaphore_mem>>)
      %mul3A_180 = arith.constant 8 : i32
      %mul3A_181 = arith.muli %scan3A_76, %mul3A_180 : i32
      %add3A_182 = arith.constant 7 : i32
      %add3A_183 = arith.addi %mul3A_181, %add3A_182 : i32
      %gt3A_184 = arith.constant 0 : i32
      %gt3A_185 = arith.cmpi sgt, %scan3A_76, %gt3A_184 : i32
      %convert_element_type3A_186 = arith.extui %gt3A_185 : i1 to i32
      %cond3A_187 = arith.constant 0 : i32
      %cond3A_188 = arith.cmpi ne, %convert_element_type3A_186, %cond3A_187 : i32
      scf.if %cond3A_188 {
        %dma_wait3A_323 = arith.constant 0 : i32
        %dma_wait3A_324 = arith.constant 0 : i32
        %dma_wait3A_325 = tpu.memref_slice %arg7[%dma_wait3A_323, %dma_wait3A_324] : memref<80x128xi32, #tpu.memory_space<vmem>> -> memref<1x128xi32, #tpu.memory_space<vmem>>
        %dma_wait3A_326 = tpu.memref_squeeze %dma_wait3A_325 : memref<1x128xi32, #tpu.memory_space<vmem>> -> memref<128xi32, #tpu.memory_space<vmem>>
        %dma_wait3A_327 = arith.constant 0 : i32
        %dma_wait3A_328 = arith.constant 0 : i32
        %dma_wait3A_329 = tpu.memref_slice %arg8[%dma_wait3A_327, %dma_wait3A_328] : memref<10240x64xf32, #tpu.memory_space<vmem_shared>> -> memref<10240x64xf32, #tpu.memory_space<vmem_shared>>
        tpu.wait_indirect_dma semaphore(%arg32 : memref<!tpu.dma_semaphore, #tpu.memory_space<semaphore_mem>>) src(%arg16 : memref<128x64xf32, #tpu.memory_space<vmem>>) dst(%dma_wait3A_329 : memref<10240x64xf32, #tpu.memory_space<vmem_shared>>)
      } else {
      }
      %dma_start3A_189 = arith.constant 0 : i32
      %dma_start3A_190 = tpu.memref_slice %arg6[%add3A_183, %dma_start3A_189] : memref<80x128xi32, #tpu.memory_space<vmem>> -> memref<1x128xi32, #tpu.memory_space<vmem>>
      %dma_start3A_191 = tpu.memref_squeeze %dma_start3A_190 : memref<1x128xi32, #tpu.memory_space<vmem>> -> memref<128xi32, #tpu.memory_space<vmem>>
      %dma_start3A_192 = arith.constant 0 : i32
      %dma_start3A_193 = arith.constant 0 : i32
      %dma_start3A_194 = tpu.memref_slice %arg2[%dma_start3A_192, %dma_start3A_193] : memref<10240x64xf32, #tpu.memory_space<hbm>> -> memref<10240x64xf32, #tpu.memory_space<hbm>>
      tpu.enqueue_indirect_dma source(%dma_start3A_194 : memref<10240x64xf32, #tpu.memory_space<hbm>>) target(%arg16 : memref<128x64xf32, #tpu.memory_space<vmem>>) offsets(%dma_start3A_191 : memref<128xi32, #tpu.memory_space<vmem>>) semaphore(%arg24 : memref<!tpu.dma_semaphore, #tpu.memory_space<semaphore_mem>>)
      %mul3A_195 = arith.constant 8 : i32
      %mul3A_196 = arith.muli %scan3A_76, %mul3A_195 : i32
      %add3A_197 = arith.constant 0 : i32
      %add3A_198 = arith.addi %mul3A_196, %add3A_197 : i32
      %dma_wait3A_199 = arith.constant 0 : i32
      %dma_wait3A_200 = tpu.memref_slice %arg6[%add3A_80, %dma_wait3A_199] : memref<80x128xi32, #tpu.memory_space<vmem>> -> memref<1x128xi32, #tpu.memory_space<vmem>>
      %dma_wait3A_201 = tpu.memref_squeeze %dma_wait3A_200 : memref<1x128xi32, #tpu.memory_space<vmem>> -> memref<128xi32, #tpu.memory_space<vmem>>
      %dma_wait3A_202 = arith.constant 0 : i32
      %dma_wait3A_203 = arith.constant 0 : i32
      %dma_wait3A_204 = tpu.memref_slice %arg2[%dma_wait3A_202, %dma_wait3A_203] : memref<10240x64xf32, #tpu.memory_space<hbm>> -> memref<10240x64xf32, #tpu.memory_space<hbm>>
      tpu.wait_indirect_dma semaphore(%arg17 : memref<!tpu.dma_semaphore, #tpu.memory_space<semaphore_mem>>) src(%dma_wait3A_204 : memref<10240x64xf32, #tpu.memory_space<hbm>>) dst(%arg9 : memref<128x64xf32, #tpu.memory_space<vmem>>)
      %dma_start3A_205 = arith.constant 0 : i32
      %dma_start3A_206 = tpu.memref_slice %arg7[%add3A_198, %dma_start3A_205] : memref<80x128xi32, #tpu.memory_space<vmem>> -> memref<1x128xi32, #tpu.memory_space<vmem>>
      %dma_start3A_207 = tpu.memref_squeeze %dma_start3A_206 : memref<1x128xi32, #tpu.memory_space<vmem>> -> memref<128xi32, #tpu.memory_space<vmem>>
      %dma_start3A_208 = arith.constant 0 : i32
      %dma_start3A_209 = arith.constant 0 : i32
      %dma_start3A_210 = tpu.memref_slice %arg8[%dma_start3A_208, %dma_start3A_209] : memref<10240x64xf32, #tpu.memory_space<vmem_shared>> -> memref<10240x64xf32, #tpu.memory_space<vmem_shared>>
      tpu.enqueue_indirect_dma source(%arg9 : memref<128x64xf32, #tpu.memory_space<vmem>>) target(%dma_start3A_210 : memref<10240x64xf32, #tpu.memory_space<vmem_shared>>) offsets(%dma_start3A_207 : memref<128xi32, #tpu.memory_space<vmem>>) semaphore(%arg25 : memref<!tpu.dma_semaphore, #tpu.memory_space<semaphore_mem>>) {add = true}
      %mul3A_211 = arith.constant 8 : i32
      %mul3A_212 = arith.muli %scan3A_76, %mul3A_211 : i32
      %add3A_213 = arith.constant 1 : i32
      %add3A_214 = arith.addi %mul3A_212, %add3A_213 : i32
      %dma_wait3A_215 = arith.constant 0 : i32
      %dma_wait3A_216 = tpu.memref_slice %arg6[%add3A_93, %dma_wait3A_215] : memref<80x128xi32, #tpu.memory_space<vmem>> -> memref<1x128xi32, #tpu.memory_space<vmem>>
      %dma_wait3A_217 = tpu.memref_squeeze %dma_wait3A_216 : memref<1x128xi32, #tpu.memory_space<vmem>> -> memref<128xi32, #tpu.memory_space<vmem>>
      %dma_wait3A_218 = arith.constant 0 : i32
      %dma_wait3A_219 = arith.constant 0 : i32
      %dma_wait3A_220 = tpu.memref_slice %arg2[%dma_wait3A_218, %dma_wait3A_219] : memref<10240x64xf32, #tpu.memory_space<hbm>> -> memref<10240x64xf32, #tpu.memory_space<hbm>>
      tpu.wait_indirect_dma semaphore(%arg18 : memref<!tpu.dma_semaphore, #tpu.memory_space<semaphore_mem>>) src(%dma_wait3A_220 : memref<10240x64xf32, #tpu.memory_space<hbm>>) dst(%arg10 : memref<128x64xf32, #tpu.memory_space<vmem>>)
      %dma_start3A_221 = arith.constant 0 : i32
      %dma_start3A_222 = tpu.memref_slice %arg7[%add3A_214, %dma_start3A_221] : memref<80x128xi32, #tpu.memory_space<vmem>> -> memref<1x128xi32, #tpu.memory_space<vmem>>
      %dma_start3A_223 = tpu.memref_squeeze %dma_start3A_222 : memref<1x128xi32, #tpu.memory_space<vmem>> -> memref<128xi32, #tpu.memory_space<vmem>>
      %dma_start3A_224 = arith.constant 0 : i32
      %dma_start3A_225 = arith.constant 0 : i32
      %dma_start3A_226 = tpu.memref_slice %arg8[%dma_start3A_224, %dma_start3A_225] : memref<10240x64xf32, #tpu.memory_space<vmem_shared>> -> memref<10240x64xf32, #tpu.memory_space<vmem_shared>>
      tpu.enqueue_indirect_dma source(%arg10 : memref<128x64xf32, #tpu.memory_space<vmem>>) target(%dma_start3A_226 : memref<10240x64xf32, #tpu.memory_space<vmem_shared>>) offsets(%dma_start3A_223 : memref<128xi32, #tpu.memory_space<vmem>>) semaphore(%arg26 : memref<!tpu.dma_semaphore, #tpu.memory_space<semaphore_mem>>) {add = true}
      %mul3A_227 = arith.constant 8 : i32
      %mul3A_228 = arith.muli %scan3A_76, %mul3A_227 : i32
      %add3A_229 = arith.constant 2 : i32
      %add3A_230 = arith.addi %mul3A_228, %add3A_229 : i32
      %dma_wait3A_231 = arith.constant 0 : i32
      %dma_wait3A_232 = tpu.memref_slice %arg6[%add3A_108, %dma_wait3A_231] : memref<80x128xi32, #tpu.memory_space<vmem>> -> memref<1x128xi32, #tpu.memory_space<vmem>>
      %dma_wait3A_233 = tpu.memref_squeeze %dma_wait3A_232 : memref<1x128xi32, #tpu.memory_space<vmem>> -> memref<128xi32, #tpu.memory_space<vmem>>
      %dma_wait3A_234 = arith.constant 0 : i32
      %dma_wait3A_235 = arith.constant 0 : i32
      %dma_wait3A_236 = tpu.memref_slice %arg2[%dma_wait3A_234, %dma_wait3A_235] : memref<10240x64xf32, #tpu.memory_space<hbm>> -> memref<10240x64xf32, #tpu.memory_space<hbm>>
      tpu.wait_indirect_dma semaphore(%arg19 : memref<!tpu.dma_semaphore, #tpu.memory_space<semaphore_mem>>) src(%dma_wait3A_236 : memref<10240x64xf32, #tpu.memory_space<hbm>>) dst(%arg11 : memref<128x64xf32, #tpu.memory_space<vmem>>)
      %dma_start3A_237 = arith.constant 0 : i32
      %dma_start3A_238 = tpu.memref_slice %arg7[%add3A_230, %dma_start3A_237] : memref<80x128xi32, #tpu.memory_space<vmem>> -> memref<1x128xi32, #tpu.memory_space<vmem>>
      %dma_start3A_239 = tpu.memref_squeeze %dma_start3A_238 : memref<1x128xi32, #tpu.memory_space<vmem>> -> memref<128xi32, #tpu.memory_space<vmem>>
      %dma_start3A_240 = arith.constant 0 : i32
      %dma_start3A_241 = arith.constant 0 : i32
      %dma_start3A_242 = tpu.memref_slice %arg8[%dma_start3A_240, %dma_start3A_241] : memref<10240x64xf32, #tpu.memory_space<vmem_shared>> -> memref<10240x64xf32, #tpu.memory_space<vmem_shared>>
      tpu.enqueue_indirect_dma source(%arg11 : memref<128x64xf32, #tpu.memory_space<vmem>>) target(%dma_start3A_242 : memref<10240x64xf32, #tpu.memory_space<vmem_shared>>) offsets(%dma_start3A_239 : memref<128xi32, #tpu.memory_space<vmem>>) semaphore(%arg27 : memref<!tpu.dma_semaphore, #tpu.memory_space<semaphore_mem>>) {add = true}
      %mul3A_243 = arith.constant 8 : i32
      %mul3A_244 = arith.muli %scan3A_76, %mul3A_243 : i32
      %add3A_245 = arith.constant 3 : i32
      %add3A_246 = arith.addi %mul3A_244, %add3A_245 : i32
      %dma_wait3A_247 = arith.constant 0 : i32
      %dma_wait3A_248 = tpu.memref_slice %arg6[%add3A_123, %dma_wait3A_247] : memref<80x128xi32, #tpu.memory_space<vmem>> -> memref<1x128xi32, #tpu.memory_space<vmem>>
      %dma_wait3A_249 = tpu.memref_squeeze %dma_wait3A_248 : memref<1x128xi32, #tpu.memory_space<vmem>> -> memref<128xi32, #tpu.memory_space<vmem>>
      %dma_wait3A_250 = arith.constant 0 : i32
      %dma_wait3A_251 = arith.constant 0 : i32
      %dma_wait3A_252 = tpu.memref_slice %arg2[%dma_wait3A_250, %dma_wait3A_251] : memref<10240x64xf32, #tpu.memory_space<hbm>> -> memref<10240x64xf32, #tpu.memory_space<hbm>>
      tpu.wait_indirect_dma semaphore(%arg20 : memref<!tpu.dma_semaphore, #tpu.memory_space<semaphore_mem>>) src(%dma_wait3A_252 : memref<10240x64xf32, #tpu.memory_space<hbm>>) dst(%arg12 : memref<128x64xf32, #tpu.memory_space<vmem>>)
      %dma_start3A_253 = arith.constant 0 : i32
      %dma_start3A_254 = tpu.memref_slice %arg7[%add3A_246, %dma_start3A_253] : memref<80x128xi32, #tpu.memory_space<vmem>> -> memref<1x128xi32, #tpu.memory_space<vmem>>
      %dma_start3A_255 = tpu.memref_squeeze %dma_start3A_254 : memref<1x128xi32, #tpu.memory_space<vmem>> -> memref<128xi32, #tpu.memory_space<vmem>>
      %dma_start3A_256 = arith.constant 0 : i32
      %dma_start3A_257 = arith.constant 0 : i32
      %dma_start3A_258 = tpu.memref_slice %arg8[%dma_start3A_256, %dma_start3A_257] : memref<10240x64xf32, #tpu.memory_space<vmem_shared>> -> memref<10240x64xf32, #tpu.memory_space<vmem_shared>>
      tpu.enqueue_indirect_dma source(%arg12 : memref<128x64xf32, #tpu.memory_space<vmem>>) target(%dma_start3A_258 : memref<10240x64xf32, #tpu.memory_space<vmem_shared>>) offsets(%dma_start3A_255 : memref<128xi32, #tpu.memory_space<vmem>>) semaphore(%arg28 : memref<!tpu.dma_semaphore, #tpu.memory_space<semaphore_mem>>) {add = true}
      %mul3A_259 = arith.constant 8 : i32
      %mul3A_260 = arith.muli %scan3A_76, %mul3A_259 : i32
      %add3A_261 = arith.constant 4 : i32
      %add3A_262 = arith.addi %mul3A_260, %add3A_261 : i32
      %dma_wait3A_263 = arith.constant 0 : i32
      %dma_wait3A_264 = tpu.memref_slice %arg6[%add3A_138, %dma_wait3A_263] : memref<80x128xi32, #tpu.memory_space<vmem>> -> memref<1x128xi32, #tpu.memory_space<vmem>>
      %dma_wait3A_265 = tpu.memref_squeeze %dma_wait3A_264 : memref<1x128xi32, #tpu.memory_space<vmem>> -> memref<128xi32, #tpu.memory_space<vmem>>
      %dma_wait3A_266 = arith.constant 0 : i32
      %dma_wait3A_267 = arith.constant 0 : i32
      %dma_wait3A_268 = tpu.memref_slice %arg2[%dma_wait3A_266, %dma_wait3A_267] : memref<10240x64xf32, #tpu.memory_space<hbm>> -> memref<10240x64xf32, #tpu.memory_space<hbm>>
      tpu.wait_indirect_dma semaphore(%arg21 : memref<!tpu.dma_semaphore, #tpu.memory_space<semaphore_mem>>) src(%dma_wait3A_268 : memref<10240x64xf32, #tpu.memory_space<hbm>>) dst(%arg13 : memref<128x64xf32, #tpu.memory_space<vmem>>)
      %dma_start3A_269 = arith.constant 0 : i32
      %dma_start3A_270 = tpu.memref_slice %arg7[%add3A_262, %dma_start3A_269] : memref<80x128xi32, #tpu.memory_space<vmem>> -> memref<1x128xi32, #tpu.memory_space<vmem>>
      %dma_start3A_271 = tpu.memref_squeeze %dma_start3A_270 : memref<1x128xi32, #tpu.memory_space<vmem>> -> memref<128xi32, #tpu.memory_space<vmem>>
      %dma_start3A_272 = arith.constant 0 : i32
      %dma_start3A_273 = arith.constant 0 : i32
      %dma_start3A_274 = tpu.memref_slice %arg8[%dma_start3A_272, %dma_start3A_273] : memref<10240x64xf32, #tpu.memory_space<vmem_shared>> -> memref<10240x64xf32, #tpu.memory_space<vmem_shared>>
      tpu.enqueue_indirect_dma source(%arg13 : memref<128x64xf32, #tpu.memory_space<vmem>>) target(%dma_start3A_274 : memref<10240x64xf32, #tpu.memory_space<vmem_shared>>) offsets(%dma_start3A_271 : memref<128xi32, #tpu.memory_space<vmem>>) semaphore(%arg29 : memref<!tpu.dma_semaphore, #tpu.memory_space<semaphore_mem>>) {add = true}
      %mul3A_275 = arith.constant 8 : i32
      %mul3A_276 = arith.muli %scan3A_76, %mul3A_275 : i32
      %add3A_277 = arith.constant 5 : i32
      %add3A_278 = arith.addi %mul3A_276, %add3A_277 : i32
      %dma_wait3A_279 = arith.constant 0 : i32
      %dma_wait3A_280 = tpu.memref_slice %arg6[%add3A_153, %dma_wait3A_279] : memref<80x128xi32, #tpu.memory_space<vmem>> -> memref<1x128xi32, #tpu.memory_space<vmem>>
      %dma_wait3A_281 = tpu.memref_squeeze %dma_wait3A_280 : memref<1x128xi32, #tpu.memory_space<vmem>> -> memref<128xi32, #tpu.memory_space<vmem>>
      %dma_wait3A_282 = arith.constant 0 : i32
      %dma_wait3A_283 = arith.constant 0 : i32
      %dma_wait3A_284 = tpu.memref_slice %arg2[%dma_wait3A_282, %dma_wait3A_283] : memref<10240x64xf32, #tpu.memory_space<hbm>> -> memref<10240x64xf32, #tpu.memory_space<hbm>>
      tpu.wait_indirect_dma semaphore(%arg22 : memref<!tpu.dma_semaphore, #tpu.memory_space<semaphore_mem>>) src(%dma_wait3A_284 : memref<10240x64xf32, #tpu.memory_space<hbm>>) dst(%arg14 : memref<128x64xf32, #tpu.memory_space<vmem>>)
      %dma_start3A_285 = arith.constant 0 : i32
      %dma_start3A_286 = tpu.memref_slice %arg7[%add3A_278, %dma_start3A_285] : memref<80x128xi32, #tpu.memory_space<vmem>> -> memref<1x128xi32, #tpu.memory_space<vmem>>
      %dma_start3A_287 = tpu.memref_squeeze %dma_start3A_286 : memref<1x128xi32, #tpu.memory_space<vmem>> -> memref<128xi32, #tpu.memory_space<vmem>>
      %dma_start3A_288 = arith.constant 0 : i32
      %dma_start3A_289 = arith.constant 0 : i32
      %dma_start3A_290 = tpu.memref_slice %arg8[%dma_start3A_288, %dma_start3A_289] : memref<10240x64xf32, #tpu.memory_space<vmem_shared>> -> memref<10240x64xf32, #tpu.memory_space<vmem_shared>>
      tpu.enqueue_indirect_dma source(%arg14 : memref<128x64xf32, #tpu.memory_space<vmem>>) target(%dma_start3A_290 : memref<10240x64xf32, #tpu.memory_space<vmem_shared>>) offsets(%dma_start3A_287 : memref<128xi32, #tpu.memory_space<vmem>>) semaphore(%arg30 : memref<!tpu.dma_semaphore, #tpu.memory_space<semaphore_mem>>) {add = true}
      %mul3A_291 = arith.constant 8 : i32
      %mul3A_292 = arith.muli %scan3A_76, %mul3A_291 : i32
      %add3A_293 = arith.constant 6 : i32
      %add3A_294 = arith.addi %mul3A_292, %add3A_293 : i32
      %dma_wait3A_295 = arith.constant 0 : i32
      %dma_wait3A_296 = tpu.memref_slice %arg6[%add3A_168, %dma_wait3A_295] : memref<80x128xi32, #tpu.memory_space<vmem>> -> memref<1x128xi32, #tpu.memory_space<vmem>>
      %dma_wait3A_297 = tpu.memref_squeeze %dma_wait3A_296 : memref<1x128xi32, #tpu.memory_space<vmem>> -> memref<128xi32, #tpu.memory_space<vmem>>
      %dma_wait3A_298 = arith.constant 0 : i32
      %dma_wait3A_299 = arith.constant 0 : i32
      %dma_wait3A_300 = tpu.memref_slice %arg2[%dma_wait3A_298, %dma_wait3A_299] : memref<10240x64xf32, #tpu.memory_space<hbm>> -> memref<10240x64xf32, #tpu.memory_space<hbm>>
      tpu.wait_indirect_dma semaphore(%arg23 : memref<!tpu.dma_semaphore, #tpu.memory_space<semaphore_mem>>) src(%dma_wait3A_300 : memref<10240x64xf32, #tpu.memory_space<hbm>>) dst(%arg15 : memref<128x64xf32, #tpu.memory_space<vmem>>)
      %dma_start3A_301 = arith.constant 0 : i32
      %dma_start3A_302 = tpu.memref_slice %arg7[%add3A_294, %dma_start3A_301] : memref<80x128xi32, #tpu.memory_space<vmem>> -> memref<1x128xi32, #tpu.memory_space<vmem>>
      %dma_start3A_303 = tpu.memref_squeeze %dma_start3A_302 : memref<1x128xi32, #tpu.memory_space<vmem>> -> memref<128xi32, #tpu.memory_space<vmem>>
      %dma_start3A_304 = arith.constant 0 : i32
      %dma_start3A_305 = arith.constant 0 : i32
      %dma_start3A_306 = tpu.memref_slice %arg8[%dma_start3A_304, %dma_start3A_305] : memref<10240x64xf32, #tpu.memory_space<vmem_shared>> -> memref<10240x64xf32, #tpu.memory_space<vmem_shared>>
      tpu.enqueue_indirect_dma source(%arg15 : memref<128x64xf32, #tpu.memory_space<vmem>>) target(%dma_start3A_306 : memref<10240x64xf32, #tpu.memory_space<vmem_shared>>) offsets(%dma_start3A_303 : memref<128xi32, #tpu.memory_space<vmem>>) semaphore(%arg31 : memref<!tpu.dma_semaphore, #tpu.memory_space<semaphore_mem>>) {add = true}
      %mul3A_307 = arith.constant 8 : i32
      %mul3A_308 = arith.muli %scan3A_76, %mul3A_307 : i32
      %add3A_309 = arith.constant 7 : i32
      %add3A_310 = arith.addi %mul3A_308, %add3A_309 : i32
      %dma_wait3A_311 = arith.constant 0 : i32
      %dma_wait3A_312 = tpu.memref_slice %arg6[%add3A_183, %dma_wait3A_311] : memref<80x128xi32, #tpu.memory_space<vmem>> -> memref<1x128xi32, #tpu.memory_space<vmem>>
      %dma_wait3A_313 = tpu.memref_squeeze %dma_wait3A_312 : memref<1x128xi32, #tpu.memory_space<vmem>> -> memref<128xi32, #tpu.memory_space<vmem>>
      %dma_wait3A_314 = arith.constant 0 : i32
      %dma_wait3A_315 = arith.constant 0 : i32
      %dma_wait3A_316 = tpu.memref_slice %arg2[%dma_wait3A_314, %dma_wait3A_315] : memref<10240x64xf32, #tpu.memory_space<hbm>> -> memref<10240x64xf32, #tpu.memory_space<hbm>>
      tpu.wait_indirect_dma semaphore(%arg24 : memref<!tpu.dma_semaphore, #tpu.memory_space<semaphore_mem>>) src(%dma_wait3A_316 : memref<10240x64xf32, #tpu.memory_space<hbm>>) dst(%arg16 : memref<128x64xf32, #tpu.memory_space<vmem>>)
      %dma_start3A_317 = arith.constant 0 : i32
      %dma_start3A_318 = tpu.memref_slice %arg7[%add3A_310, %dma_start3A_317] : memref<80x128xi32, #tpu.memory_space<vmem>> -> memref<1x128xi32, #tpu.memory_space<vmem>>
      %dma_start3A_319 = tpu.memref_squeeze %dma_start3A_318 : memref<1x128xi32, #tpu.memory_space<vmem>> -> memref<128xi32, #tpu.memory_space<vmem>>
      %dma_start3A_320 = arith.constant 0 : i32
      %dma_start3A_321 = arith.constant 0 : i32
      %dma_start3A_322 = tpu.memref_slice %arg8[%dma_start3A_320, %dma_start3A_321] : memref<10240x64xf32, #tpu.memory_space<vmem_shared>> -> memref<10240x64xf32, #tpu.memory_space<vmem_shared>>
      tpu.enqueue_indirect_dma source(%arg16 : memref<128x64xf32, #tpu.memory_space<vmem>>) target(%dma_start3A_322 : memref<10240x64xf32, #tpu.memory_space<vmem_shared>>) offsets(%dma_start3A_319 : memref<128xi32, #tpu.memory_space<vmem>>) semaphore(%arg32 : memref<!tpu.dma_semaphore, #tpu.memory_space<semaphore_mem>>) {add = true}
    }
    %scan3A_15 = arith.constant 10 : i32
    %dma_wait3A = arith.constant 0 : i32
    %dma_wait3A_16 = arith.constant 0 : i32
    %dma_wait3A_17 = tpu.memref_slice %arg7[%dma_wait3A, %dma_wait3A_16] : memref<80x128xi32, #tpu.memory_space<vmem>> -> memref<1x128xi32, #tpu.memory_space<vmem>>
    %dma_wait3A_18 = tpu.memref_squeeze %dma_wait3A_17 : memref<1x128xi32, #tpu.memory_space<vmem>> -> memref<128xi32, #tpu.memory_space<vmem>>
    %dma_wait3A_19 = arith.constant 0 : i32
    %dma_wait3A_20 = arith.constant 0 : i32
    %dma_wait3A_21 = tpu.memref_slice %arg8[%dma_wait3A_19, %dma_wait3A_20] : memref<10240x64xf32, #tpu.memory_space<vmem_shared>> -> memref<10240x64xf32, #tpu.memory_space<vmem_shared>>
    tpu.wait_indirect_dma semaphore(%arg25 : memref<!tpu.dma_semaphore, #tpu.memory_space<semaphore_mem>>) src(%arg9 : memref<128x64xf32, #tpu.memory_space<vmem>>) dst(%dma_wait3A_21 : memref<10240x64xf32, #tpu.memory_space<vmem_shared>>)
    %dma_wait3A_22 = arith.constant 0 : i32
    %dma_wait3A_23 = arith.constant 0 : i32
    %dma_wait3A_24 = tpu.memref_slice %arg7[%dma_wait3A_22, %dma_wait3A_23] : memref<80x128xi32, #tpu.memory_space<vmem>> -> memref<1x128xi32, #tpu.memory_space<vmem>>
    %dma_wait3A_25 = tpu.memref_squeeze %dma_wait3A_24 : memref<1x128xi32, #tpu.memory_space<vmem>> -> memref<128xi32, #tpu.memory_space<vmem>>
    %dma_wait3A_26 = arith.constant 0 : i32
    %dma_wait3A_27 = arith.constant 0 : i32
    %dma_wait3A_28 = tpu.memref_slice %arg8[%dma_wait3A_26, %dma_wait3A_27] : memref<10240x64xf32, #tpu.memory_space<vmem_shared>> -> memref<10240x64xf32, #tpu.memory_space<vmem_shared>>
    tpu.wait_indirect_dma semaphore(%arg26 : memref<!tpu.dma_semaphore, #tpu.memory_space<semaphore_mem>>) src(%arg10 : memref<128x64xf32, #tpu.memory_space<vmem>>) dst(%dma_wait3A_28 : memref<10240x64xf32, #tpu.memory_space<vmem_shared>>)
    %dma_wait3A_29 = arith.constant 0 : i32
    %dma_wait3A_30 = arith.constant 0 : i32
    %dma_wait3A_31 = tpu.memref_slice %arg7[%dma_wait3A_29, %dma_wait3A_30] : memref<80x128xi32, #tpu.memory_space<vmem>> -> memref<1x128xi32, #tpu.memory_space<vmem>>
    %dma_wait3A_32 = tpu.memref_squeeze %dma_wait3A_31 : memref<1x128xi32, #tpu.memory_space<vmem>> -> memref<128xi32, #tpu.memory_space<vmem>>
    %dma_wait3A_33 = arith.constant 0 : i32
    %dma_wait3A_34 = arith.constant 0 : i32
    %dma_wait3A_35 = tpu.memref_slice %arg8[%dma_wait3A_33, %dma_wait3A_34] : memref<10240x64xf32, #tpu.memory_space<vmem_shared>> -> memref<10240x64xf32, #tpu.memory_space<vmem_shared>>
    tpu.wait_indirect_dma semaphore(%arg27 : memref<!tpu.dma_semaphore, #tpu.memory_space<semaphore_mem>>) src(%arg11 : memref<128x64xf32, #tpu.memory_space<vmem>>) dst(%dma_wait3A_35 : memref<10240x64xf32, #tpu.memory_space<vmem_shared>>)
    %dma_wait3A_36 = arith.constant 0 : i32
    %dma_wait3A_37 = arith.constant 0 : i32
    %dma_wait3A_38 = tpu.memref_slice %arg7[%dma_wait3A_36, %dma_wait3A_37] : memref<80x128xi32, #tpu.memory_space<vmem>> -> memref<1x128xi32, #tpu.memory_space<vmem>>
    %dma_wait3A_39 = tpu.memref_squeeze %dma_wait3A_38 : memref<1x128xi32, #tpu.memory_space<vmem>> -> memref<128xi32, #tpu.memory_space<vmem>>
    %dma_wait3A_40 = arith.constant 0 : i32
    %dma_wait3A_41 = arith.constant 0 : i32
    %dma_wait3A_42 = tpu.memref_slice %arg8[%dma_wait3A_40, %dma_wait3A_41] : memref<10240x64xf32, #tpu.memory_space<vmem_shared>> -> memref<10240x64xf32, #tpu.memory_space<vmem_shared>>
    tpu.wait_indirect_dma semaphore(%arg28 : memref<!tpu.dma_semaphore, #tpu.memory_space<semaphore_mem>>) src(%arg12 : memref<128x64xf32, #tpu.memory_space<vmem>>) dst(%dma_wait3A_42 : memref<10240x64xf32, #tpu.memory_space<vmem_shared>>)
    %dma_wait3A_43 = arith.constant 0 : i32
    %dma_wait3A_44 = arith.constant 0 : i32
    %dma_wait3A_45 = tpu.memref_slice %arg7[%dma_wait3A_43, %dma_wait3A_44] : memref<80x128xi32, #tpu.memory_space<vmem>> -> memref<1x128xi32, #tpu.memory_space<vmem>>
    %dma_wait3A_46 = tpu.memref_squeeze %dma_wait3A_45 : memref<1x128xi32, #tpu.memory_space<vmem>> -> memref<128xi32, #tpu.memory_space<vmem>>
    %dma_wait3A_47 = arith.constant 0 : i32
    %dma_wait3A_48 = arith.constant 0 : i32
    %dma_wait3A_49 = tpu.memref_slice %arg8[%dma_wait3A_47, %dma_wait3A_48] : memref<10240x64xf32, #tpu.memory_space<vmem_shared>> -> memref<10240x64xf32, #tpu.memory_space<vmem_shared>>
    tpu.wait_indirect_dma semaphore(%arg29 : memref<!tpu.dma_semaphore, #tpu.memory_space<semaphore_mem>>) src(%arg13 : memref<128x64xf32, #tpu.memory_space<vmem>>) dst(%dma_wait3A_49 : memref<10240x64xf32, #tpu.memory_space<vmem_shared>>)
    %dma_wait3A_50 = arith.constant 0 : i32
    %dma_wait3A_51 = arith.constant 0 : i32
    %dma_wait3A_52 = tpu.memref_slice %arg7[%dma_wait3A_50, %dma_wait3A_51] : memref<80x128xi32, #tpu.memory_space<vmem>> -> memref<1x128xi32, #tpu.memory_space<vmem>>
    %dma_wait3A_53 = tpu.memref_squeeze %dma_wait3A_52 : memref<1x128xi32, #tpu.memory_space<vmem>> -> memref<128xi32, #tpu.memory_space<vmem>>
    %dma_wait3A_54 = arith.constant 0 : i32
    %dma_wait3A_55 = arith.constant 0 : i32
    %dma_wait3A_56 = tpu.memref_slice %arg8[%dma_wait3A_54, %dma_wait3A_55] : memref<10240x64xf32, #tpu.memory_space<vmem_shared>> -> memref<10240x64xf32, #tpu.memory_space<vmem_shared>>
    tpu.wait_indirect_dma semaphore(%arg30 : memref<!tpu.dma_semaphore, #tpu.memory_space<semaphore_mem>>) src(%arg14 : memref<128x64xf32, #tpu.memory_space<vmem>>) dst(%dma_wait3A_56 : memref<10240x64xf32, #tpu.memory_space<vmem_shared>>)
    %dma_wait3A_57 = arith.constant 0 : i32
    %dma_wait3A_58 = arith.constant 0 : i32
    %dma_wait3A_59 = tpu.memref_slice %arg7[%dma_wait3A_57, %dma_wait3A_58] : memref<80x128xi32, #tpu.memory_space<vmem>> -> memref<1x128xi32, #tpu.memory_space<vmem>>
    %dma_wait3A_60 = tpu.memref_squeeze %dma_wait3A_59 : memref<1x128xi32, #tpu.memory_space<vmem>> -> memref<128xi32, #tpu.memory_space<vmem>>
    %dma_wait3A_61 = arith.constant 0 : i32
    %dma_wait3A_62 = arith.constant 0 : i32
    %dma_wait3A_63 = tpu.memref_slice %arg8[%dma_wait3A_61, %dma_wait3A_62] : memref<10240x64xf32, #tpu.memory_space<vmem_shared>> -> memref<10240x64xf32, #tpu.memory_space<vmem_shared>>
    tpu.wait_indirect_dma semaphore(%arg31 : memref<!tpu.dma_semaphore, #tpu.memory_space<semaphore_mem>>) src(%arg15 : memref<128x64xf32, #tpu.memory_space<vmem>>) dst(%dma_wait3A_63 : memref<10240x64xf32, #tpu.memory_space<vmem_shared>>)
    %dma_wait3A_64 = arith.constant 0 : i32
    %dma_wait3A_65 = arith.constant 0 : i32
    %dma_wait3A_66 = tpu.memref_slice %arg7[%dma_wait3A_64, %dma_wait3A_65] : memref<80x128xi32, #tpu.memory_space<vmem>> -> memref<1x128xi32, #tpu.memory_space<vmem>>
    %dma_wait3A_67 = tpu.memref_squeeze %dma_wait3A_66 : memref<1x128xi32, #tpu.memory_space<vmem>> -> memref<128xi32, #tpu.memory_space<vmem>>
    %dma_wait3A_68 = arith.constant 0 : i32
    %dma_wait3A_69 = arith.constant 0 : i32
    %dma_wait3A_70 = tpu.memref_slice %arg8[%dma_wait3A_68, %dma_wait3A_69] : memref<10240x64xf32, #tpu.memory_space<vmem_shared>> -> memref<10240x64xf32, #tpu.memory_space<vmem_shared>>
    tpu.wait_indirect_dma semaphore(%arg32 : memref<!tpu.dma_semaphore, #tpu.memory_space<semaphore_mem>>) src(%arg16 : memref<128x64xf32, #tpu.memory_space<vmem>>) dst(%dma_wait3A_70 : memref<10240x64xf32, #tpu.memory_space<vmem_shared>>)
    %barrier3A_71 = arith.constant 0 : index
    tpu.barrier barrier_id(%barrier3A_71)
    %mul3A_72 = arith.constant 640 : i32
    %mul3A_73 = arith.muli %arg1, %mul3A_72 : i32
    %mul3A_74 = arith.constant 640 : i32
    %mul3A_75 = arith.muli %arg1, %mul3A_74 : i32
    "tpu.region"() ({
      %run_scoped3A = tpu.sem_alloc : memref<!tpu.dma_semaphore, #tpu.memory_space<semaphore_mem>>
      %dma_start3A = arith.constant 0 : i32
      %dma_start3A_76 = tpu.memref_slice %arg5[%arg0, %mul3A_75, %dma_start3A] : memref<2x10240x64xf32, #tpu.memory_space<hbm>> -> memref<1x640x64xf32, #tpu.memory_space<hbm>>
      %dma_start3A_77 = tpu.memref_squeeze %dma_start3A_76 : memref<1x640x64xf32, #tpu.memory_space<hbm>> -> memref<640x64xf32, #tpu.memory_space<hbm>>
      %dma_start3A_78 = arith.constant 0 : i32
      %dma_start3A_79 = tpu.memref_slice %arg8[%mul3A_73, %dma_start3A_78] : memref<10240x64xf32, #tpu.memory_space<vmem_shared>> -> memref<640x64xf32, #tpu.memory_space<vmem_shared>>
      tpu.enqueue_dma source(%dma_start3A_79 : memref<640x64xf32, #tpu.memory_space<vmem_shared>>) target(%dma_start3A_77 : memref<640x64xf32, #tpu.memory_space<hbm>>) target_semaphore(%run_scoped3A : memref<!tpu.dma_semaphore, #tpu.memory_space<semaphore_mem>>)
      %dma_wait3A_80 = arith.constant 0 : i32
      %dma_wait3A_81 = tpu.memref_slice %arg5[%arg0, %mul3A_75, %dma_wait3A_80] : memref<2x10240x64xf32, #tpu.memory_space<hbm>> -> memref<1x640x64xf32, #tpu.memory_space<hbm>>
      %dma_wait3A_82 = tpu.memref_squeeze %dma_wait3A_81 : memref<1x640x64xf32, #tpu.memory_space<hbm>> -> memref<640x64xf32, #tpu.memory_space<hbm>>
      %dma_wait3A_83 = arith.constant 0 : i32
      %dma_wait3A_84 = tpu.memref_slice %arg8[%mul3A_73, %dma_wait3A_83] : memref<10240x64xf32, #tpu.memory_space<vmem_shared>> -> memref<640x64xf32, #tpu.memory_space<vmem_shared>>
      tpu.wait_dma2 semaphore(%run_scoped3A : memref<!tpu.dma_semaphore, #tpu.memory_space<semaphore_mem>>) src(%dma_wait3A_84 : memref<640x64xf32, #tpu.memory_space<vmem_shared>>) dst(%dma_wait3A_82 : memref<640x64xf32, #tpu.memory_space<hbm>>)
      tpu.yield
    }) : () -> ()
    return
  }
}

module attributes {stable_mosaic.version = 14 : i64} {
  func.func @_tc1_body(%arg0: i32, %arg1: memref<2048x128xf32, #tpu.memory_space<vmem>>, %arg2: memref<64x128xf32, #tpu.memory_space<vmem>>, %arg3: memref<2048x1xf32, #tpu.memory_space<vmem>>, %arg4: memref<2048x1xf32, #tpu.memory_space<vmem>>, %arg5: memref<2048x64xf32, #tpu.memory_space<vmem>>, %arg6: memref<2048x1xf32, #tpu.memory_space<vmem>>) attributes {dimension_semantics = [#tpu.dimension_semantics<arbitrary>], iteration_bounds = array<i64: 5>, scalar_prefetch = 0 : i64, scratch_operands = 0 : i64, tpu.core_type = #tpu.core_type<tc>, window_params = [{transform_indices = @transform_0, window_bounds = array<i64: 2048, 128>}, {pipeline_mode = #tpu.pipeline_mode<synchronous>, transform_indices = @transform_1, window_bounds = array<i64: 64, 128>}, {transform_indices = @transform_2, window_bounds = array<i64: 2048, 1>}, {transform_indices = @transform_3, window_bounds = array<i64: 2048, 1>}, {transform_indices = @transform_4, window_bounds = array<i64: 2048, 64>}, {transform_indices = @transform_5, window_bounds = array<i64: 2048, 1>}]} {
    %get3A = arith.constant 0 : index
    %get3A_0 = arith.constant 0 : index
    %get3A_1 = vector.load %arg3[%get3A, %get3A_0] : memref<2048x1xf32, #tpu.memory_space<vmem>>, vector<2048x1xf32>
    %get3A_2 = arith.constant 0 : index
    %get3A_3 = arith.constant 0 : index
    %get3A_4 = vector.load %arg4[%get3A_2, %get3A_3] : memref<2048x1xf32, #tpu.memory_space<vmem>>, vector<2048x1xf32>
    %add3A = arith.addf %get3A_1, %get3A_4 : vector<2048x1xf32>
    %add3A_5 = arith.constant 1.000000e+00 : f32
    %add3A_6 = vector.broadcast %add3A_5 : f32 to vector<2048x1xf32>
    %add3A_7 = arith.addf %add3A, %add3A_6 : vector<2048x1xf32>
    %rsqrt3A = math.rsqrt %add3A_7 : vector<2048x1xf32>
    %swap3A = arith.constant 0 : index
    %swap3A_8 = arith.constant 0 : index
    %swap3A_9 = vector.load %arg6[%swap3A, %swap3A_8] : memref<2048x1xf32, #tpu.memory_space<vmem>>, vector<2048x1xf32>
    tpu.vector_store %arg6[%swap3A, %swap3A_8], %rsqrt3A {strides = array<i32>} : memref<2048x1xf32, #tpu.memory_space<vmem>>, vector<2048x1xf32>,
    %get3A_10 = arith.constant 0 : index
    %get3A_11 = arith.constant 0 : index
    %get3A_12 = vector.load %arg1[%get3A_10, %get3A_11] : memref<2048x128xf32, #tpu.memory_space<vmem>>, vector<2048x128xf32>
    %get3A_13 = arith.constant 0 : index
    %get3A_14 = arith.constant 0 : index
    %get3A_15 = vector.load %arg2[%get3A_13, %get3A_14] : memref<64x128xf32, #tpu.memory_space<vmem>>, vector<64x128xf32>
    %dot_general3A = arith.constant dense<0.000000e+00> : vector<2048x64xf32>
    %dot_general3A_16 = tpu.matmul %get3A_12, %get3A_15, %dot_general3A {dimension_numbers = #tpu.dot_dimension_numbers<[1], [1], [0], [0], [0, 0, 1, 0], [], []>, precision = #tpu.contract_precision<fp32>, transpose_lhs_hint = false} : vector<2048x128xf32>, vector<64x128xf32>, vector<2048x64xf32> -> vector<2048x64xf32>
    %mul3A = vector.broadcast %rsqrt3A : vector<2048x1xf32> to vector<2048x64xf32>
    %mul3A_17 = arith.mulf %dot_general3A_16, %mul3A : vector<2048x64xf32>
    %swap3A_18 = arith.constant 0 : index
    %swap3A_19 = arith.constant 0 : index
    %swap3A_20 = vector.load %arg5[%swap3A_18, %swap3A_19] : memref<2048x64xf32, #tpu.memory_space<vmem>>, vector<2048x64xf32>
    tpu.vector_store %arg5[%swap3A_18, %swap3A_19], %mul3A_17 {strides = array<i32>} : memref<2048x64xf32, #tpu.memory_space<vmem>>, vector<2048x64xf32>,
    return
  }
  func.func @transform_0(%arg0: i32) -> (i32, i32) {
    %c0_i32 = arith.constant 0 : i32
    %c0_i32_0 = arith.constant 0 : i32
    return %arg0, %c0_i32 : i32, i32
  }
  func.func @transform_1(%arg0: i32) -> (i32, i32) {
    %c0_i32 = arith.constant 0 : i32
    %c0_i32_0 = arith.constant 0 : i32
    %c0_i32_1 = arith.constant 0 : i32
    return %c0_i32, %c0_i32_0 : i32, i32
  }
  func.func @transform_2(%arg0: i32) -> (i32, i32) {
    %c0_i32 = arith.constant 0 : i32
    %c0_i32_0 = arith.constant 0 : i32
    return %arg0, %c0_i32 : i32, i32
  }
  func.func @transform_3(%arg0: i32) -> (i32, i32) {
    %c0_i32 = arith.constant 0 : i32
    %c0_i32_0 = arith.constant 0 : i32
    return %arg0, %c0_i32 : i32, i32
  }
  func.func @transform_4(%arg0: i32) -> (i32, i32) {
    %c0_i32 = arith.constant 0 : i32
    %c0_i32_0 = arith.constant 0 : i32
    return %arg0, %c0_i32 : i32, i32
  }
  func.func @transform_5(%arg0: i32) -> (i32, i32) {
    %c0_i32 = arith.constant 0 : i32
    %c0_i32_0 = arith.constant 0 : i32
    return %arg0, %c0_i32 : i32, i32
  }
}

module attributes {stable_mosaic.version = 14 : i64} {
  func.func @_tc2_body(%arg0: i32, %arg1: memref<2x2048x64xf32, #tpu.memory_space<vmem>>, %arg2: memref<2048x1xf32, #tpu.memory_space<vmem>>, %arg3: memref<1x64xf32, #tpu.memory_space<vmem>>, %arg4: memref<2048x64xf32, #tpu.memory_space<vmem>>) attributes {dimension_semantics = [#tpu.dimension_semantics<arbitrary>], iteration_bounds = array<i64: 5>, scalar_prefetch = 0 : i64, scratch_operands = 0 : i64, tpu.core_type = #tpu.core_type<tc>, window_params = [{transform_indices = @transform_0, window_bounds = array<i64: 2, 2048, 64>}, {transform_indices = @transform_1, window_bounds = array<i64: 2048, 1>}, {pipeline_mode = #tpu.pipeline_mode<synchronous>, transform_indices = @transform_2, window_bounds = array<i64: 1, 64>}, {transform_indices = @transform_3, window_bounds = array<i64: 2048, 64>}]} {
    %get3A = arith.constant 0 : index
    %get3A_0 = arith.constant 0 : index
    %get3A_1 = arith.constant 0 : index
    %get3A_2 = vector.load %arg1[%get3A, %get3A_0, %get3A_1] : memref<2x2048x64xf32, #tpu.memory_space<vmem>>, vector<1x2048x64xf32>
    %get3A_3 = vector.shape_cast %get3A_2 : vector<1x2048x64xf32> to vector<2048x64xf32>
    %get3A_4 = arith.constant 1 : index
    %get3A_5 = arith.constant 0 : index
    %get3A_6 = arith.constant 0 : index
    %get3A_7 = vector.load %arg1[%get3A_4, %get3A_5, %get3A_6] : memref<2x2048x64xf32, #tpu.memory_space<vmem>>, vector<1x2048x64xf32>
    %get3A_8 = vector.shape_cast %get3A_7 : vector<1x2048x64xf32> to vector<2048x64xf32>
    %add3A = arith.addf %get3A_3, %get3A_8 : vector<2048x64xf32>
    %get3A_9 = arith.constant 0 : index
    %get3A_10 = arith.constant 0 : index
    %get3A_11 = vector.load %arg2[%get3A_9, %get3A_10] : memref<2048x1xf32, #tpu.memory_space<vmem>>, vector<2048x1xf32>
    %mul3A = vector.broadcast %get3A_11 : vector<2048x1xf32> to vector<2048x64xf32>
    %mul3A_12 = arith.mulf %add3A, %mul3A : vector<2048x64xf32>
    %get3A_13 = arith.constant 0 : index
    %get3A_14 = arith.constant 0 : index
    %get3A_15 = vector.load %arg3[%get3A_13, %get3A_14] : memref<1x64xf32, #tpu.memory_space<vmem>>, vector<1x64xf32>
    %add3A_16 = vector.broadcast %get3A_15 : vector<1x64xf32> to vector<2048x64xf32>
    %add3A_17 = arith.addf %mul3A_12, %add3A_16 : vector<2048x64xf32>
    %max3A = arith.constant 0.000000e+00 : f32
    %max3A_18 = vector.broadcast %max3A : f32 to vector<2048x64xf32>
    %max3A_19 = arith.maximumf %add3A_17, %max3A_18 : vector<2048x64xf32>
    %get3A_20 = arith.constant 0 : index
    %get3A_21 = arith.constant 0 : index
    %get3A_22 = vector.load %arg2[%get3A_20, %get3A_21] : memref<2048x1xf32, #tpu.memory_space<vmem>>, vector<2048x1xf32>
    %mul3A_23 = vector.broadcast %get3A_22 : vector<2048x1xf32> to vector<2048x64xf32>
    %mul3A_24 = arith.mulf %max3A_19, %mul3A_23 : vector<2048x64xf32>
    %swap3A = arith.constant 0 : index
    %swap3A_25 = arith.constant 0 : index
    %swap3A_26 = vector.load %arg4[%swap3A, %swap3A_25] : memref<2048x64xf32, #tpu.memory_space<vmem>>, vector<2048x64xf32>
    tpu.vector_store %arg4[%swap3A, %swap3A_25], %mul3A_24 {strides = array<i32>} : memref<2048x64xf32, #tpu.memory_space<vmem>>, vector<2048x64xf32>,
    return
  }
  func.func @transform_0(%arg0: i32) -> (i32, i32, i32) {
    %c0_i32 = arith.constant 0 : i32
    %c0_i32_0 = arith.constant 0 : i32
    %c0_i32_1 = arith.constant 0 : i32
    return %c0_i32, %arg0, %c0_i32_0 : i32, i32, i32
  }
  func.func @transform_1(%arg0: i32) -> (i32, i32) {
    %c0_i32 = arith.constant 0 : i32
    %c0_i32_0 = arith.constant 0 : i32
    return %arg0, %c0_i32 : i32, i32
  }
  func.func @transform_2(%arg0: i32) -> (i32, i32) {
    %c0_i32 = arith.constant 0 : i32
    %c0_i32_0 = arith.constant 0 : i32
    %c0_i32_1 = arith.constant 0 : i32
    return %c0_i32, %c0_i32_0 : i32, i32
  }
  func.func @transform_3(%arg0: i32) -> (i32, i32) {
    %c0_i32 = arith.constant 0 : i32
    %c0_i32_0 = arith.constant 0 : i32
    return %arg0, %c0_i32 : i32, i32
  }
}

module attributes {stable_mosaic.version = 14 : i64} {
  func.func @_tc3_body(%arg0: i32, %arg1: memref<2x2048x64xf32, #tpu.memory_space<vmem>>, %arg2: memref<2048x1xf32, #tpu.memory_space<vmem>>, %arg3: memref<128x64xf32, #tpu.memory_space<vmem>>, %arg4: memref<1x128xf32, #tpu.memory_space<vmem>>, %arg5: memref<2048x128xf32, #tpu.memory_space<vmem>>) attributes {dimension_semantics = [#tpu.dimension_semantics<arbitrary>], iteration_bounds = array<i64: 5>, scalar_prefetch = 0 : i64, scratch_operands = 0 : i64, tpu.core_type = #tpu.core_type<tc>, window_params = [{transform_indices = @transform_0, window_bounds = array<i64: 2, 2048, 64>}, {transform_indices = @transform_1, window_bounds = array<i64: 2048, 1>}, {pipeline_mode = #tpu.pipeline_mode<synchronous>, transform_indices = @transform_2, window_bounds = array<i64: 128, 64>}, {pipeline_mode = #tpu.pipeline_mode<synchronous>, transform_indices = @transform_3, window_bounds = array<i64: 1, 128>}, {transform_indices = @transform_4, window_bounds = array<i64: 2048, 128>}]} {
    %get3A = arith.constant 0 : index
    %get3A_0 = arith.constant 0 : index
    %get3A_1 = arith.constant 0 : index
    %get3A_2 = vector.load %arg1[%get3A, %get3A_0, %get3A_1] : memref<2x2048x64xf32, #tpu.memory_space<vmem>>, vector<1x2048x64xf32>
    %get3A_3 = vector.shape_cast %get3A_2 : vector<1x2048x64xf32> to vector<2048x64xf32>
    %get3A_4 = arith.constant 1 : index
    %get3A_5 = arith.constant 0 : index
    %get3A_6 = arith.constant 0 : index
    %get3A_7 = vector.load %arg1[%get3A_4, %get3A_5, %get3A_6] : memref<2x2048x64xf32, #tpu.memory_space<vmem>>, vector<1x2048x64xf32>
    %get3A_8 = vector.shape_cast %get3A_7 : vector<1x2048x64xf32> to vector<2048x64xf32>
    %add3A = arith.addf %get3A_3, %get3A_8 : vector<2048x64xf32>
    %get3A_9 = arith.constant 0 : index
    %get3A_10 = arith.constant 0 : index
    %get3A_11 = vector.load %arg2[%get3A_9, %get3A_10] : memref<2048x1xf32, #tpu.memory_space<vmem>>, vector<2048x1xf32>
    %mul3A = vector.broadcast %get3A_11 : vector<2048x1xf32> to vector<2048x64xf32>
    %mul3A_12 = arith.mulf %add3A, %mul3A : vector<2048x64xf32>
    %get3A_13 = arith.constant 0 : index
    %get3A_14 = arith.constant 0 : index
    %get3A_15 = vector.load %arg3[%get3A_13, %get3A_14] : memref<128x64xf32, #tpu.memory_space<vmem>>, vector<128x64xf32>
    %dot_general3A = arith.constant dense<0.000000e+00> : vector<2048x128xf32>
    %dot_general3A_16 = tpu.matmul %mul3A_12, %get3A_15, %dot_general3A {dimension_numbers = #tpu.dot_dimension_numbers<[1], [1], [0], [0], [0, 0, 1, 0], [], []>, precision = #tpu.contract_precision<fp32>, transpose_lhs_hint = false} : vector<2048x64xf32>, vector<128x64xf32>, vector<2048x128xf32> -> vector<2048x128xf32>
    %get3A_17 = arith.constant 0 : index
    %get3A_18 = arith.constant 0 : index
    %get3A_19 = vector.load %arg4[%get3A_17, %get3A_18] : memref<1x128xf32, #tpu.memory_space<vmem>>, vector<1x128xf32>
    %add3A_20 = vector.broadcast %get3A_19 : vector<1x128xf32> to vector<2048x128xf32>
    %add3A_21 = arith.addf %dot_general3A_16, %add3A_20 : vector<2048x128xf32>
    %reduce_max3A = arith.constant dense<0xFF800000> : vector<2048xf32>
    %reduce_max3A_22 = vector.multi_reduction <maximumf>, %add3A_21, %reduce_max3A [1] : vector<2048x128xf32> to vector<2048xf32>
    %broadcast_in_dim3A = vector.shape_cast %reduce_max3A_22 : vector<2048xf32> to vector<2048x1xf32>
    %sub3A = vector.broadcast %broadcast_in_dim3A : vector<2048x1xf32> to vector<2048x128xf32>
    %sub3A_23 = arith.subf %add3A_21, %sub3A : vector<2048x128xf32>
    %exp3A = math.exp %sub3A_23 : vector<2048x128xf32>
    %reduce_sum3A = arith.constant dense<0.000000e+00> : vector<2048xf32>
    %reduce_sum3A_24 = vector.multi_reduction <add>, %exp3A, %reduce_sum3A [1] : vector<2048x128xf32> to vector<2048xf32>
    %broadcast_in_dim3A_25 = vector.shape_cast %reduce_sum3A_24 : vector<2048xf32> to vector<2048x1xf32>
    %sub3A_26 = vector.broadcast %broadcast_in_dim3A : vector<2048x1xf32> to vector<2048x128xf32>
    %sub3A_27 = arith.subf %add3A_21, %sub3A_26 : vector<2048x128xf32>
    %log3A = math.log %broadcast_in_dim3A_25 : vector<2048x1xf32>
    %sub3A_28 = vector.broadcast %log3A : vector<2048x1xf32> to vector<2048x128xf32>
    %sub3A_29 = arith.subf %sub3A_27, %sub3A_28 : vector<2048x128xf32>
    %swap3A = arith.constant 0 : index
    %swap3A_30 = arith.constant 0 : index
    %swap3A_31 = vector.load %arg5[%swap3A, %swap3A_30] : memref<2048x128xf32, #tpu.memory_space<vmem>>, vector<2048x128xf32>
    tpu.vector_store %arg5[%swap3A, %swap3A_30], %sub3A_29 {strides = array<i32>} : memref<2048x128xf32, #tpu.memory_space<vmem>>, vector<2048x128xf32>,
    return
  }
  func.func @transform_0(%arg0: i32) -> (i32, i32, i32) {
    %c0_i32 = arith.constant 0 : i32
    %c0_i32_0 = arith.constant 0 : i32
    %c0_i32_1 = arith.constant 0 : i32
    return %c0_i32, %arg0, %c0_i32_0 : i32, i32, i32
  }
  func.func @transform_1(%arg0: i32) -> (i32, i32) {
    %c0_i32 = arith.constant 0 : i32
    %c0_i32_0 = arith.constant 0 : i32
    return %arg0, %c0_i32 : i32, i32
  }
  func.func @transform_2(%arg0: i32) -> (i32, i32) {
    %c0_i32 = arith.constant 0 : i32
    %c0_i32_0 = arith.constant 0 : i32
    %c0_i32_1 = arith.constant 0 : i32
    return %c0_i32, %c0_i32_0 : i32, i32
  }
  func.func @transform_3(%arg0: i32) -> (i32, i32) {
    %c0_i32 = arith.constant 0 : i32
    %c0_i32_0 = arith.constant 0 : i32
    %c0_i32_1 = arith.constant 0 : i32
    return %c0_i32, %c0_i32_0 : i32, i32
  }
  func.func @transform_4(%arg0: i32) -> (i32, i32) {
    %c0_i32 = arith.constant 0 : i32
    %c0_i32_0 = arith.constant 0 : i32
    return %arg0, %c0_i32 : i32, i32
  }
}

</mosaic_0001>

<sc_bundles>
// kernel: kernel.11.cloned.1.call-start
scs
__scs_entry_jumppad:
0x0: {  	(pc) =	sbr.rel $0x88, $3  }
0x1: {  	(tag) =	ssettag $0x0;
	lr =	simm.s32 $0x1  }
0x2: {  	[smem:$0x3F9B] =	sst lr;
	_ =	strace $0xD0000000  }
0x3: {  	_ = 	snop  }
0x4: {  	_ = 	snop  }
0x5: {  	_ = 	snop  }
0x6: {  	_ = 	snop  }
0x7: {  	_ = 	snop  }
__scs_overlays_trampoline_lowered:
0x8: {  	[smem:$0x3FAA] =	sst s0  }
0x9: {  	[smem:$0x3FAB] =	sst s1  }
0xa: {  	[smem:$0x3FAC] =	sst s2  }
0xb: {  	[smem:$0x3FAD] =	sst s3  }
0xc: {  	[smem:$0x3FAE] =	sst s4  }
0xd: {  	[smem:$0x3FAF] =	sst s5  }
0xe: {  	[smem:$0x3FB0] =	sst s6  }
0xf: {  	[smem:$0x3FB1] =	sst s7  }
0x10: {  	[smem:$0x3FB2] =	sst s8  }
0x11: {  	[smem:$0x3FB3] =	sst s9;
	s0 =	simm.s32 @!p0 $0x0  }
0x12: {  	s1 =	sld [smem:$0x3F99];
	s0 =	simm.s32 @p0 $0x1  }
0x13: {  	[smem:$0x3FB4] =	sst s0;
	s0 =	simm.s32 @!p1 $0x0  }
0x14: {  	s2 =	sld [smem:$0x3F98];
	s0 =	simm.s32 @p1 $0x1  }
0x15: {  	[smem:$0x3FB5] =	sst s0;
	s0 =	simm.s32 @!p2 $0x0  }
0x16: {  	s3 =	sld [smem:$0x3FDB];
	s0 =	simm.s32 @p2 $0x1  }
0x17: {  	s4 =	simm.s32 $0x1BF5;
	[smem:$0x3FB7] =	sst s0  }
0x18: {  	s0 =	sld [smem:$0x3F9A];
	_ =	swait.ge [sflag:s4], $0x0  }
0x19: {  	s7 =	sld [smem:$0x3F9B]  }
0x1a: {  	s8 =	sadd.s32 $0xFFFFE003, lr  }
0x1b: {  	s9 =	sadd.s32 $0xFFFFFEF7, lr;
	s5 =	simm.s32 $0xFFFFFFFF;
	p2 =	slt.u32 s8, $0xFFFFF086  }
0x1c: {  	p1 =	slt.u32 s9, $0xF7A;
	s5 =	simm.s32 @!p2 $0x0  }
0x1d: {  	s5 =	simm.s32 @p1 $0x1;
	p0 =	seq.s32 s7, s2  }
0x1e: {  	s7 =	smul.u32 @!p0 $0xF7A, s2;
	p2 =	seq.s32 @!p0 s5, $0x0  }
0x1f: {  	s9 =	smul.u32 $0xF7A, s1;
	s8 =	simm.s32 @!p0 $0x1BF5;
	p2 =	por !p2, p0  }
0x20: {  	[sflag:s8] =	ssyncset.s32 @!p0 $0xFFFFF086;
	s6 =	sadd.s32 @!p0 s3, s7;
	s7 =	simm.s32 @!p0 $0x108  }
0x21: {  	s3 =	sadd.s32 s3, s9;
	s6 =	sadd.s32 @!p0 $0x88, s6;
	s7 =	simm.s32 @p2 $0x1082  }
0x22: {  	[simem:s7], [sflag:s8] =	dma.local @!p0 [hbm:s6], $0xF7A  }
0x23: {  	s9 =	sor.u32 $0xD0000000, s2;
	s6 =	simm.s32 $0x108;
	_ =	swait.ge @!p0 [sflag:s8], $0x0  }
0x24: {  	s3 =	sadd.s32 $0x88, s3;
	s6 =	simm.s32 @!p1 $0x1082;
	[sflag:s4] =	ssyncset.s32 $0xFFFFF086  }
0x25: {  	[simem:s6], [sflag:s4] =	dma.local [hbm:s3], $0xF7A  }
0x26: {  	[smem:$0x3F9B] =	sst s1;
	(tag) =	ssettag s2;
	_ =	strace s9  }
0x27: {  	s1 =	sld [smem:$0x3FAB]  }
0x28: {  	s2 =	sld [smem:$0x3FAC]  }
0x29: {  	s4 =	sld [smem:$0x3FAE]  }
0x2a: {  	p0 =	seq.s32 s5, $0x0;
	s5 =	sld [smem:$0x3FAF]  }
0x2b: {  	s6 =	sld [smem:$0x3FB0]  }
0x2c: {  	s7 =	sld [smem:$0x3FB1]  }
0x2d: {  	s3 =	simm.s32 $0x108;
	s8 =	sld [smem:$0x3FB2]  }
0x2e: {  	s3 =	simm.s32 @!p0 $0x1082;
	s9 =	sld [smem:$0x3FB3]  }
0x2f: {  	lr =	sadd.s32 s0, s3;
	s0 =	sld [smem:$0x3FAA]  }
0x30: {  	s3 =	sld [smem:$0x3FAD]  }
0x31: {  	[smem:$0x3FB6] =	sst s10  }
0x32: {  	s10 =	sld [smem:$0x3FB4];
	_ =	sdelay $0x3  }
0x33: {  	p0 =	seq.s32 s10, $0x1;
	s10 =	sld [smem:$0x3FB6];
	_ =	sdelay $0x3  }
0x34: {  	[smem:$0x3FB6] =	sst s10  }
0x35: {  	s10 =	sld [smem:$0x3FB5];
	_ =	sdelay $0x3  }
0x36: {  	p1 =	seq.s32 s10, $0x1;
	s10 =	sld [smem:$0x3FB6];
	_ =	sdelay $0x3  }
0x37: {  	[smem:$0x3FB6] =	sst s10  }
0x38: {  	s10 =	sld [smem:$0x3FB7]  }
0x39: {  	_ = 	snop;
	(pc) =	sbr.ind lr, $3  }
0x3a: {  	_ = 	snop  }
0x3b: {  	_ = 	snop  }
0x3c: {  	p2 =	seq.s32 s10, $0x1;
	s10 =	sld [smem:$0x3FB6]  }
0x3d: {  	_ =	shalt  }
0x3e: {  	_ =	shalt  }
0x3f: {  	_ =	shalt  }
0x40: {  	_ =	shalt  }
0x41: {  	_ =	shalt  }
0x42: {  	_ =	shalt  }
0x43: {  	_ =	shalt  }
0x44: {  	_ =	shalt  }
0x45: {  	_ =	shalt  }
0x46: {  	_ =	shalt  }
0x47: {  	_ =	shalt  }
0x48: {  	_ =	shalt  }
0x49: {  	_ =	shalt  }
0x4a: {  	_ =	shalt  }
0x4b: {  	_ =	shalt  }
0x4c: {  	_ =	shalt  }
0x4d: {  	_ =	shalt  }
0x4e: {  	_ =	shalt  }
0x4f: {  	_ =	shalt  }
0x50: {  	_ =	shalt  }
0x51: {  	_ =	shalt  }
0x52: {  	_ =	shalt  }
0x53: {  	_ =	shalt  }
0x54: {  	_ =	shalt  }
0x55: {  	_ =	shalt  }
0x56: {  	_ =	shalt  }
0x57: {  	_ =	shalt  }
0x58: {  	_ =	shalt  }
0x59: {  	_ =	shalt  }
0x5a: {  	_ =	shalt  }
0x5b: {  	_ =	shalt  }
0x5c: {  	_ =	shalt  }
0x5d: {  	_ =	shalt  }
0x5e: {  	_ =	shalt  }
0x5f: {  	_ =	shalt  }
0x60: {  	_ =	shalt  }
0x61: {  	_ =	shalt  }
0x62: {  	_ =	shalt  }
0x63: {  	_ =	shalt  }
0x64: {  	_ =	shalt  }
0x65: {  	_ =	shalt  }
0x66: {  	_ =	shalt  }
0x67: {  	_ =	shalt  }
0x68: {  	_ =	shalt  }
0x69: {  	_ =	shalt  }
0x6a: {  	_ =	shalt  }
0x6b: {  	_ =	shalt  }
0x6c: {  	_ =	shalt  }
0x6d: {  	_ =	shalt  }
0x6e: {  	_ =	shalt  }
0x6f: {  	_ =	shalt  }
0x70: {  	_ =	shalt  }
0x71: {  	_ =	shalt  }
0x72: {  	_ =	shalt  }
0x73: {  	_ =	shalt  }
0x74: {  	_ =	shalt  }
0x75: {  	_ =	shalt  }
0x76: {  	_ =	shalt  }
0x77: {  	_ =	shalt  }
0x78: {  	_ =	shalt  }
0x79: {  	_ =	shalt  }
0x7a: {  	_ =	shalt  }
0x7b: {  	_ =	shalt  }
0x7c: {  	_ =	shalt  }
0x7d: {  	_ =	shalt  }
0x7e: {  	_ =	shalt  }
0x7f: {  	_ =	shalt  }
0x80: {  	_ =	shalt  }
0x81: {  	_ =	shalt  }
0x82: {  	_ =	shalt  }
0x83: {  	_ =	shalt  }
0x84: {  	_ =	shalt  }
0x85: {  	_ =	shalt  }
0x86: {  	_ =	shalt  }
0x87: {  	_ =	shalt  }
.Lfunc_end0:
.L_simem_size_0:
called_computation.1_lowered:
.L_overlay_start_0:
0x88: {  	s2 =	sld [smem:$0x3FD9]  }
0x89: {  	s3 =	sld [smem:$0x3FFE];
	_ =	sdelay $0x1  }
0x8a: {  	s1 =	srdreg.scid  }
0x8b: {  	s0 =	sand.u32 $0x1, s1  }
0x8c: {  	s17 =	sshll.u32 s0, $0xA;
	s2 =	sadd.s32 s3, s2  }
0x8d: {  	s2 =	sadd.s32 s2, s17  }
0x8e: {  	[smem:$0x3FC2] =	sst s2  }
0x8f: {  	_ = 	snop  }
0x90: {  	s2 =	sld [smem:$0x3FD0];
	(tm) =	ssettm $0x1  }
0x91: {  	s18 =	sld [smem:$0x3FFB];
	_ =	sdelay $0x3  }
0x92: {  	_ =	strace s18  }
0x93: {  	s3 =	sld [smem:$0x3FFC];
	_ =	sdelay $0x3  }
0x94: {  	_ =	strace s3  }
0x95: {  	s3 =	sld [smem:$0x3FFD];
	_ =	sdelay $0x3  }
0x96: {  	_ =	strace s3  }
0x97: {  	_ =	strace $0x8FFFFFFF  }
0x98: {  	s19 =	sld [smem:$0x3FDB];
	_ =	sdelay $0x1  }
0x99: {  	s4 =	simm.s32 $_scs_section_size  }
0x9a: {  	s5 =	simm.s32 $_size__tile_overlayer_lowered;
	s6 =	simm.s32 $_tile_overlayer_lowered  }
0x9b: {  	s22 =	simm.s32 $0x1BFF;
	s21 =	sshll.u32 s6, $0x1;
	s3 =	sadd.s32 s4, s19  }
0x9c: {  	s7 =	simm.s32 $0x0;
	s20 =	sshll.u32 s5, $0x1;
	s5 =	sadd.s32 s21, s3  }
0x9d: {  	[timem:s7], [sflag:s22] =	dma.local [hbm:s5], s20  }
0x9e: {  	_ =	swait.ge [sflag:s22], s20  }
0x9f: {  	s4 =	ssub.s32 $0x0, s20;
	[sflag:s22] =	ssyncset.done $0x0  }
0xa0: {  	[sflag:s22] =	ssyncadd.s32 s4;
	_ =	sdelay $0x1  }
0xa1: {  	s23 =	simm.s32 $0x1B8B  }
0xa2: {  	_ =	swait.ge [sflag:s23], $0x1  }
0xa3: {  	[sflag:s23] =	ssyncset.done $0x0  }
0xa4: {  	s25 =	simm.s32 $0x1B8E;
	s24 =	sld [smem:$0x3FFE];
	[sflag:s23] =	ssyncadd.s32 $0xFFFFFFFF  }
0xa5: {  	s26 =	simm.s32 $execute0_lowered;
	[smem:$0x3FD2] =	sst s25  }
0xa6: {  	s5 =	sshll.u32 s26, $0x1;
	_ =	strace $0x80000049;
	[dreg:$0x1] =	wrdreg $0xFFFFFFFF  }
0xa7: {  	s28 =	simm.s32 $_size_execute0_lowered;
	s3 =	sadd.s32 s3, s5;
	[dreg:$0x0] =	wrdreg $0x0  }
0xa8: {  	s5 =	sshll.u32 s28, $0x1;
	[dreg:$0x2] =	wrdreg s3  }
0xa9: {  	[dreg:$0x3] =	wrdreg s5  }
0xaa: {  	[dreg:$0x4] =	wrdreg $0xC0  }
0xab: {  	_ =	task [dreg:s7], $0x5FFFF  }
0xac: {  	[dreg:$0x1] =	wrdreg $0xFFFFFFFF  }
0xad: {  	[dreg:$0x0] =	wrdreg $0x60  }
0xae: {  	[dreg:$0x2] =	wrdreg s2  }
0xaf: {  	[dreg:$0x3] =	wrdreg s24  }
0xb0: {  	[dreg:$0x4] =	wrdreg $0x50000  }
0xb1: {  	[dreg:$0x5] =	wrdreg $0x9  }
0xb2: {  	_ =	task.clear_ibuf [dreg:s7], $0x6FFFF;
	_ =	strace $0x90000049  }
0xb3: {  	s29 =	simm.s32 $0x9;
	_ =	strace $0x8000004B  }
0xb4: {  	_ =	swait.ge [sflag:s29], $0x1  }
0xb5: {  	[sflag:s29] =	ssyncadd.s32 $0xFFFFFFFF  }
0xb6: {  	_ =	strace $0x9000004B  }
0xb7: {  	_ =	sfence  }
0xb8: {  	s30 =	sld [smem:$0x0];
	_ =	sdelay $0x2  }
0xb9: {  	s31 =	sshll.u32 s1, $0xD;
	s1 =	sshrl.u32 s1, $0x2  }
0xba: {  	s3 =	sand.u32 $0x4000, s31;
	s1 =	sadd.s32 s1, s30  }
0xbb: {  	s0 =	sor.u32 s3, s0;
	s1 =	sshll.u32 s1, $0x11  }
0xbc: {  	s0 =	sor.u32 s1, s0  }
0xbd: {  	s0 =	sadd.s32 $0x8F2B, s0  }
0xbe: {  	[sflag:s0] =	ssyncadd.remote.s32 $0x1  }
0xbf: {  	_ =	sfence.sel $0xFFFF  }
0xc0: {  	[dreg:$0x0] =	wrdreg $0xFFFFFFFF;
	(pc) =	sbr.abs _section_cstart, $3  }
0xc1: {  	[dreg:$0x1] =	wrdreg $0xFFFFFFFF  }
0xc2: {  	_ =	task.clear_ibuf [dreg:s7], $0x2FFFF;
	_ =	strace $0x9FFFFFFF  }
0xc3: {  	(tm) =	ssettm $0x7FFFFFFF  }
tec
execute0_lowered:
.L_overlay_start_1:
0x0: {  	(tag) =	ssettag $0x1  }
0x1: {  	s0 =	srdreg.scid;
	s1 =	rddreg [dreg:$0x0]  }
0x2: {  	s11 =	stileid.u32;
	s5 =	rddreg [dreg:$0x1]  }
0x3: {  	s3 =	rddreg [dreg:$0x2];
	s4 =	simm.s32 $0x0;
	s22 =	simm.s32 $0x11000  }
0x4: {  	s23 =	simm.s32 $0x13000;
	s24 =	simm.s32 $0x15000;
	s25 =	simm.s32 $0x17000  }
0x5: {  	s26 =	simm.s32 $0x19000;
	s31 =	simm.s32 $0x1B000;
	s28 =	simm.s32 $0x6  }
0x6: {  	s29 =	simm.s32 $0x7;
	s30 =	simm.s32 $0x8;
	s6 =	smul.u32 $0xA000, s11  }
0x7: {  	s0 =	sand.u32 $0x1, s0;
	[smem:$0x7FF] =	sst s4;
	s8 =	smul.u32 $0x28000, s11  }
0x8: {  	s19 =	sshll.u32 s11, $0x6;
	_ =	strace $0x8000004A;
	[dreg:$0x4] =	wrdreg s22  }
0x9: {  	s2 =	sshll.u32 s0, $0x4;
	s7 =	smul.u32 $0xA0000, s0;
	[dreg:$0x5] =	wrdreg s23  }
0xa: {  	s9 =	ssub.s32 $0x2, s0;
	p0 =	sne.s32 s0, $0x0;
	[dreg:$0x6] =	wrdreg s24  }
0xb: {  	s20 =	sor.u32 $0x1C11, s19;
	s19 =	simm.s32 $0x80;
	[dreg:$0x7] =	wrdreg s25  }
0xc: {  	s22 =	simm.s32 $0xF000;
	s23 =	simm.s32 $0x2;
	[dreg:$0x8] =	wrdreg s26  }
0xd: {  	s24 =	simm.s32 $0x3;
	[dreg:$0x9] =	wrdreg s31;
	s25 =	simm.s32 $0x4  }
0xe: {  	s26 =	simm.s32 $0x5;
	s2 =	sor.u32 s11, s2;
	s10 =	sshrl.u32 s9, $0x1  }
0xf: {  	s8 =	sshrl.u32 s8, $0x2;
	s15 =	sadd.s32 s6, s3;
	[dreg:$0x14] =	wrdreg s20  }
0x10: {  	s20 =	simm.s32 $0x1D000;
	s2 =	smul.u32 $0x500, s2;
	s8 =	sadd.s32 s8, s3  }
0x11: {  	s7 =	sadd.s32 s6, s7;
	s21 =	sshrl.u32 s15, $0x3;
	[dreg:$0xa] =	wrdreg s8  }
0x12: {  	s10 =	ssub.s32 s9, s10;
	s12 =	sadd.s32 $0x2000, s8;
	[dreg:$0x15] =	wrdreg s21  }
0x13: {  	s6 =	sshrl.u32 s6, $0x3;
	s13 =	sadd.s32 $0x4000, s8;
	[dreg:$0xb] =	wrdreg s12  }
0x14: {  	s9 =	simm.s32 $0x10;
	s14 =	sadd.s32 $0x6000, s8;
	[dreg:$0xc] =	wrdreg s13  }
0x15: {  	s7 =	sshrl.u32 s7, $0x3;
	s8 =	sadd.s32 $0x8000, s8;
	[dreg:$0xd] =	wrdreg s14  }
0x16: {  	s6 =	sadd.s32 s1, s6;
	s18 =	smax.u32 s10, $0x1;
	[dreg:$0xe] =	wrdreg s8  }
0x17: {  	s21 =	simm.s32 $0x1;
	s2 =	sadd.s32 s2, s5;
	[dreg:$0xf] =	wrdreg s6  }
0x18: {  	s5 =	sadd.s32 s7, s5;
	[dreg:$0x13] =	wrdreg s18;
	s16 =	sadd.s32 $0xBA00, s2  }
0x19: {  	s6 =	simm.s32 $0xD;
	s2 =	sadd.s32 $0x1A00, s2;
	[dreg:$0x10] =	wrdreg s16  }
0x1a: {  	s7 =	simm.s32 $0xE;
	s17 =	sadd.s32 $0x15A00, s5;
	[dreg:$0x11] =	wrdreg s2  }
0x1b: {  	v0 =	vimm.f32 $0.0e+00;
	s8 =	simm.s32 $0xF;
	[dreg:$0x12] =	wrdreg s17;
	s17 =	simm.s32 $0x11  }
.LBB2_1:
.Ltmp0:
0x1c: {  	(pc) =	sbr.rel @p0 .LBB2_3-.Ltmp0, $1  }
0x1d: {  	_ =	sdelay $0x3  }
0x1e: {  	s0 =	rddreg [dreg:$0xf]  }
0x1f: {  	s2 =	rddreg [dreg:$0x14]  }
.Ltmp1:
0x20: {  	s5 =	rddreg [dreg:$0x15];
	(pc) =	sbr.rel .LBB2_6-.Ltmp1, $4  }
0x21: {  	[spmem:s5], [sflag:s2] =	dma.local [hbm:s0], $0x1400  }
0x22: {  	_ =	swait.ge [sflag:s17], $0x1400  }
0x23: {  	[sflag:s17] =	ssyncset.done $0x0  }
0x24: {  	[sflag:s17] =	ssyncadd.s32 $0xFFFFEC00  }
.LBB2_3:
0x25: {  	s10 =	simm.s32 $0x100;
	s5 =	simm.s32 $0x0  }
.LBB2_4:
0x26: {  	p1 =	sne.s32 s10, $0x7F00;
	[tilespmem:s5+$0xF030] =	vst v0;
	s11 =	smov.u32 s10;
	s10 =	sadd.s32 $0x100, s10  }
.Ltmp2:
0x27: {  	[tilespmem:s5+$0xF020] =	vst v0;
	(pc) =	sbr.rel @p1 .LBB2_4-.Ltmp2, $3  }
0x28: {  	[tilespmem:s5+$0xF000] =	vst v0  }
0x29: {  	[tilespmem:s5+$0xF010] =	vst v0;
	_ =	sdelay $0x1  }
0x2a: {  	s5 =	sshra.s32 s11, $0x2  }
0x2b: {  	[tilespmem:s5+$0xF030] =	vst v0  }
0x2c: {  	[tilespmem:s5+$0xF020] =	vst v0  }
0x2d: {  	[tilespmem:s5+$0xF000] =	vst v0  }
0x2e: {  	[tilespmem:s5+$0xF010] =	vst v0;
	s0 =	rddreg [dreg:$0xa]  }
0x2f: {  	[spmem:s0] =	stream.linear.scatter [tilespmem:s22], [sflag:$0x11], $0x2000, $0x38;
	[tilespmem:$0x1F000] =	vst v63  }
0x30: {  	_ =	swait.ge [sflag:s17], $0x2000  }
0x31: {  	[sflag:s17] =	ssyncset.done $0x0  }
0x32: {  	s15 =	rddreg [dreg:$0xb];
	[sflag:s17] =	ssyncadd.s32 $0xFFFFE000  }
0x33: {  	[spmem:s15] =	stream.linear.scatter [tilespmem:s22], [sflag:$0x11], $0x2000, $0x38;
	[tilespmem:$0x1F000] =	vst v63  }
0x34: {  	_ =	swait.ge [sflag:s17], $0x2000  }
0x35: {  	[sflag:s17] =	ssyncset.done $0x0  }
0x36: {  	s16 =	rddreg [dreg:$0xc];
	[sflag:s17] =	ssyncadd.s32 $0xFFFFE000  }
0x37: {  	[spmem:s16] =	stream.linear.scatter [tilespmem:s22], [sflag:$0x11], $0x2000, $0x38;
	[tilespmem:$0x1F000] =	vst v63  }
0x38: {  	_ =	swait.ge [sflag:s17], $0x2000  }
0x39: {  	[sflag:s17] =	ssyncset.done $0x0  }
0x3a: {  	s18 =	rddreg [dreg:$0xd];
	[sflag:s17] =	ssyncadd.s32 $0xFFFFE000  }
0x3b: {  	[spmem:s18] =	stream.linear.scatter [tilespmem:s22], [sflag:$0x11], $0x2000, $0x38;
	[tilespmem:$0x1F000] =	vst v63  }
0x3c: {  	_ =	swait.ge [sflag:s17], $0x2000  }
0x3d: {  	[sflag:s17] =	ssyncset.done $0x0  }
0x3e: {  	s31 =	rddreg [dreg:$0xe];
	[sflag:s17] =	ssyncadd.s32 $0xFFFFE000  }
0x3f: {  	[spmem:s31] =	stream.linear.scatter [tilespmem:s22], [sflag:$0x11], $0x2000, $0x38;
	[tilespmem:$0x1F000] =	vst v63  }
0x40: {  	_ =	swait.ge [sflag:s17], $0x2000  }
0x41: {  	[sflag:s17] =	ssyncset.done $0x0  }
0x42: {  	[sflag:s17] =	ssyncadd.s32 $0xFFFFE000  }
.LBB2_6:
0x43: {  	s5 =	simm.s32 $0x0;
	s0 =	rddreg [dreg:$0x10]  }
0x44: {  	[tilespmem:s5], [sflag:$0x11] =	stream.linear.gather [hbm4b:s0+s5], $0x2800, $0x38;
	[tilespmem:$0x1F000] =	vst v63  }
0x45: {  	_ =	swait.ge [sflag:s17], $0x2800  }
0x46: {  	[sflag:s17] =	ssyncset.done $0x0  }
0x47: {  	s2 =	simm.s32 $0x2800;
	s11 =	rddreg [dreg:$0x11];
	[sflag:s17] =	ssyncadd.s32 $0xFFFFD800  }
0x48: {  	[tilespmem:s2], [sflag:$0x11] =	stream.linear.gather [hbm4b:s11+s5], $0x2800, $0x38;
	[tilespmem:$0x1F000] =	vst v63  }
0x49: {  	_ =	swait.ge [sflag:s17], $0x2800  }
0x4a: {  	[sflag:s17] =	ssyncset.done $0x0  }
0x4b: {  	p1 =	por $0x0, $0x0;
	[sflag:s17] =	ssyncadd.s32 $0xFFFFD800  }
0x4c: {  	s5 =	simm.s32 @p1 $0x9;
	[bflag:$0x0] =	sbarrier.arrive $0xFFFF  }
0x4d: {  	_ =	swait.ge @p1 [sflag:s5], $0x2000  }
0x4e: {  	s10 =	simm.s32 @p1 $0xF000;
	s12 =	simm.s32 @p1 $0x80;
	[sflag:s5] =	ssyncset.done @p1 $0x0  }
0x4f: {  	s11 =	simm.s32 @p1 $0xA;
	[sflag:s5] =	ssyncadd.s32 @p1 $0xFFFFE000;
	s5 =	simm.s32 @p1 $0x0  }
0x50: {  	[tilespmem:s10], [sflag:$0x1] =	stream.indirect.gather @p1 [hbm4b:s1+s12], $0x40, s5, s12, $0xb8;
	[tilespmem:$0x1F000] =	vst v63  }
0x51: {  	_ =	swait.ge @p1 [sflag:s11], $0x2000  }
0x52: {  	s5 =	simm.s32 @p1 $0x80;
	[sflag:s11] =	ssyncset.done @p1 $0x0  }
0x53: {  	s10 =	simm.s32 @p1 $0x11000;
	[sflag:s11] =	ssyncadd.s32 @p1 $0xFFFFE000;
	s11 =	simm.s32 @p1 $0xB  }
0x54: {  	[tilespmem:s10], [sflag:$0x2] =	stream.indirect.gather @p1 [hbm4b:s1+s12], $0x40, s5, s12, $0xb8;
	[tilespmem:$0x1F000] =	vst v63  }
0x55: {  	_ =	swait.ge @p1 [sflag:s11], $0x2000  }
0x56: {  	s5 =	simm.s32 @p1 $0x100;
	[sflag:s11] =	ssyncset.done @p1 $0x0  }
0x57: {  	s10 =	simm.s32 @p1 $0x13000;
	[sflag:s11] =	ssyncadd.s32 @p1 $0xFFFFE000;
	s11 =	simm.s32 @p1 $0xC  }
0x58: {  	[tilespmem:s10], [sflag:$0x3] =	stream.indirect.gather @p1 [hbm4b:s1+s12], $0x40, s5, s12, $0xb8;
	[tilespmem:$0x1F000] =	vst v63  }
0x59: {  	_ =	swait.ge @p1 [sflag:s11], $0x2000  }
0x5a: {  	s5 =	simm.s32 @p1 $0x180;
	[sflag:s11] =	ssyncset.done @p1 $0x0  }
0x5b: {  	s10 =	simm.s32 @p1 $0x15000;
	[sflag:s11] =	ssyncadd.s32 @p1 $0xFFFFE000;
	s11 =	simm.s32 @p1 $0xD  }
0x5c: {  	[tilespmem:s10], [sflag:$0x4] =	stream.indirect.gather @p1 [hbm4b:s1+s12], $0x40, s5, s12, $0xb8;
	[tilespmem:$0x1F000] =	vst v63  }
0x5d: {  	_ =	swait.ge @p1 [sflag:s11], $0x2000  }
0x5e: {  	s5 =	simm.s32 @p1 $0x200;
	[sflag:s11] =	ssyncset.done @p1 $0x0  }
0x5f: {  	s10 =	simm.s32 @p1 $0x17000;
	[sflag:s11] =	ssyncadd.s32 @p1 $0xFFFFE000;
	s11 =	simm.s32 @p1 $0xE  }
0x60: {  	[tilespmem:s10], [sflag:$0x5] =	stream.indirect.gather @p1 [hbm4b:s1+s12], $0x40, s5, s12, $0xb8;
	[tilespmem:$0x1F000] =	vst v63  }
0x61: {  	_ =	swait.ge @p1 [sflag:s11], $0x2000  }
0x62: {  	s5 =	simm.s32 @p1 $0x280;
	[sflag:s11] =	ssyncset.done @p1 $0x0  }
0x63: {  	s10 =	simm.s32 @p1 $0x19000;
	[sflag:s11] =	ssyncadd.s32 @p1 $0xFFFFE000;
	s11 =	simm.s32 @p1 $0xF  }
0x64: {  	[tilespmem:s10], [sflag:$0x6] =	stream.indirect.gather @p1 [hbm4b:s1+s12], $0x40, s5, s12, $0xb8;
	[tilespmem:$0x1F000] =	vst v63  }
0x65: {  	_ =	swait.ge @p1 [sflag:s11], $0x2000  }
0x66: {  	s5 =	simm.s32 @p1 $0x300;
	[sflag:s11] =	ssyncset.done @p1 $0x0  }
0x67: {  	s10 =	simm.s32 @p1 $0x1B000;
	[sflag:s11] =	ssyncadd.s32 @p1 $0xFFFFE000;
	s11 =	simm.s32 @p1 $0x10  }
0x68: {  	[tilespmem:s10], [sflag:$0x7] =	stream.indirect.gather @p1 [hbm4b:s1+s12], $0x40, s5, s12, $0xb8;
	[tilespmem:$0x1F000] =	vst v63  }
0x69: {  	_ =	swait.ge @p1 [sflag:s11], $0x2000  }
0x6a: {  	s5 =	simm.s32 @!p1 $0xF000;
	[sflag:s11] =	ssyncset.done @p1 $0x0  }
0x6b: {  	s10 =	simm.s32 @!p1 $0x0;
	[sflag:s11] =	ssyncadd.s32 @p1 $0xFFFFE000;
	s11 =	simm.s32 @!p1 $0x80  }
0x6c: {  	[tilespmem:s5], [sflag:$0x1] =	stream.indirect.gather @!p1 [hbm4b:s1+s11], $0x40, s10, s11, $0xb8;
	[tilespmem:$0x1F000] =	vst v63  }
0x6d: {  	s5 =	simm.s32 @!p1 $0x11000  }
0x6e: {  	[tilespmem:s5], [sflag:$0x2] =	stream.indirect.gather @!p1 [hbm4b:s1+s11], $0x40, s11, s11, $0xb8;
	[tilespmem:$0x1F000] =	vst v63  }
0x6f: {  	s10 =	simm.s32 @!p1 $0x13000;
	s5 =	simm.s32 @!p1 $0x100  }
0x70: {  	[tilespmem:s10], [sflag:$0x3] =	stream.indirect.gather @!p1 [hbm4b:s1+s11], $0x40, s5, s11, $0xb8;
	[tilespmem:$0x1F000] =	vst v63  }
0x71: {  	s5 =	simm.s32 @!p1 $0x180;
	s10 =	simm.s32 @!p1 $0x15000  }
0x72: {  	[tilespmem:s10], [sflag:$0x4] =	stream.indirect.gather @!p1 [hbm4b:s1+s11], $0x40, s5, s11, $0xb8;
	[tilespmem:$0x1F000] =	vst v63  }
0x73: {  	s5 =	simm.s32 @!p1 $0x200;
	s10 =	simm.s32 @!p1 $0x17000  }
0x74: {  	[tilespmem:s10], [sflag:$0x5] =	stream.indirect.gather @!p1 [hbm4b:s1+s11], $0x40, s5, s11, $0xb8;
	[tilespmem:$0x1F000] =	vst v63  }
0x75: {  	s5 =	simm.s32 @!p1 $0x280;
	s10 =	simm.s32 @!p1 $0x19000  }
0x76: {  	[tilespmem:s10], [sflag:$0x6] =	stream.indirect.gather @!p1 [hbm4b:s1+s11], $0x40, s5, s11, $0xb8;
	[tilespmem:$0x1F000] =	vst v63  }
0x77: {  	s12 =	simm.s32 @!p1 $0x1B000;
	s10 =	simm.s32 $0x380;
	s5 =	simm.s32 @!p1 $0x300  }
0x78: {  	[tilespmem:s12], [sflag:$0x7] =	stream.indirect.gather @!p1 [hbm4b:s1+s11], $0x40, s5, s11, $0xb8;
	[tilespmem:$0x1F000] =	vst v63  }
0x79: {  	s10 =	simm.s32 @!p1 $0x380  }
0x7a: {  	[tilespmem:s20], [sflag:$0x8] =	stream.indirect.gather [hbm4b:s1+s19], $0x40, s10, s19, $0xb8;
	[tilespmem:$0x1F000] =	vst v63  }
0x7b: {  	_ =	swait.ge [sflag:s21], $0x2000  }
0x7c: {  	[sflag:s21] =	ssyncset.done $0x0  }
0x7d: {  	s12 =	simm.s32 $0x2800;
	[sflag:s21] =	ssyncadd.s32 $0xFFFFE000  }
0x7e: {  	[spmem:s3] =	stream.indirect.scatter.add.f32 [tilespmem:s22], [sflag:$0x9], $0x40, s12, s19, $0xb8;
	[tilespmem:$0x1F000] =	vst v63  }
0x7f: {  	s5 =	simm.s32 @p1 $0x80;
	_ =	swait.ge [sflag:s23], $0x2000  }
0x80: {  	s5 =	simm.s32 @!p1 $0x80;
	[sflag:s23] =	ssyncset.done $0x0  }
0x81: {  	s5 =	sadd.s32 $0x2800, s5;
	s13 =	rddreg [dreg:$0x4];
	[sflag:s23] =	ssyncadd.s32 $0xFFFFE000  }
0x82: {  	[spmem:s3] =	stream.indirect.scatter.add.f32 [tilespmem:s13], [sflag:$0xA], $0x40, s5, s19, $0xb8;
	[tilespmem:$0x1F000] =	vst v63  }
0x83: {  	s5 =	simm.s32 @p1 $0x100;
	_ =	swait.ge [sflag:s24], $0x2000  }
0x84: {  	s5 =	simm.s32 @!p1 $0x100;
	[sflag:s24] =	ssyncset.done $0x0  }
0x85: {  	s14 =	rddreg [dreg:$0x5];
	s5 =	sadd.s32 $0x2800, s5;
	[sflag:s24] =	ssyncadd.s32 $0xFFFFE000  }
0x86: {  	[spmem:s3] =	stream.indirect.scatter.add.f32 [tilespmem:s14], [sflag:$0xB], $0x40, s5, s19, $0xb8;
	[tilespmem:$0x1F000] =	vst v63  }
0x87: {  	s5 =	simm.s32 @p1 $0x180;
	_ =	swait.ge [sflag:s25], $0x2000  }
0x88: {  	s5 =	simm.s32 @!p1 $0x180;
	[sflag:s25] =	ssyncset.done $0x0  }
0x89: {  	s15 =	rddreg [dreg:$0x6];
	s5 =	sadd.s32 $0x2800, s5;
	[sflag:s25] =	ssyncadd.s32 $0xFFFFE000  }
0x8a: {  	[spmem:s3] =	stream.indirect.scatter.add.f32 [tilespmem:s15], [sflag:$0xC], $0x40, s5, s19, $0xb8;
	[tilespmem:$0x1F000] =	vst v63  }
0x8b: {  	s5 =	simm.s32 @p1 $0x200;
	_ =	swait.ge [sflag:s26], $0x2000  }
0x8c: {  	s5 =	simm.s32 @!p1 $0x200;
	[sflag:s26] =	ssyncset.done $0x0  }
0x8d: {  	s16 =	rddreg [dreg:$0x7];
	s5 =	sadd.s32 $0x2800, s5;
	[sflag:s26] =	ssyncadd.s32 $0xFFFFE000  }
0x8e: {  	[spmem:s3] =	stream.indirect.scatter.add.f32 [tilespmem:s16], [sflag:$0xD], $0x40, s5, s19, $0xb8;
	[tilespmem:$0x1F000] =	vst v63  }
0x8f: {  	s5 =	simm.s32 @p1 $0x280;
	_ =	swait.ge [sflag:s28], $0x2000  }
0x90: {  	s11 =	simm.s32 @p1 $0x300;
	s5 =	simm.s32 @!p1 $0x280;
	[sflag:s28] =	ssyncset.done $0x0  }
0x91: {  	s18 =	rddreg [dreg:$0x8];
	s5 =	sadd.s32 $0x2800, s5;
	[sflag:s28] =	ssyncadd.s32 $0xFFFFE000  }
0x92: {  	[spmem:s3] =	stream.indirect.scatter.add.f32 [tilespmem:s18], [sflag:$0xE], $0x40, s5, s19, $0xb8;
	[tilespmem:$0x1F000] =	vst v63  }
0x93: {  	s11 =	simm.s32 @!p1 $0x300;
	_ =	swait.ge [sflag:s29], $0x2000  }
0x94: {  	s11 =	sadd.s32 $0x2800, s11;
	[sflag:s29] =	ssyncset.done $0x0  }
0x95: {  	s10 =	sadd.s32 $0x2800, s10;
	s31 =	rddreg [dreg:$0x9];
	[sflag:s29] =	ssyncadd.s32 $0xFFFFE000  }
0x96: {  	[spmem:s3] =	stream.indirect.scatter.add.f32 [tilespmem:s31], [sflag:$0xF], $0x40, s11, s19, $0xb8;
	[tilespmem:$0x1F000] =	vst v63  }
0x97: {  	s13 =	simm.s32 $0x780;
	p1 =	por $0x1, $0x1;
	_ =	swait.ge [sflag:s30], $0x2000  }
0x98: {  	s5 =	simm.s32 $0x1000;
	s11 =	simm.s32 $0x2000;
	[sflag:s30] =	ssyncset.done $0x0  }
.LBB2_7:
0x99: {  	s14 =	simm.s32 @p1 $0x9;
	[sflag:s30] =	ssyncadd.s32 $0xFFFFE000  }
0x9a: {  	[spmem:s3] =	stream.indirect.scatter.add.f32 [tilespmem:s20], [sflag:$0x10], $0x40, s10, s19, $0xb8;
	[tilespmem:$0x1F000] =	vst v63  }
0x9b: {  	_ =	swait.ge @p1 [sflag:s14], $0x2000  }
0x9c: {  	s15 =	simm.s32 @p1 $0xF000;
	s16 =	simm.s32 @p1 $0xA;
	[sflag:s14] =	ssyncset.done @p1 $0x0  }
0x9d: {  	s10 =	simm.s32 @p1 $0x80;
	[sflag:s14] =	ssyncadd.s32 @p1 $0xFFFFE000;
	s14 =	sshra.s32 @p1 s5, $0x2  }
0x9e: {  	[tilespmem:s15], [sflag:$0x1] =	stream.indirect.gather @p1 [hbm4b:s1+s10], $0x40, s14, s10, $0xb8;
	[tilespmem:$0x1F000] =	vst v63  }
0x9f: {  	_ =	swait.ge @p1 [sflag:s16], $0x2000  }
0xa0: {  	s18 =	simm.s32 @p1 $0xB;
	[sflag:s16] =	ssyncset.done @p1 $0x0  }
0xa1: {  	s15 =	sadd.s32 @p1 $0x80, s14;
	[sflag:s16] =	ssyncadd.s32 @p1 $0xFFFFE000;
	s16 =	simm.s32 @p1 $0x11000  }
0xa2: {  	[tilespmem:s16], [sflag:$0x2] =	stream.indirect.gather @p1 [hbm4b:s1+s10], $0x40, s15, s10, $0xb8;
	[tilespmem:$0x1F000] =	vst v63  }
0xa3: {  	_ =	swait.ge @p1 [sflag:s18], $0x2000  }
0xa4: {  	s31 =	sadd.s32 @p1 $0x100, s14;
	[sflag:s18] =	ssyncset.done @p1 $0x0  }
0xa5: {  	s16 =	simm.s32 @p1 $0x13000;
	[sflag:s18] =	ssyncadd.s32 @p1 $0xFFFFE000;
	s18 =	simm.s32 @p1 $0xC  }
0xa6: {  	[tilespmem:s16], [sflag:$0x3] =	stream.indirect.gather @p1 [hbm4b:s1+s10], $0x40, s31, s10, $0xb8;
	[tilespmem:$0x1F000] =	vst v63  }
0xa7: {  	_ =	swait.ge @p1 [sflag:s18], $0x2000  }
0xa8: {  	s2 =	sadd.s32 @p1 $0x180, s14;
	[sflag:s18] =	ssyncset.done @p1 $0x0  }
0xa9: {  	s16 =	simm.s32 @p1 $0x15000;
	[sflag:s18] =	ssyncadd.s32 @p1 $0xFFFFE000;
	s18 =	simm.s32 @p1 $0xD  }
0xaa: {  	[tilespmem:s16], [sflag:$0x4] =	stream.indirect.gather @p1 [hbm4b:s1+s10], $0x40, s2, s10, $0xb8;
	[tilespmem:$0x1F000] =	vst v63  }
0xab: {  	_ =	swait.ge @p1 [sflag:s18], $0x2000  }
0xac: {  	s0 =	sadd.s32 @p1 $0x200, s14;
	[sflag:s18] =	ssyncset.done @p1 $0x0  }
0xad: {  	s2 =	simm.s32 @p1 $0x17000;
	s16 =	simm.s32 @p1 $0xE;
	[sflag:s18] =	ssyncadd.s32 @p1 $0xFFFFE000  }
0xae: {  	[tilespmem:s2], [sflag:$0x5] =	stream.indirect.gather @p1 [hbm4b:s1+s10], $0x40, s0, s10, $0xb8;
	[tilespmem:$0x1F000] =	vst v63  }
0xaf: {  	_ =	swait.ge @p1 [sflag:s16], $0x2000  }
0xb0: {  	s15 =	sadd.s32 @p1 $0x280, s14;
	[sflag:s16] =	ssyncset.done @p1 $0x0  }
0xb1: {  	s0 =	simm.s32 @p1 $0x19000;
	s2 =	simm.s32 @p1 $0xF;
	[sflag:s16] =	ssyncadd.s32 @p1 $0xFFFFE000  }
0xb2: {  	[tilespmem:s0], [sflag:$0x6] =	stream.indirect.gather @p1 [hbm4b:s1+s10], $0x40, s15, s10, $0xb8;
	[tilespmem:$0x1F000] =	vst v63  }
0xb3: {  	_ =	swait.ge @p1 [sflag:s2], $0x2000  }
0xb4: {  	s14 =	sadd.s32 @p1 $0x300, s14;
	[sflag:s2] =	ssyncset.done @p1 $0x0  }
0xb5: {  	s0 =	simm.s32 @p1 $0x1B000;
	[sflag:s2] =	ssyncadd.s32 @p1 $0xFFFFE000;
	s2 =	simm.s32 @p1 $0x10  }
0xb6: {  	[tilespmem:s0], [sflag:$0x7] =	stream.indirect.gather @p1 [hbm4b:s1+s10], $0x40, s14, s10, $0xb8;
	[tilespmem:$0x1F000] =	vst v63  }
0xb7: {  	_ =	swait.ge @p1 [sflag:s2], $0x2000  }
0xb8: {  	s0 =	simm.s32 @!p1 $0xF000;
	[sflag:s2] =	ssyncset.done @p1 $0x0  }
0xb9: {  	s10 =	simm.s32 @!p1 $0x80;
	[sflag:s2] =	ssyncadd.s32 @p1 $0xFFFFE000;
	s2 =	sshra.s32 @!p1 s5, $0x2  }
0xba: {  	[tilespmem:s0], [sflag:$0x1] =	stream.indirect.gather @!p1 [hbm4b:s1+s10], $0x40, s2, s10, $0xb8;
	[tilespmem:$0x1F000] =	vst v63  }
0xbb: {  	s0 =	simm.s32 @!p1 $0x11000  }
0xbc: {  	[tilespmem:s0], [sflag:$0x2] =	stream.indirect.gather @!p1 [hbm4b:s1+s10], $0x40, s10, s10, $0xb8;
	[tilespmem:$0x1F000] =	vst v63  }
0xbd: {  	s2 =	simm.s32 @!p1 $0x13000;
	s0 =	simm.s32 @!p1 $0x100  }
0xbe: {  	[tilespmem:s2], [sflag:$0x3] =	stream.indirect.gather @!p1 [hbm4b:s1+s10], $0x40, s0, s10, $0xb8;
	[tilespmem:$0x1F000] =	vst v63  }
0xbf: {  	s0 =	simm.s32 @!p1 $0x180;
	s2 =	simm.s32 @!p1 $0x15000  }
0xc0: {  	[tilespmem:s2], [sflag:$0x4] =	stream.indirect.gather @!p1 [hbm4b:s1+s10], $0x40, s0, s10, $0xb8;
	[tilespmem:$0x1F000] =	vst v63  }
0xc1: {  	s0 =	simm.s32 @!p1 $0x200;
	s2 =	simm.s32 @!p1 $0x17000  }
0xc2: {  	[tilespmem:s2], [sflag:$0x5] =	stream.indirect.gather @!p1 [hbm4b:s1+s10], $0x40, s0, s10, $0xb8;
	[tilespmem:$0x1F000] =	vst v63  }
0xc3: {  	s0 =	simm.s32 @!p1 $0x280;
	s2 =	simm.s32 @!p1 $0x19000  }
0xc4: {  	[tilespmem:s2], [sflag:$0x6] =	stream.indirect.gather @!p1 [hbm4b:s1+s10], $0x40, s0, s10, $0xb8;
	[tilespmem:$0x1F000] =	vst v63  }
0xc5: {  	s0 =	simm.s32 @!p1 $0x300;
	s2 =	simm.s32 @!p1 $0x1B000  }
0xc6: {  	[tilespmem:s2], [sflag:$0x7] =	stream.indirect.gather @!p1 [hbm4b:s1+s10], $0x40, s0, s10, $0xb8;
	[tilespmem:$0x1F000] =	vst v63  }
0xc7: {  	s10 =	smov.u32 s13  }
0xc8: {  	s10 =	simm.s32 @!p1 $0x380  }
0xc9: {  	[tilespmem:s20], [sflag:$0x8] =	stream.indirect.gather [hbm4b:s1+s19], $0x40, s10, s19, $0xb8;
	[tilespmem:$0x1F000] =	vst v63  }
0xca: {  	_ =	swait.ge [sflag:s21], $0x2000  }
0xcb: {  	s2 =	sshra.s32 s5, $0x2;
	[sflag:s21] =	ssyncset.done $0x0  }
0xcc: {  	s0 =	sadd.s32 $0x2800, s2;
	[sflag:s21] =	ssyncadd.s32 $0xFFFFE000  }
0xcd: {  	[spmem:s3] =	stream.indirect.scatter.add.f32 [tilespmem:s22], [sflag:$0x9], $0x40, s0, s19, $0xb8;
	[tilespmem:$0x1F000] =	vst v63  }
0xce: {  	s12 =	smov.u32 s11;
	s0 =	sadd.s32 @p1 $0xFFFFFD00, s13;
	_ =	swait.ge [sflag:s23], $0x2000  }
0xcf: {  	s5 =	smov.u32 s12;
	s0 =	simm.s32 @!p1 $0x80;
	[sflag:s23] =	ssyncset.done $0x0  }
0xd0: {  	s12 =	rddreg [dreg:$0x4];
	s0 =	sadd.s32 $0x2800, s0;
	[sflag:s23] =	ssyncadd.s32 $0xFFFFE000  }
0xd1: {  	[spmem:s3] =	stream.indirect.scatter.add.f32 [tilespmem:s12], [sflag:$0xA], $0x40, s0, s19, $0xb8;
	[tilespmem:$0x1F000] =	vst v63  }
0xd2: {  	s0 =	sadd.s32 @p1 $0xFFFFFD80, s13;
	_ =	swait.ge [sflag:s24], $0x2000  }
0xd3: {  	s0 =	simm.s32 @!p1 $0x100;
	[sflag:s24] =	ssyncset.done $0x0  }
0xd4: {  	s14 =	rddreg [dreg:$0x5];
	s0 =	sadd.s32 $0x2800, s0;
	[sflag:s24] =	ssyncadd.s32 $0xFFFFE000  }
0xd5: {  	[spmem:s3] =	stream.indirect.scatter.add.f32 [tilespmem:s14], [sflag:$0xB], $0x40, s0, s19, $0xb8;
	[tilespmem:$0x1F000] =	vst v63  }
0xd6: {  	s0 =	sadd.s32 @p1 $0xFFFFFE00, s13;
	_ =	swait.ge [sflag:s25], $0x2000  }
0xd7: {  	s0 =	simm.s32 @!p1 $0x180;
	[sflag:s25] =	ssyncset.done $0x0  }
0xd8: {  	s15 =	rddreg [dreg:$0x6];
	s0 =	sadd.s32 $0x2800, s0;
	[sflag:s25] =	ssyncadd.s32 $0xFFFFE000  }
0xd9: {  	[spmem:s3] =	stream.indirect.scatter.add.f32 [tilespmem:s15], [sflag:$0xC], $0x40, s0, s19, $0xb8;
	[tilespmem:$0x1F000] =	vst v63  }
0xda: {  	s0 =	sadd.s32 @p1 $0xFFFFFE80, s13;
	_ =	swait.ge [sflag:s26], $0x2000  }
0xdb: {  	s0 =	simm.s32 @!p1 $0x200;
	[sflag:s26] =	ssyncset.done $0x0  }
0xdc: {  	s16 =	rddreg [dreg:$0x7];
	s0 =	sadd.s32 $0x2800, s0;
	[sflag:s26] =	ssyncadd.s32 $0xFFFFE000  }
0xdd: {  	[spmem:s3] =	stream.indirect.scatter.add.f32 [tilespmem:s16], [sflag:$0xD], $0x40, s0, s19, $0xb8;
	[tilespmem:$0x1F000] =	vst v63  }
0xde: {  	s0 =	sadd.s32 @p1 $0xFFFFFF00, s13;
	_ =	swait.ge [sflag:s28], $0x2000  }
0xdf: {  	s11 =	sadd.s32 $0x1000, s11;
	s0 =	simm.s32 @!p1 $0x280;
	[sflag:s28] =	ssyncset.done $0x0  }
0xe0: {  	s18 =	rddreg [dreg:$0x8];
	s0 =	sadd.s32 $0x2800, s0;
	[sflag:s28] =	ssyncadd.s32 $0xFFFFE000  }
0xe1: {  	[spmem:s3] =	stream.indirect.scatter.add.f32 [tilespmem:s18], [sflag:$0xE], $0x40, s0, s19, $0xb8;
	[tilespmem:$0x1F000] =	vst v63  }
0xe2: {  	p2 =	sne.s32 s11, $0xA000;
	s0 =	sadd.s32 @p1 $0xFFFFFF80, s13;
	_ =	swait.ge [sflag:s29], $0x2000  }
.Ltmp3:
0xe3: {  	s0 =	simm.s32 @!p1 $0x300;
	[sflag:s29] =	ssyncset.done $0x0;
	(pc) =	sbr.rel @p2 .LBB2_7-.Ltmp3, $4  }
0xe4: {  	s31 =	rddreg [dreg:$0x9];
	s0 =	sadd.s32 $0x2800, s0;
	[sflag:s29] =	ssyncadd.s32 $0xFFFFE000  }
0xe5: {  	[spmem:s3] =	stream.indirect.scatter.add.f32 [tilespmem:s31], [sflag:$0xF], $0x40, s0, s19, $0xb8;
	[tilespmem:$0x1F000] =	vst v63  }
0xe6: {  	s10 =	sadd.s32 $0x2800, s10;
	_ =	swait.ge [sflag:s30], $0x2000  }
0xe7: {  	s13 =	sadd.s32 $0x400, s13;
	p1 =	sne.s32 s5, $0x0;
	[sflag:s30] =	ssyncset.done $0x0  }
0xe8: {  	s0 =	simm.s32 @p1 $0x9;
	[sflag:s30] =	ssyncadd.s32 $0xFFFFE000  }
0xe9: {  	[spmem:s3] =	stream.indirect.scatter.add.f32 [tilespmem:s20], [sflag:$0x10], $0x40, s10, s19, $0xb8;
	[tilespmem:$0x1F000] =	vst v63  }
0xea: {  	_ =	swait.ge @p1 [sflag:s0], $0x2000  }
0xeb: {  	s2 =	simm.s32 @p1 $0xF000;
	s11 =	simm.s32 @p1 $0x80;
	[sflag:s0] =	ssyncset.done @p1 $0x0  }
0xec: {  	s10 =	simm.s32 @p1 $0xA;
	[sflag:s0] =	ssyncadd.s32 @p1 $0xFFFFE000;
	s0 =	sshra.s32 @p1 s5, $0x2  }
0xed: {  	[tilespmem:s2], [sflag:$0x1] =	stream.indirect.gather @p1 [hbm4b:s1+s11], $0x40, s0, s11, $0xb8;
	[tilespmem:$0x1F000] =	vst v63  }
0xee: {  	_ =	swait.ge @p1 [sflag:s10], $0x2000  }
0xef: {  	[sflag:s10] =	ssyncset.done @p1 $0x0  }
0xf0: {  	s2 =	sadd.s32 @p1 $0x80, s0;
	[sflag:s10] =	ssyncadd.s32 @p1 $0xFFFFE000;
	s10 =	simm.s32 @p1 $0x11000  }
0xf1: {  	[tilespmem:s10], [sflag:$0x2] =	stream.indirect.gather @p1 [hbm4b:s1+s11], $0x40, s2, s11, $0xb8;
	[tilespmem:$0x1F000] =	vst v63  }
0xf2: {  	s2 =	simm.s32 @p1 $0xB  }
0xf3: {  	_ =	swait.ge @p1 [sflag:s2], $0x2000  }
0xf4: {  	[sflag:s2] =	ssyncset.done @p1 $0x0  }
0xf5: {  	s10 =	sadd.s32 @p1 $0x100, s0;
	[sflag:s2] =	ssyncadd.s32 @p1 $0xFFFFE000;
	s2 =	simm.s32 @p1 $0x13000  }
0xf6: {  	[tilespmem:s2], [sflag:$0x3] =	stream.indirect.gather @p1 [hbm4b:s1+s11], $0x40, s10, s11, $0xb8;
	[tilespmem:$0x1F000] =	vst v63  }
0xf7: {  	s2 =	simm.s32 @p1 $0xC  }
0xf8: {  	_ =	swait.ge @p1 [sflag:s2], $0x2000  }
0xf9: {  	[sflag:s2] =	ssyncset.done @p1 $0x0  }
0xfa: {  	s10 =	sadd.s32 @p1 $0x180, s0;
	[sflag:s2] =	ssyncadd.s32 @p1 $0xFFFFE000;
	s2 =	simm.s32 @p1 $0x15000  }
0xfb: {  	[tilespmem:s2], [sflag:$0x4] =	stream.indirect.gather @p1 [hbm4b:s1+s11], $0x40, s10, s11, $0xb8;
	[tilespmem:$0x1F000] =	vst v63  }
0xfc: {  	s2 =	simm.s32 @p1 $0xD  }
0xfd: {  	_ =	swait.ge @p1 [sflag:s2], $0x2000  }
0xfe: {  	[sflag:s2] =	ssyncset.done @p1 $0x0  }
0xff: {  	s10 =	sadd.s32 @p1 $0x200, s0;
	[sflag:s2] =	ssyncadd.s32 @p1 $0xFFFFE000;
	s2 =	simm.s32 @p1 $0x17000  }
0x100: {  	[tilespmem:s2], [sflag:$0x5] =	stream.indirect.gather @p1 [hbm4b:s1+s11], $0x40, s10, s11, $0xb8;
	[tilespmem:$0x1F000] =	vst v63  }
0x101: {  	s2 =	simm.s32 @p1 $0xE  }
0x102: {  	_ =	swait.ge @p1 [sflag:s2], $0x2000  }
0x103: {  	[sflag:s2] =	ssyncset.done @p1 $0x0  }
0x104: {  	s10 =	sadd.s32 @p1 $0x280, s0;
	[sflag:s2] =	ssyncadd.s32 @p1 $0xFFFFE000;
	s2 =	simm.s32 @p1 $0x19000  }
0x105: {  	[tilespmem:s2], [sflag:$0x6] =	stream.indirect.gather @p1 [hbm4b:s1+s11], $0x40, s10, s11, $0xb8;
	[tilespmem:$0x1F000] =	vst v63  }
0x106: {  	s2 =	simm.s32 @p1 $0xF  }
0x107: {  	_ =	swait.ge @p1 [sflag:s2], $0x2000  }
0x108: {  	[sflag:s2] =	ssyncset.done @p1 $0x0  }
0x109: {  	s0 =	sadd.s32 @p1 $0x300, s0;
	[sflag:s2] =	ssyncadd.s32 @p1 $0xFFFFE000;
	s2 =	simm.s32 @p1 $0x1B000  }
0x10a: {  	[tilespmem:s2], [sflag:$0x7] =	stream.indirect.gather @p1 [hbm4b:s1+s11], $0x40, s0, s11, $0xb8;
	[tilespmem:$0x1F000] =	vst v63  }
0x10b: {  	s0 =	simm.s32 @p1 $0x10  }
0x10c: {  	_ =	swait.ge @p1 [sflag:s0], $0x2000  }
0x10d: {  	s10 =	simm.s32 @!p1 $0x80;
	[sflag:s0] =	ssyncset.done @p1 $0x0  }
0x10e: {  	s2 =	simm.s32 @!p1 $0xF000;
	[sflag:s0] =	ssyncadd.s32 @p1 $0xFFFFE000;
	s0 =	sshra.s32 @!p1 s5, $0x2  }
0x10f: {  	[tilespmem:s2], [sflag:$0x1] =	stream.indirect.gather @!p1 [hbm4b:s1+s10], $0x40, s0, s10, $0xb8;
	[tilespmem:$0x1F000] =	vst v63  }
0x110: {  	s0 =	simm.s32 @!p1 $0x11000  }
0x111: {  	[tilespmem:s0], [sflag:$0x2] =	stream.indirect.gather @!p1 [hbm4b:s1+s10], $0x40, s10, s10, $0xb8;
	[tilespmem:$0x1F000] =	vst v63  }
0x112: {  	s2 =	simm.s32 @!p1 $0x13000;
	s0 =	simm.s32 @!p1 $0x100  }
0x113: {  	[tilespmem:s2], [sflag:$0x3] =	stream.indirect.gather @!p1 [hbm4b:s1+s10], $0x40, s0, s10, $0xb8;
	[tilespmem:$0x1F000] =	vst v63  }
0x114: {  	s0 =	simm.s32 @!p1 $0x180;
	s2 =	simm.s32 @!p1 $0x15000  }
0x115: {  	[tilespmem:s2], [sflag:$0x4] =	stream.indirect.gather @!p1 [hbm4b:s1+s10], $0x40, s0, s10, $0xb8;
	[tilespmem:$0x1F000] =	vst v63  }
0x116: {  	s0 =	simm.s32 @!p1 $0x200;
	s2 =	simm.s32 @!p1 $0x17000  }
0x117: {  	[tilespmem:s2], [sflag:$0x5] =	stream.indirect.gather @!p1 [hbm4b:s1+s10], $0x40, s0, s10, $0xb8;
	[tilespmem:$0x1F000] =	vst v63  }
0x118: {  	s0 =	simm.s32 @!p1 $0x280;
	s2 =	simm.s32 @!p1 $0x19000  }
0x119: {  	[tilespmem:s2], [sflag:$0x6] =	stream.indirect.gather @!p1 [hbm4b:s1+s10], $0x40, s0, s10, $0xb8;
	[tilespmem:$0x1F000] =	vst v63  }
0x11a: {  	s0 =	simm.s32 @!p1 $0x300;
	s2 =	simm.s32 @!p1 $0x1B000  }
0x11b: {  	[tilespmem:s2], [sflag:$0x7] =	stream.indirect.gather @!p1 [hbm4b:s1+s10], $0x40, s0, s10, $0xb8;
	[tilespmem:$0x1F000] =	vst v63  }
0x11c: {  	s0 =	smov.u32 s13  }
0x11d: {  	s0 =	simm.s32 @!p1 $0x380  }
0x11e: {  	[tilespmem:s20], [sflag:$0x8] =	stream.indirect.gather [hbm4b:s1+s19], $0x40, s0, s19, $0xb8;
	[tilespmem:$0x1F000] =	vst v63  }
0x11f: {  	_ =	swait.ge [sflag:s21], $0x2000  }
0x120: {  	s12 =	sshra.s32 s5, $0x2;
	[sflag:s21] =	ssyncset.done $0x0  }
0x121: {  	s2 =	sadd.s32 $0x2800, s12;
	[sflag:s21] =	ssyncadd.s32 $0xFFFFE000  }
0x122: {  	[spmem:s3] =	stream.indirect.scatter.add.f32 [tilespmem:s22], [sflag:$0x9], $0x40, s2, s19, $0xb8;
	[tilespmem:$0x1F000] =	vst v63  }
0x123: {  	s2 =	sadd.s32 @p1 $0xFFFFFD00, s13;
	_ =	swait.ge [sflag:s23], $0x2000  }
0x124: {  	s2 =	simm.s32 @!p1 $0x80;
	[sflag:s23] =	ssyncset.done $0x0  }
0x125: {  	s14 =	rddreg [dreg:$0x4];
	s2 =	sadd.s32 $0x2800, s2;
	[sflag:s23] =	ssyncadd.s32 $0xFFFFE000  }
0x126: {  	[spmem:s3] =	stream.indirect.scatter.add.f32 [tilespmem:s14], [sflag:$0xA], $0x40, s2, s19, $0xb8;
	[tilespmem:$0x1F000] =	vst v63  }
0x127: {  	s2 =	sadd.s32 @p1 $0xFFFFFD80, s13;
	_ =	swait.ge [sflag:s24], $0x2000  }
0x128: {  	s2 =	simm.s32 @!p1 $0x100;
	[sflag:s24] =	ssyncset.done $0x0  }
0x129: {  	s15 =	rddreg [dreg:$0x5];
	s2 =	sadd.s32 $0x2800, s2;
	[sflag:s24] =	ssyncadd.s32 $0xFFFFE000  }
0x12a: {  	[spmem:s3] =	stream.indirect.scatter.add.f32 [tilespmem:s15], [sflag:$0xB], $0x40, s2, s19, $0xb8;
	[tilespmem:$0x1F000] =	vst v63  }
0x12b: {  	s2 =	sadd.s32 @p1 $0xFFFFFE00, s13;
	_ =	swait.ge [sflag:s25], $0x2000  }
0x12c: {  	s2 =	simm.s32 @!p1 $0x180;
	[sflag:s25] =	ssyncset.done $0x0  }
0x12d: {  	s16 =	rddreg [dreg:$0x6];
	s2 =	sadd.s32 $0x2800, s2;
	[sflag:s25] =	ssyncadd.s32 $0xFFFFE000  }
0x12e: {  	[spmem:s3] =	stream.indirect.scatter.add.f32 [tilespmem:s16], [sflag:$0xC], $0x40, s2, s19, $0xb8;
	[tilespmem:$0x1F000] =	vst v63  }
0x12f: {  	s2 =	sadd.s32 @p1 $0xFFFFFE80, s13;
	_ =	swait.ge [sflag:s26], $0x2000  }
0x130: {  	s2 =	simm.s32 @!p1 $0x200;
	[sflag:s26] =	ssyncset.done $0x0  }
0x131: {  	s18 =	rddreg [dreg:$0x7];
	s2 =	sadd.s32 $0x2800, s2;
	[sflag:s26] =	ssyncadd.s32 $0xFFFFE000  }
0x132: {  	[spmem:s3] =	stream.indirect.scatter.add.f32 [tilespmem:s18], [sflag:$0xD], $0x40, s2, s19, $0xb8;
	[tilespmem:$0x1F000] =	vst v63  }
0x133: {  	s2 =	sadd.s32 @p1 $0xFFFFFF00, s13;
	_ =	swait.ge [sflag:s28], $0x2000  }
0x134: {  	s2 =	simm.s32 @!p1 $0x280;
	[sflag:s28] =	ssyncset.done $0x0  }
0x135: {  	s31 =	rddreg [dreg:$0x8];
	s2 =	sadd.s32 $0x2800, s2;
	[sflag:s28] =	ssyncadd.s32 $0xFFFFE000  }
0x136: {  	[spmem:s3] =	stream.indirect.scatter.add.f32 [tilespmem:s31], [sflag:$0xE], $0x40, s2, s19, $0xb8;
	[tilespmem:$0x1F000] =	vst v63  }
0x137: {  	s2 =	sadd.s32 @p1 $0xFFFFFF80, s13;
	_ =	swait.ge [sflag:s29], $0x2000  }
0x138: {  	s2 =	simm.s32 @!p1 $0x300;
	[sflag:s29] =	ssyncset.done $0x0  }
0x139: {  	s10 =	rddreg [dreg:$0x9];
	s2 =	sadd.s32 $0x2800, s2;
	[sflag:s29] =	ssyncadd.s32 $0xFFFFE000  }
0x13a: {  	[spmem:s3] =	stream.indirect.scatter.add.f32 [tilespmem:s10], [sflag:$0xF], $0x40, s2, s19, $0xb8;
	[tilespmem:$0x1F000] =	vst v63  }
0x13b: {  	_ =	swait.ge [sflag:s30], $0x2000  }
0x13c: {  	[sflag:s30] =	ssyncset.done $0x0  }
0x13d: {  	s11 =	simm.s32 $0x9;
	s0 =	sadd.s32 $0x2800, s0;
	[sflag:s30] =	ssyncadd.s32 $0xFFFFE000  }
0x13e: {  	[spmem:s3] =	stream.indirect.scatter.add.f32 [tilespmem:s20], [sflag:$0x10], $0x40, s0, s19, $0xb8;
	[tilespmem:$0x1F000] =	vst v63  }
0x13f: {  	_ =	swait.ge [sflag:s11], $0x2000  }
0x140: {  	[sflag:s11] =	ssyncset.done $0x0  }
0x141: {  	s12 =	simm.s32 $0xA;
	[sflag:s11] =	ssyncadd.s32 $0xFFFFE000  }
0x142: {  	_ =	swait.ge [sflag:s12], $0x2000  }
0x143: {  	[sflag:s12] =	ssyncset.done $0x0  }
0x144: {  	s13 =	simm.s32 $0xB;
	[sflag:s12] =	ssyncadd.s32 $0xFFFFE000  }
0x145: {  	_ =	swait.ge [sflag:s13], $0x2000  }
0x146: {  	[sflag:s13] =	ssyncset.done $0x0  }
0x147: {  	s14 =	simm.s32 $0xC;
	[sflag:s13] =	ssyncadd.s32 $0xFFFFE000  }
0x148: {  	_ =	swait.ge [sflag:s14], $0x2000  }
0x149: {  	[sflag:s14] =	ssyncset.done $0x0  }
0x14a: {  	[sflag:s14] =	ssyncadd.s32 $0xFFFFE000  }
0x14b: {  	_ =	swait.ge [sflag:s6], $0x2000  }
0x14c: {  	[sflag:s6] =	ssyncset.done $0x0  }
0x14d: {  	[sflag:s6] =	ssyncadd.s32 $0xFFFFE000  }
0x14e: {  	_ =	swait.ge [sflag:s7], $0x2000  }
0x14f: {  	[sflag:s7] =	ssyncset.done $0x0  }
0x150: {  	[sflag:s7] =	ssyncadd.s32 $0xFFFFE000  }
0x151: {  	_ =	swait.ge [sflag:s8], $0x2000  }
0x152: {  	[sflag:s8] =	ssyncset.done $0x0  }
0x153: {  	[sflag:s8] =	ssyncadd.s32 $0xFFFFE000  }
0x154: {  	_ =	swait.ge [sflag:s9], $0x2000  }
0x155: {  	[sflag:s9] =	ssyncset.done $0x0  }
0x156: {  	[sflag:s9] =	ssyncadd.s32 $0xFFFFE000  }
0x157: {  	[bflag:$0x0] =	sbarrier.arrive $0xFFFF  }
0x158: {  	s15 =	rddreg [dreg:$0x12]  }
0x159: {  	s16 =	rddreg [dreg:$0x14]  }
0x15a: {  	s18 =	rddreg [dreg:$0x15]  }
0x15b: {  	[hbm:s15], [sflag:s16] =	dma.local [spmem:s18], $0x1400  }
0x15c: {  	_ =	swait.ge [sflag:s17], $0x1400  }
0x15d: {  	s4 =	sadd.s32 $0x1, s4;
	s31 =	rddreg [dreg:$0x13]  }
0x15e: {  	p1 =	sne.s32 s4, s31  }
.Ltmp4:
0x15f: {  	_ = 	snop;
	(pc) =	sbr.rel @p1 .LBB2_1-.Ltmp4, $3  }
0x160: {  	_ =	sdelay $0x1  }
0x161: {  	[sflag:s17] =	ssyncset.done $0x0  }
0x162: {  	[sflag:s17] =	ssyncadd.s32 $0xFFFFEC00  }
0x163: {  	_ =	sfence.sel $0x180000  }
0x164: {  	[bflag:$0x0] =	sbarrier.arrive $0xFFFF  }
0x165: {  	_ =	strace $0x9000004A  }
0x166: {  	s0 =	stileid.u32;
	[bflag:$0x2] =	sbarrier.arrive $0xFFFF  }
0x167: {  	p0 =	sne.s32 s0, $0x0;
	s0 =	rddreg [dreg:$0x3]  }
0x168: {  	s0 =	sadd.s32 @!p0 $0x100000, s0  }
0x169: {  	[sflag:s0] =	ssyncadd.tile.s32 @!p0 $0x1;
	_ =	shalt  }
.Lfunc_end2:
_tile_overlayer_lowered:
.L_overlay_start_2:
0x16a: {  	(tag) =	ssettag $0x2  }
0x16b: {  	s0 =	rddreg [dreg:$0x0];
	s2 =	stileid.u32  }
0x16c: {  	s1 =	rddreg [dreg:$0x1];
	p0 =	sne.s32 s2, $0x0  }
0x16d: {  	s3 =	rddreg [dreg:$0x2];
	[bflag:$0x3] =	sbarrier.arrive $0xFFFF;
	s2 =	simm.s32 @!p0 $0x1C11  }
0x16e: {  	[timem:s3], [sflag:s2] =	dma.local @!p0 [hbm:s0], s1  }
0x16f: {  	s0 =	simm.s32 @!p0 $0x11  }
0x170: {  	_ =	swait.ge @!p0 [sflag:s0], s1  }
0x171: {  	s1 =	ssub.s32 @!p0 $0x0, s1;
	[sflag:s0] =	ssyncset.done @!p0 $0x0  }
0x172: {  	[sflag:s0] =	ssyncadd.s32 @!p0 s1  }
0x173: {  	[bflag:$0x3] =	sbarrier.arrive $0xFFFF  }
0x174: {  	_ =	shalt  }

// kernel: kernel.14.cloned.1.call-start
scs
__scs_entry_jumppad:
0x0: {  	(pc) =	sbr.rel $0x88, $3  }
0x1: {  	(tag) =	ssettag $0x0;
	lr =	simm.s32 $0x1  }
0x2: {  	[smem:$0x3F9B] =	sst lr;
	_ =	strace $0xD0000000  }
0x3: {  	_ = 	snop  }
0x4: {  	_ = 	snop  }
0x5: {  	_ = 	snop  }
0x6: {  	_ = 	snop  }
0x7: {  	_ = 	snop  }
__scs_overlays_trampoline_lowered:
0x8: {  	[smem:$0x3FAA] =	sst s0  }
0x9: {  	[smem:$0x3FAB] =	sst s1  }
0xa: {  	[smem:$0x3FAC] =	sst s2  }
0xb: {  	[smem:$0x3FAD] =	sst s3  }
0xc: {  	[smem:$0x3FAE] =	sst s4  }
0xd: {  	[smem:$0x3FAF] =	sst s5  }
0xe: {  	[smem:$0x3FB0] =	sst s6  }
0xf: {  	[smem:$0x3FB1] =	sst s7  }
0x10: {  	[smem:$0x3FB2] =	sst s8  }
0x11: {  	[smem:$0x3FB3] =	sst s9;
	s0 =	simm.s32 @!p0 $0x0  }
0x12: {  	s1 =	sld [smem:$0x3F99];
	s0 =	simm.s32 @p0 $0x1  }
0x13: {  	[smem:$0x3FB4] =	sst s0;
	s0 =	simm.s32 @!p1 $0x0  }
0x14: {  	s2 =	sld [smem:$0x3F98];
	s0 =	simm.s32 @p1 $0x1  }
0x15: {  	[smem:$0x3FB5] =	sst s0;
	s0 =	simm.s32 @!p2 $0x0  }
0x16: {  	s3 =	sld [smem:$0x3FDB];
	s0 =	simm.s32 @p2 $0x1  }
0x17: {  	s4 =	simm.s32 $0x1BF5;
	[smem:$0x3FB7] =	sst s0  }
0x18: {  	s0 =	sld [smem:$0x3F9A];
	_ =	swait.ge [sflag:s4], $0x0  }
0x19: {  	s7 =	sld [smem:$0x3F9B]  }
0x1a: {  	s8 =	sadd.s32 $0xFFFFE003, lr  }
0x1b: {  	s9 =	sadd.s32 $0xFFFFFEF7, lr;
	s5 =	simm.s32 $0xFFFFFFFF;
	p2 =	slt.u32 s8, $0xFFFFF086  }
0x1c: {  	p1 =	slt.u32 s9, $0xF7A;
	s5 =	simm.s32 @!p2 $0x0  }
0x1d: {  	s5 =	simm.s32 @p1 $0x1;
	p0 =	seq.s32 s7, s2  }
0x1e: {  	s7 =	smul.u32 @!p0 $0xF7A, s2;
	p2 =	seq.s32 @!p0 s5, $0x0  }
0x1f: {  	s9 =	smul.u32 $0xF7A, s1;
	s8 =	simm.s32 @!p0 $0x1BF5;
	p2 =	por !p2, p0  }
0x20: {  	[sflag:s8] =	ssyncset.s32 @!p0 $0xFFFFF086;
	s6 =	sadd.s32 @!p0 s3, s7;
	s7 =	simm.s32 @!p0 $0x108  }
0x21: {  	s3 =	sadd.s32 s3, s9;
	s6 =	sadd.s32 @!p0 $0x88, s6;
	s7 =	simm.s32 @p2 $0x1082  }
0x22: {  	[simem:s7], [sflag:s8] =	dma.local @!p0 [hbm:s6], $0xF7A  }
0x23: {  	s9 =	sor.u32 $0xD0000000, s2;
	s6 =	simm.s32 $0x108;
	_ =	swait.ge @!p0 [sflag:s8], $0x0  }
0x24: {  	s3 =	sadd.s32 $0x88, s3;
	s6 =	simm.s32 @!p1 $0x1082;
	[sflag:s4] =	ssyncset.s32 $0xFFFFF086  }
0x25: {  	[simem:s6], [sflag:s4] =	dma.local [hbm:s3], $0xF7A  }
0x26: {  	[smem:$0x3F9B] =	sst s1;
	(tag) =	ssettag s2;
	_ =	strace s9  }
0x27: {  	s1 =	sld [smem:$0x3FAB]  }
0x28: {  	s2 =	sld [smem:$0x3FAC]  }
0x29: {  	s4 =	sld [smem:$0x3FAE]  }
0x2a: {  	p0 =	seq.s32 s5, $0x0;
	s5 =	sld [smem:$0x3FAF]  }
0x2b: {  	s6 =	sld [smem:$0x3FB0]  }
0x2c: {  	s7 =	sld [smem:$0x3FB1]  }
0x2d: {  	s3 =	simm.s32 $0x108;
	s8 =	sld [smem:$0x3FB2]  }
0x2e: {  	s3 =	simm.s32 @!p0 $0x1082;
	s9 =	sld [smem:$0x3FB3]  }
0x2f: {  	lr =	sadd.s32 s0, s3;
	s0 =	sld [smem:$0x3FAA]  }
0x30: {  	s3 =	sld [smem:$0x3FAD]  }
0x31: {  	[smem:$0x3FB6] =	sst s10  }
0x32: {  	s10 =	sld [smem:$0x3FB4];
	_ =	sdelay $0x3  }
0x33: {  	p0 =	seq.s32 s10, $0x1;
	s10 =	sld [smem:$0x3FB6];
	_ =	sdelay $0x3  }
0x34: {  	[smem:$0x3FB6] =	sst s10  }
0x35: {  	s10 =	sld [smem:$0x3FB5];
	_ =	sdelay $0x3  }
0x36: {  	p1 =	seq.s32 s10, $0x1;
	s10 =	sld [smem:$0x3FB6];
	_ =	sdelay $0x3  }
0x37: {  	[smem:$0x3FB6] =	sst s10  }
0x38: {  	s10 =	sld [smem:$0x3FB7]  }
0x39: {  	_ = 	snop;
	(pc) =	sbr.ind lr, $3  }
0x3a: {  	_ = 	snop  }
0x3b: {  	_ = 	snop  }
0x3c: {  	p2 =	seq.s32 s10, $0x1;
	s10 =	sld [smem:$0x3FB6]  }
0x3d: {  	_ =	shalt  }
0x3e: {  	_ =	shalt  }
0x3f: {  	_ =	shalt  }
0x40: {  	_ =	shalt  }
0x41: {  	_ =	shalt  }
0x42: {  	_ =	shalt  }
0x43: {  	_ =	shalt  }
0x44: {  	_ =	shalt  }
0x45: {  	_ =	shalt  }
0x46: {  	_ =	shalt  }
0x47: {  	_ =	shalt  }
0x48: {  	_ =	shalt  }
0x49: {  	_ =	shalt  }
0x4a: {  	_ =	shalt  }
0x4b: {  	_ =	shalt  }
0x4c: {  	_ =	shalt  }
0x4d: {  	_ =	shalt  }
0x4e: {  	_ =	shalt  }
0x4f: {  	_ =	shalt  }
0x50: {  	_ =	shalt  }
0x51: {  	_ =	shalt  }
0x52: {  	_ =	shalt  }
0x53: {  	_ =	shalt  }
0x54: {  	_ =	shalt  }
0x55: {  	_ =	shalt  }
0x56: {  	_ =	shalt  }
0x57: {  	_ =	shalt  }
0x58: {  	_ =	shalt  }
0x59: {  	_ =	shalt  }
0x5a: {  	_ =	shalt  }
0x5b: {  	_ =	shalt  }
0x5c: {  	_ =	shalt  }
0x5d: {  	_ =	shalt  }
0x5e: {  	_ =	shalt  }
0x5f: {  	_ =	shalt  }
0x60: {  	_ =	shalt  }
0x61: {  	_ =	shalt  }
0x62: {  	_ =	shalt  }
0x63: {  	_ =	shalt  }
0x64: {  	_ =	shalt  }
0x65: {  	_ =	shalt  }
0x66: {  	_ =	shalt  }
0x67: {  	_ =	shalt  }
0x68: {  	_ =	shalt  }
0x69: {  	_ =	shalt  }
0x6a: {  	_ =	shalt  }
0x6b: {  	_ =	shalt  }
0x6c: {  	_ =	shalt  }
0x6d: {  	_ =	shalt  }
0x6e: {  	_ =	shalt  }
0x6f: {  	_ =	shalt  }
0x70: {  	_ =	shalt  }
0x71: {  	_ =	shalt  }
0x72: {  	_ =	shalt  }
0x73: {  	_ =	shalt  }
0x74: {  	_ =	shalt  }
0x75: {  	_ =	shalt  }
0x76: {  	_ =	shalt  }
0x77: {  	_ =	shalt  }
0x78: {  	_ =	shalt  }
0x79: {  	_ =	shalt  }
0x7a: {  	_ =	shalt  }
0x7b: {  	_ =	shalt  }
0x7c: {  	_ =	shalt  }
0x7d: {  	_ =	shalt  }
0x7e: {  	_ =	shalt  }
0x7f: {  	_ =	shalt  }
0x80: {  	_ =	shalt  }
0x81: {  	_ =	shalt  }
0x82: {  	_ =	shalt  }
0x83: {  	_ =	shalt  }
0x84: {  	_ =	shalt  }
0x85: {  	_ =	shalt  }
0x86: {  	_ =	shalt  }
0x87: {  	_ =	shalt  }
.Lfunc_end0:
.L_simem_size_0:
called_computation.2_lowered:
.L_overlay_start_0:
0x88: {  	s2 =	sld [smem:$0x3FD9]  }
0x89: {  	s3 =	sld [smem:$0x3FFE];
	_ =	sdelay $0x1  }
0x8a: {  	s1 =	srdreg.scid  }
0x8b: {  	s0 =	sand.u32 $0x1, s1  }
0x8c: {  	s17 =	sshll.u32 s0, $0xA;
	s2 =	sadd.s32 s3, s2  }
0x8d: {  	s2 =	sadd.s32 s2, s17  }
0x8e: {  	[smem:$0x3FC2] =	sst s2  }
0x8f: {  	_ = 	snop  }
0x90: {  	s2 =	sld [smem:$0x3FD0];
	(tm) =	ssettm $0x1  }
0x91: {  	s18 =	sld [smem:$0x3FFB];
	_ =	sdelay $0x3  }
0x92: {  	_ =	strace s18  }
0x93: {  	s3 =	sld [smem:$0x3FFC];
	_ =	sdelay $0x3  }
0x94: {  	_ =	strace s3  }
0x95: {  	s3 =	sld [smem:$0x3FFD];
	_ =	sdelay $0x3  }
0x96: {  	_ =	strace s3  }
0x97: {  	_ =	strace $0x8FFFFFFF  }
0x98: {  	s19 =	sld [smem:$0x3FDB];
	_ =	sdelay $0x1  }
0x99: {  	s4 =	simm.s32 $_scs_section_size  }
0x9a: {  	s5 =	simm.s32 $_size__tile_overlayer_lowered;
	s6 =	simm.s32 $_tile_overlayer_lowered  }
0x9b: {  	s22 =	simm.s32 $0x1BFF;
	s21 =	sshll.u32 s6, $0x1;
	s3 =	sadd.s32 s4, s19  }
0x9c: {  	s7 =	simm.s32 $0x0;
	s20 =	sshll.u32 s5, $0x1;
	s5 =	sadd.s32 s21, s3  }
0x9d: {  	[timem:s7], [sflag:s22] =	dma.local [hbm:s5], s20  }
0x9e: {  	_ =	swait.ge [sflag:s22], s20  }
0x9f: {  	s4 =	ssub.s32 $0x0, s20;
	[sflag:s22] =	ssyncset.done $0x0  }
0xa0: {  	[sflag:s22] =	ssyncadd.s32 s4;
	_ =	sdelay $0x1  }
0xa1: {  	s23 =	simm.s32 $0x1B8B  }
0xa2: {  	_ =	swait.ge [sflag:s23], $0x1  }
0xa3: {  	[sflag:s23] =	ssyncset.done $0x0  }
0xa4: {  	s25 =	simm.s32 $0x1B8E;
	s24 =	sld [smem:$0x3FFE];
	[sflag:s23] =	ssyncadd.s32 $0xFFFFFFFF  }
0xa5: {  	s26 =	simm.s32 $execute0_lowered;
	[smem:$0x3FD2] =	sst s25  }
0xa6: {  	s5 =	sshll.u32 s26, $0x1;
	_ =	strace $0x8000004C;
	[dreg:$0x1] =	wrdreg $0xFFFFFFFF  }
0xa7: {  	s28 =	simm.s32 $_size_execute0_lowered;
	s3 =	sadd.s32 s3, s5;
	[dreg:$0x0] =	wrdreg $0x0  }
0xa8: {  	s5 =	sshll.u32 s28, $0x1;
	[dreg:$0x2] =	wrdreg s3  }
0xa9: {  	[dreg:$0x3] =	wrdreg s5  }
0xaa: {  	[dreg:$0x4] =	wrdreg $0xC0  }
0xab: {  	_ =	task [dreg:s7], $0x5FFFF  }
0xac: {  	[dreg:$0x1] =	wrdreg $0xFFFFFFFF  }
0xad: {  	[dreg:$0x0] =	wrdreg $0x60  }
0xae: {  	[dreg:$0x2] =	wrdreg s2  }
0xaf: {  	[dreg:$0x3] =	wrdreg s24  }
0xb0: {  	[dreg:$0x4] =	wrdreg $0x50000  }
0xb1: {  	[dreg:$0x5] =	wrdreg $0x9  }
0xb2: {  	_ =	task.clear_ibuf [dreg:s7], $0x6FFFF;
	_ =	strace $0x9000004C  }
0xb3: {  	s29 =	simm.s32 $0x9;
	_ =	strace $0x8000004E  }
0xb4: {  	_ =	swait.ge [sflag:s29], $0x1  }
0xb5: {  	[sflag:s29] =	ssyncadd.s32 $0xFFFFFFFF  }
0xb6: {  	_ =	strace $0x9000004E  }
0xb7: {  	_ =	sfence  }
0xb8: {  	s30 =	sld [smem:$0x0];
	_ =	sdelay $0x2  }
0xb9: {  	s31 =	sshll.u32 s1, $0xD;
	s1 =	sshrl.u32 s1, $0x2  }
0xba: {  	s3 =	sand.u32 $0x4000, s31;
	s1 =	sadd.s32 s1, s30  }
0xbb: {  	s0 =	sor.u32 s3, s0;
	s1 =	sshll.u32 s1, $0x11  }
0xbc: {  	s0 =	sor.u32 s1, s0  }
0xbd: {  	s0 =	sadd.s32 $0x8F2B, s0  }
0xbe: {  	[sflag:s0] =	ssyncadd.remote.s32 $0x1  }
0xbf: {  	_ =	sfence.sel $0xFFFF  }
0xc0: {  	[dreg:$0x0] =	wrdreg $0xFFFFFFFF;
	(pc) =	sbr.abs _section_cstart, $3  }
0xc1: {  	[dreg:$0x1] =	wrdreg $0xFFFFFFFF  }
0xc2: {  	_ =	task.clear_ibuf [dreg:s7], $0x2FFFF;
	_ =	strace $0x9FFFFFFF  }
0xc3: {  	(tm) =	ssettm $0x7FFFFFFF  }
tec
execute0_lowered:
.L_overlay_start_1:
0x0: {  	(tag) =	ssettag $0x1  }
0x1: {  	s0 =	srdreg.scid;
	s1 =	rddreg [dreg:$0x0]  }
0x2: {  	s11 =	stileid.u32;
	s5 =	rddreg [dreg:$0x1]  }
0x3: {  	s3 =	rddreg [dreg:$0x2];
	s4 =	simm.s32 $0x0;
	s22 =	simm.s32 $0x11000  }
0x4: {  	s23 =	simm.s32 $0x13000;
	s24 =	simm.s32 $0x15000;
	s25 =	simm.s32 $0x17000  }
0x5: {  	s26 =	simm.s32 $0x19000;
	s31 =	simm.s32 $0x1B000;
	s28 =	simm.s32 $0x6  }
0x6: {  	s29 =	simm.s32 $0x7;
	s30 =	simm.s32 $0x8;
	s6 =	smul.u32 $0xA000, s11  }
0x7: {  	s0 =	sand.u32 $0x1, s0;
	[smem:$0x7FF] =	sst s4;
	s8 =	smul.u32 $0x28000, s11  }
0x8: {  	s19 =	sshll.u32 s11, $0x6;
	_ =	strace $0x8000004D;
	[dreg:$0x4] =	wrdreg s22  }
0x9: {  	s2 =	sshll.u32 s0, $0x4;
	s7 =	smul.u32 $0xA0000, s0;
	[dreg:$0x5] =	wrdreg s23  }
0xa: {  	s9 =	ssub.s32 $0x2, s0;
	p0 =	sne.s32 s0, $0x0;
	[dreg:$0x6] =	wrdreg s24  }
0xb: {  	s20 =	sor.u32 $0x1C11, s19;
	s19 =	simm.s32 $0x80;
	[dreg:$0x7] =	wrdreg s25  }
0xc: {  	s22 =	simm.s32 $0xF000;
	s23 =	simm.s32 $0x2;
	[dreg:$0x8] =	wrdreg s26  }
0xd: {  	s24 =	simm.s32 $0x3;
	[dreg:$0x9] =	wrdreg s31;
	s25 =	simm.s32 $0x4  }
0xe: {  	s26 =	simm.s32 $0x5;
	s2 =	sor.u32 s11, s2;
	s10 =	sshrl.u32 s9, $0x1  }
0xf: {  	s8 =	sshrl.u32 s8, $0x2;
	s15 =	sadd.s32 s6, s3;
	[dreg:$0x14] =	wrdreg s20  }
0x10: {  	s20 =	simm.s32 $0x1D000;
	s2 =	smul.u32 $0x500, s2;
	s8 =	sadd.s32 s8, s3  }
0x11: {  	s7 =	sadd.s32 s6, s7;
	s21 =	sshrl.u32 s15, $0x3;
	[dreg:$0xa] =	wrdreg s8  }
0x12: {  	s10 =	ssub.s32 s9, s10;
	s12 =	sadd.s32 $0x2000, s8;
	[dreg:$0x15] =	wrdreg s21  }
0x13: {  	s6 =	sshrl.u32 s6, $0x3;
	s13 =	sadd.s32 $0x4000, s8;
	[dreg:$0xb] =	wrdreg s12  }
0x14: {  	s9 =	simm.s32 $0x10;
	s14 =	sadd.s32 $0x6000, s8;
	[dreg:$0xc] =	wrdreg s13  }
0x15: {  	s7 =	sshrl.u32 s7, $0x3;
	s8 =	sadd.s32 $0x8000, s8;
	[dreg:$0xd] =	wrdreg s14  }
0x16: {  	s6 =	sadd.s32 s1, s6;
	s18 =	smax.u32 s10, $0x1;
	[dreg:$0xe] =	wrdreg s8  }
0x17: {  	s21 =	simm.s32 $0x1;
	s2 =	sadd.s32 s2, s5;
	[dreg:$0xf] =	wrdreg s6  }
0x18: {  	s5 =	sadd.s32 s7, s5;
	[dreg:$0x13] =	wrdreg s18;
	s16 =	sadd.s32 $0xBA00, s2  }
0x19: {  	s6 =	simm.s32 $0xD;
	s2 =	sadd.s32 $0x1A00, s2;
	[dreg:$0x10] =	wrdreg s16  }
0x1a: {  	s7 =	simm.s32 $0xE;
	s17 =	sadd.s32 $0x15A00, s5;
	[dreg:$0x11] =	wrdreg s2  }
0x1b: {  	v0 =	vimm.f32 $0.0e+00;
	s8 =	simm.s32 $0xF;
	[dreg:$0x12] =	wrdreg s17;
	s17 =	simm.s32 $0x11  }
.LBB2_1:
.Ltmp0:
0x1c: {  	(pc) =	sbr.rel @p0 .LBB2_3-.Ltmp0, $1  }
0x1d: {  	_ =	sdelay $0x3  }
0x1e: {  	s0 =	rddreg [dreg:$0xf]  }
0x1f: {  	s2 =	rddreg [dreg:$0x14]  }
.Ltmp1:
0x20: {  	s5 =	rddreg [dreg:$0x15];
	(pc) =	sbr.rel .LBB2_6-.Ltmp1, $4  }
0x21: {  	[spmem:s5], [sflag:s2] =	dma.local [hbm:s0], $0x1400  }
0x22: {  	_ =	swait.ge [sflag:s17], $0x1400  }
0x23: {  	[sflag:s17] =	ssyncset.done $0x0  }
0x24: {  	[sflag:s17] =	ssyncadd.s32 $0xFFFFEC00  }
.LBB2_3:
0x25: {  	s10 =	simm.s32 $0x100;
	s5 =	simm.s32 $0x0  }
.LBB2_4:
0x26: {  	p1 =	sne.s32 s10, $0x7F00;
	[tilespmem:s5+$0xF030] =	vst v0;
	s11 =	smov.u32 s10;
	s10 =	sadd.s32 $0x100, s10  }
.Ltmp2:
0x27: {  	[tilespmem:s5+$0xF020] =	vst v0;
	(pc) =	sbr.rel @p1 .LBB2_4-.Ltmp2, $3  }
0x28: {  	[tilespmem:s5+$0xF000] =	vst v0  }
0x29: {  	[tilespmem:s5+$0xF010] =	vst v0;
	_ =	sdelay $0x1  }
0x2a: {  	s5 =	sshra.s32 s11, $0x2  }
0x2b: {  	[tilespmem:s5+$0xF030] =	vst v0  }
0x2c: {  	[tilespmem:s5+$0xF020] =	vst v0  }
0x2d: {  	[tilespmem:s5+$0xF000] =	vst v0  }
0x2e: {  	[tilespmem:s5+$0xF010] =	vst v0;
	s0 =	rddreg [dreg:$0xa]  }
0x2f: {  	[spmem:s0] =	stream.linear.scatter [tilespmem:s22], [sflag:$0x11], $0x2000, $0x38;
	[tilespmem:$0x1F000] =	vst v63  }
0x30: {  	_ =	swait.ge [sflag:s17], $0x2000  }
0x31: {  	[sflag:s17] =	ssyncset.done $0x0  }
0x32: {  	s15 =	rddreg [dreg:$0xb];
	[sflag:s17] =	ssyncadd.s32 $0xFFFFE000  }
0x33: {  	[spmem:s15] =	stream.linear.scatter [tilespmem:s22], [sflag:$0x11], $0x2000, $0x38;
	[tilespmem:$0x1F000] =	vst v63  }
0x34: {  	_ =	swait.ge [sflag:s17], $0x2000  }
0x35: {  	[sflag:s17] =	ssyncset.done $0x0  }
0x36: {  	s16 =	rddreg [dreg:$0xc];
	[sflag:s17] =	ssyncadd.s32 $0xFFFFE000  }
0x37: {  	[spmem:s16] =	stream.linear.scatter [tilespmem:s22], [sflag:$0x11], $0x2000, $0x38;
	[tilespmem:$0x1F000] =	vst v63  }
0x38: {  	_ =	swait.ge [sflag:s17], $0x2000  }
0x39: {  	[sflag:s17] =	ssyncset.done $0x0  }
0x3a: {  	s18 =	rddreg [dreg:$0xd];
	[sflag:s17] =	ssyncadd.s32 $0xFFFFE000  }
0x3b: {  	[spmem:s18] =	stream.linear.scatter [tilespmem:s22], [sflag:$0x11], $0x2000, $0x38;
	[tilespmem:$0x1F000] =	vst v63  }
0x3c: {  	_ =	swait.ge [sflag:s17], $0x2000  }
0x3d: {  	[sflag:s17] =	ssyncset.done $0x0  }
0x3e: {  	s31 =	rddreg [dreg:$0xe];
	[sflag:s17] =	ssyncadd.s32 $0xFFFFE000  }
0x3f: {  	[spmem:s31] =	stream.linear.scatter [tilespmem:s22], [sflag:$0x11], $0x2000, $0x38;
	[tilespmem:$0x1F000] =	vst v63  }
0x40: {  	_ =	swait.ge [sflag:s17], $0x2000  }
0x41: {  	[sflag:s17] =	ssyncset.done $0x0  }
0x42: {  	[sflag:s17] =	ssyncadd.s32 $0xFFFFE000  }
.LBB2_6:
0x43: {  	s5 =	simm.s32 $0x0;
	s0 =	rddreg [dreg:$0x10]  }
0x44: {  	[tilespmem:s5], [sflag:$0x11] =	stream.linear.gather [hbm4b:s0+s5], $0x2800, $0x38;
	[tilespmem:$0x1F000] =	vst v63  }
0x45: {  	_ =	swait.ge [sflag:s17], $0x2800  }
0x46: {  	[sflag:s17] =	ssyncset.done $0x0  }
0x47: {  	s2 =	simm.s32 $0x2800;
	s11 =	rddreg [dreg:$0x11];
	[sflag:s17] =	ssyncadd.s32 $0xFFFFD800  }
0x48: {  	[tilespmem:s2], [sflag:$0x11] =	stream.linear.gather [hbm4b:s11+s5], $0x2800, $0x38;
	[tilespmem:$0x1F000] =	vst v63  }
0x49: {  	_ =	swait.ge [sflag:s17], $0x2800  }
0x4a: {  	[sflag:s17] =	ssyncset.done $0x0  }
0x4b: {  	p1 =	por $0x0, $0x0;
	[sflag:s17] =	ssyncadd.s32 $0xFFFFD800  }
0x4c: {  	s5 =	simm.s32 @p1 $0x9;
	[bflag:$0x0] =	sbarrier.arrive $0xFFFF  }
0x4d: {  	_ =	swait.ge @p1 [sflag:s5], $0x2000  }
0x4e: {  	s10 =	simm.s32 @p1 $0xF000;
	s12 =	simm.s32 @p1 $0x80;
	[sflag:s5] =	ssyncset.done @p1 $0x0  }
0x4f: {  	s11 =	simm.s32 @p1 $0xA;
	[sflag:s5] =	ssyncadd.s32 @p1 $0xFFFFE000;
	s5 =	simm.s32 @p1 $0x0  }
0x50: {  	[tilespmem:s10], [sflag:$0x1] =	stream.indirect.gather @p1 [hbm4b:s1+s12], $0x40, s5, s12, $0xb8;
	[tilespmem:$0x1F000] =	vst v63  }
0x51: {  	_ =	swait.ge @p1 [sflag:s11], $0x2000  }
0x52: {  	s5 =	simm.s32 @p1 $0x80;
	[sflag:s11] =	ssyncset.done @p1 $0x0  }
0x53: {  	s10 =	simm.s32 @p1 $0x11000;
	[sflag:s11] =	ssyncadd.s32 @p1 $0xFFFFE000;
	s11 =	simm.s32 @p1 $0xB  }
0x54: {  	[tilespmem:s10], [sflag:$0x2] =	stream.indirect.gather @p1 [hbm4b:s1+s12], $0x40, s5, s12, $0xb8;
	[tilespmem:$0x1F000] =	vst v63  }
0x55: {  	_ =	swait.ge @p1 [sflag:s11], $0x2000  }
0x56: {  	s5 =	simm.s32 @p1 $0x100;
	[sflag:s11] =	ssyncset.done @p1 $0x0  }
0x57: {  	s10 =	simm.s32 @p1 $0x13000;
	[sflag:s11] =	ssyncadd.s32 @p1 $0xFFFFE000;
	s11 =	simm.s32 @p1 $0xC  }
0x58: {  	[tilespmem:s10], [sflag:$0x3] =	stream.indirect.gather @p1 [hbm4b:s1+s12], $0x40, s5, s12, $0xb8;
	[tilespmem:$0x1F000] =	vst v63  }
0x59: {  	_ =	swait.ge @p1 [sflag:s11], $0x2000  }
0x5a: {  	s5 =	simm.s32 @p1 $0x180;
	[sflag:s11] =	ssyncset.done @p1 $0x0  }
0x5b: {  	s10 =	simm.s32 @p1 $0x15000;
	[sflag:s11] =	ssyncadd.s32 @p1 $0xFFFFE000;
	s11 =	simm.s32 @p1 $0xD  }
0x5c: {  	[tilespmem:s10], [sflag:$0x4] =	stream.indirect.gather @p1 [hbm4b:s1+s12], $0x40, s5, s12, $0xb8;
	[tilespmem:$0x1F000] =	vst v63  }
0x5d: {  	_ =	swait.ge @p1 [sflag:s11], $0x2000  }
0x5e: {  	s5 =	simm.s32 @p1 $0x200;
	[sflag:s11] =	ssyncset.done @p1 $0x0  }
0x5f: {  	s10 =	simm.s32 @p1 $0x17000;
	[sflag:s11] =	ssyncadd.s32 @p1 $0xFFFFE000;
	s11 =	simm.s32 @p1 $0xE  }
0x60: {  	[tilespmem:s10], [sflag:$0x5] =	stream.indirect.gather @p1 [hbm4b:s1+s12], $0x40, s5, s12, $0xb8;
	[tilespmem:$0x1F000] =	vst v63  }
0x61: {  	_ =	swait.ge @p1 [sflag:s11], $0x2000  }
0x62: {  	s5 =	simm.s32 @p1 $0x280;
	[sflag:s11] =	ssyncset.done @p1 $0x0  }
0x63: {  	s10 =	simm.s32 @p1 $0x19000;
	[sflag:s11] =	ssyncadd.s32 @p1 $0xFFFFE000;
	s11 =	simm.s32 @p1 $0xF  }
0x64: {  	[tilespmem:s10], [sflag:$0x6] =	stream.indirect.gather @p1 [hbm4b:s1+s12], $0x40, s5, s12, $0xb8;
	[tilespmem:$0x1F000] =	vst v63  }
0x65: {  	_ =	swait.ge @p1 [sflag:s11], $0x2000  }
0x66: {  	s5 =	simm.s32 @p1 $0x300;
	[sflag:s11] =	ssyncset.done @p1 $0x0  }
0x67: {  	s10 =	simm.s32 @p1 $0x1B000;
	[sflag:s11] =	ssyncadd.s32 @p1 $0xFFFFE000;
	s11 =	simm.s32 @p1 $0x10  }
0x68: {  	[tilespmem:s10], [sflag:$0x7] =	stream.indirect.gather @p1 [hbm4b:s1+s12], $0x40, s5, s12, $0xb8;
	[tilespmem:$0x1F000] =	vst v63  }
0x69: {  	_ =	swait.ge @p1 [sflag:s11], $0x2000  }
0x6a: {  	s5 =	simm.s32 @!p1 $0xF000;
	[sflag:s11] =	ssyncset.done @p1 $0x0  }
0x6b: {  	s10 =	simm.s32 @!p1 $0x0;
	[sflag:s11] =	ssyncadd.s32 @p1 $0xFFFFE000;
	s11 =	simm.s32 @!p1 $0x80  }
0x6c: {  	[tilespmem:s5], [sflag:$0x1] =	stream.indirect.gather @!p1 [hbm4b:s1+s11], $0x40, s10, s11, $0xb8;
	[tilespmem:$0x1F000] =	vst v63  }
0x6d: {  	s5 =	simm.s32 @!p1 $0x11000  }
0x6e: {  	[tilespmem:s5], [sflag:$0x2] =	stream.indirect.gather @!p1 [hbm4b:s1+s11], $0x40, s11, s11, $0xb8;
	[tilespmem:$0x1F000] =	vst v63  }
0x6f: {  	s10 =	simm.s32 @!p1 $0x13000;
	s5 =	simm.s32 @!p1 $0x100  }
0x70: {  	[tilespmem:s10], [sflag:$0x3] =	stream.indirect.gather @!p1 [hbm4b:s1+s11], $0x40, s5, s11, $0xb8;
	[tilespmem:$0x1F000] =	vst v63  }
0x71: {  	s5 =	simm.s32 @!p1 $0x180;
	s10 =	simm.s32 @!p1 $0x15000  }
0x72: {  	[tilespmem:s10], [sflag:$0x4] =	stream.indirect.gather @!p1 [hbm4b:s1+s11], $0x40, s5, s11, $0xb8;
	[tilespmem:$0x1F000] =	vst v63  }
0x73: {  	s5 =	simm.s32 @!p1 $0x200;
	s10 =	simm.s32 @!p1 $0x17000  }
0x74: {  	[tilespmem:s10], [sflag:$0x5] =	stream.indirect.gather @!p1 [hbm4b:s1+s11], $0x40, s5, s11, $0xb8;
	[tilespmem:$0x1F000] =	vst v63  }
0x75: {  	s5 =	simm.s32 @!p1 $0x280;
	s10 =	simm.s32 @!p1 $0x19000  }
0x76: {  	[tilespmem:s10], [sflag:$0x6] =	stream.indirect.gather @!p1 [hbm4b:s1+s11], $0x40, s5, s11, $0xb8;
	[tilespmem:$0x1F000] =	vst v63  }
0x77: {  	s12 =	simm.s32 @!p1 $0x1B000;
	s10 =	simm.s32 $0x380;
	s5 =	simm.s32 @!p1 $0x300  }
0x78: {  	[tilespmem:s12], [sflag:$0x7] =	stream.indirect.gather @!p1 [hbm4b:s1+s11], $0x40, s5, s11, $0xb8;
	[tilespmem:$0x1F000] =	vst v63  }
0x79: {  	s10 =	simm.s32 @!p1 $0x380  }
0x7a: {  	[tilespmem:s20], [sflag:$0x8] =	stream.indirect.gather [hbm4b:s1+s19], $0x40, s10, s19, $0xb8;
	[tilespmem:$0x1F000] =	vst v63  }
0x7b: {  	_ =	swait.ge [sflag:s21], $0x2000  }
0x7c: {  	[sflag:s21] =	ssyncset.done $0x0  }
0x7d: {  	s12 =	simm.s32 $0x2800;
	[sflag:s21] =	ssyncadd.s32 $0xFFFFE000  }
0x7e: {  	[spmem:s3] =	stream.indirect.scatter.add.f32 [tilespmem:s22], [sflag:$0x9], $0x40, s12, s19, $0xb8;
	[tilespmem:$0x1F000] =	vst v63  }
0x7f: {  	s5 =	simm.s32 @p1 $0x80;
	_ =	swait.ge [sflag:s23], $0x2000  }
0x80: {  	s5 =	simm.s32 @!p1 $0x80;
	[sflag:s23] =	ssyncset.done $0x0  }
0x81: {  	s5 =	sadd.s32 $0x2800, s5;
	s13 =	rddreg [dreg:$0x4];
	[sflag:s23] =	ssyncadd.s32 $0xFFFFE000  }
0x82: {  	[spmem:s3] =	stream.indirect.scatter.add.f32 [tilespmem:s13], [sflag:$0xA], $0x40, s5, s19, $0xb8;
	[tilespmem:$0x1F000] =	vst v63  }
0x83: {  	s5 =	simm.s32 @p1 $0x100;
	_ =	swait.ge [sflag:s24], $0x2000  }
0x84: {  	s5 =	simm.s32 @!p1 $0x100;
	[sflag:s24] =	ssyncset.done $0x0  }
0x85: {  	s14 =	rddreg [dreg:$0x5];
	s5 =	sadd.s32 $0x2800, s5;
	[sflag:s24] =	ssyncadd.s32 $0xFFFFE000  }
0x86: {  	[spmem:s3] =	stream.indirect.scatter.add.f32 [tilespmem:s14], [sflag:$0xB], $0x40, s5, s19, $0xb8;
	[tilespmem:$0x1F000] =	vst v63  }
0x87: {  	s5 =	simm.s32 @p1 $0x180;
	_ =	swait.ge [sflag:s25], $0x2000  }
0x88: {  	s5 =	simm.s32 @!p1 $0x180;
	[sflag:s25] =	ssyncset.done $0x0  }
0x89: {  	s15 =	rddreg [dreg:$0x6];
	s5 =	sadd.s32 $0x2800, s5;
	[sflag:s25] =	ssyncadd.s32 $0xFFFFE000  }
0x8a: {  	[spmem:s3] =	stream.indirect.scatter.add.f32 [tilespmem:s15], [sflag:$0xC], $0x40, s5, s19, $0xb8;
	[tilespmem:$0x1F000] =	vst v63  }
0x8b: {  	s5 =	simm.s32 @p1 $0x200;
	_ =	swait.ge [sflag:s26], $0x2000  }
0x8c: {  	s5 =	simm.s32 @!p1 $0x200;
	[sflag:s26] =	ssyncset.done $0x0  }
0x8d: {  	s16 =	rddreg [dreg:$0x7];
	s5 =	sadd.s32 $0x2800, s5;
	[sflag:s26] =	ssyncadd.s32 $0xFFFFE000  }
0x8e: {  	[spmem:s3] =	stream.indirect.scatter.add.f32 [tilespmem:s16], [sflag:$0xD], $0x40, s5, s19, $0xb8;
	[tilespmem:$0x1F000] =	vst v63  }
0x8f: {  	s5 =	simm.s32 @p1 $0x280;
	_ =	swait.ge [sflag:s28], $0x2000  }
0x90: {  	s11 =	simm.s32 @p1 $0x300;
	s5 =	simm.s32 @!p1 $0x280;
	[sflag:s28] =	ssyncset.done $0x0  }
0x91: {  	s18 =	rddreg [dreg:$0x8];
	s5 =	sadd.s32 $0x2800, s5;
	[sflag:s28] =	ssyncadd.s32 $0xFFFFE000  }
0x92: {  	[spmem:s3] =	stream.indirect.scatter.add.f32 [tilespmem:s18], [sflag:$0xE], $0x40, s5, s19, $0xb8;
	[tilespmem:$0x1F000] =	vst v63  }
0x93: {  	s11 =	simm.s32 @!p1 $0x300;
	_ =	swait.ge [sflag:s29], $0x2000  }
0x94: {  	s11 =	sadd.s32 $0x2800, s11;
	[sflag:s29] =	ssyncset.done $0x0  }
0x95: {  	s10 =	sadd.s32 $0x2800, s10;
	s31 =	rddreg [dreg:$0x9];
	[sflag:s29] =	ssyncadd.s32 $0xFFFFE000  }
0x96: {  	[spmem:s3] =	stream.indirect.scatter.add.f32 [tilespmem:s31], [sflag:$0xF], $0x40, s11, s19, $0xb8;
	[tilespmem:$0x1F000] =	vst v63  }
0x97: {  	s13 =	simm.s32 $0x780;
	p1 =	por $0x1, $0x1;
	_ =	swait.ge [sflag:s30], $0x2000  }
0x98: {  	s5 =	simm.s32 $0x1000;
	s11 =	simm.s32 $0x2000;
	[sflag:s30] =	ssyncset.done $0x0  }
.LBB2_7:
0x99: {  	s14 =	simm.s32 @p1 $0x9;
	[sflag:s30] =	ssyncadd.s32 $0xFFFFE000  }
0x9a: {  	[spmem:s3] =	stream.indirect.scatter.add.f32 [tilespmem:s20], [sflag:$0x10], $0x40, s10, s19, $0xb8;
	[tilespmem:$0x1F000] =	vst v63  }
0x9b: {  	_ =	swait.ge @p1 [sflag:s14], $0x2000  }
0x9c: {  	s15 =	simm.s32 @p1 $0xF000;
	s16 =	simm.s32 @p1 $0xA;
	[sflag:s14] =	ssyncset.done @p1 $0x0  }
0x9d: {  	s10 =	simm.s32 @p1 $0x80;
	[sflag:s14] =	ssyncadd.s32 @p1 $0xFFFFE000;
	s14 =	sshra.s32 @p1 s5, $0x2  }
0x9e: {  	[tilespmem:s15], [sflag:$0x1] =	stream.indirect.gather @p1 [hbm4b:s1+s10], $0x40, s14, s10, $0xb8;
	[tilespmem:$0x1F000] =	vst v63  }
0x9f: {  	_ =	swait.ge @p1 [sflag:s16], $0x2000  }
0xa0: {  	s18 =	simm.s32 @p1 $0xB;
	[sflag:s16] =	ssyncset.done @p1 $0x0  }
0xa1: {  	s15 =	sadd.s32 @p1 $0x80, s14;
	[sflag:s16] =	ssyncadd.s32 @p1 $0xFFFFE000;
	s16 =	simm.s32 @p1 $0x11000  }
0xa2: {  	[tilespmem:s16], [sflag:$0x2] =	stream.indirect.gather @p1 [hbm4b:s1+s10], $0x40, s15, s10, $0xb8;
	[tilespmem:$0x1F000] =	vst v63  }
0xa3: {  	_ =	swait.ge @p1 [sflag:s18], $0x2000  }
0xa4: {  	s31 =	sadd.s32 @p1 $0x100, s14;
	[sflag:s18] =	ssyncset.done @p1 $0x0  }
0xa5: {  	s16 =	simm.s32 @p1 $0x13000;
	[sflag:s18] =	ssyncadd.s32 @p1 $0xFFFFE000;
	s18 =	simm.s32 @p1 $0xC  }
0xa6: {  	[tilespmem:s16], [sflag:$0x3] =	stream.indirect.gather @p1 [hbm4b:s1+s10], $0x40, s31, s10, $0xb8;
	[tilespmem:$0x1F000] =	vst v63  }
0xa7: {  	_ =	swait.ge @p1 [sflag:s18], $0x2000  }
0xa8: {  	s2 =	sadd.s32 @p1 $0x180, s14;
	[sflag:s18] =	ssyncset.done @p1 $0x0  }
0xa9: {  	s16 =	simm.s32 @p1 $0x15000;
	[sflag:s18] =	ssyncadd.s32 @p1 $0xFFFFE000;
	s18 =	simm.s32 @p1 $0xD  }
0xaa: {  	[tilespmem:s16], [sflag:$0x4] =	stream.indirect.gather @p1 [hbm4b:s1+s10], $0x40, s2, s10, $0xb8;
	[tilespmem:$0x1F000] =	vst v63  }
0xab: {  	_ =	swait.ge @p1 [sflag:s18], $0x2000  }
0xac: {  	s0 =	sadd.s32 @p1 $0x200, s14;
	[sflag:s18] =	ssyncset.done @p1 $0x0  }
0xad: {  	s2 =	simm.s32 @p1 $0x17000;
	s16 =	simm.s32 @p1 $0xE;
	[sflag:s18] =	ssyncadd.s32 @p1 $0xFFFFE000  }
0xae: {  	[tilespmem:s2], [sflag:$0x5] =	stream.indirect.gather @p1 [hbm4b:s1+s10], $0x40, s0, s10, $0xb8;
	[tilespmem:$0x1F000] =	vst v63  }
0xaf: {  	_ =	swait.ge @p1 [sflag:s16], $0x2000  }
0xb0: {  	s15 =	sadd.s32 @p1 $0x280, s14;
	[sflag:s16] =	ssyncset.done @p1 $0x0  }
0xb1: {  	s0 =	simm.s32 @p1 $0x19000;
	s2 =	simm.s32 @p1 $0xF;
	[sflag:s16] =	ssyncadd.s32 @p1 $0xFFFFE000  }
0xb2: {  	[tilespmem:s0], [sflag:$0x6] =	stream.indirect.gather @p1 [hbm4b:s1+s10], $0x40, s15, s10, $0xb8;
	[tilespmem:$0x1F000] =	vst v63  }
0xb3: {  	_ =	swait.ge @p1 [sflag:s2], $0x2000  }
0xb4: {  	s14 =	sadd.s32 @p1 $0x300, s14;
	[sflag:s2] =	ssyncset.done @p1 $0x0  }
0xb5: {  	s0 =	simm.s32 @p1 $0x1B000;
	[sflag:s2] =	ssyncadd.s32 @p1 $0xFFFFE000;
	s2 =	simm.s32 @p1 $0x10  }
0xb6: {  	[tilespmem:s0], [sflag:$0x7] =	stream.indirect.gather @p1 [hbm4b:s1+s10], $0x40, s14, s10, $0xb8;
	[tilespmem:$0x1F000] =	vst v63  }
0xb7: {  	_ =	swait.ge @p1 [sflag:s2], $0x2000  }
0xb8: {  	s0 =	simm.s32 @!p1 $0xF000;
	[sflag:s2] =	ssyncset.done @p1 $0x0  }
0xb9: {  	s10 =	simm.s32 @!p1 $0x80;
	[sflag:s2] =	ssyncadd.s32 @p1 $0xFFFFE000;
	s2 =	sshra.s32 @!p1 s5, $0x2  }
0xba: {  	[tilespmem:s0], [sflag:$0x1] =	stream.indirect.gather @!p1 [hbm4b:s1+s10], $0x40, s2, s10, $0xb8;
	[tilespmem:$0x1F000] =	vst v63  }
0xbb: {  	s0 =	simm.s32 @!p1 $0x11000  }
0xbc: {  	[tilespmem:s0], [sflag:$0x2] =	stream.indirect.gather @!p1 [hbm4b:s1+s10], $0x40, s10, s10, $0xb8;
	[tilespmem:$0x1F000] =	vst v63  }
0xbd: {  	s2 =	simm.s32 @!p1 $0x13000;
	s0 =	simm.s32 @!p1 $0x100  }
0xbe: {  	[tilespmem:s2], [sflag:$0x3] =	stream.indirect.gather @!p1 [hbm4b:s1+s10], $0x40, s0, s10, $0xb8;
	[tilespmem:$0x1F000] =	vst v63  }
0xbf: {  	s0 =	simm.s32 @!p1 $0x180;
	s2 =	simm.s32 @!p1 $0x15000  }
0xc0: {  	[tilespmem:s2], [sflag:$0x4] =	stream.indirect.gather @!p1 [hbm4b:s1+s10], $0x40, s0, s10, $0xb8;
	[tilespmem:$0x1F000] =	vst v63  }
0xc1: {  	s0 =	simm.s32 @!p1 $0x200;
	s2 =	simm.s32 @!p1 $0x17000  }
0xc2: {  	[tilespmem:s2], [sflag:$0x5] =	stream.indirect.gather @!p1 [hbm4b:s1+s10], $0x40, s0, s10, $0xb8;
	[tilespmem:$0x1F000] =	vst v63  }
0xc3: {  	s0 =	simm.s32 @!p1 $0x280;
	s2 =	simm.s32 @!p1 $0x19000  }
0xc4: {  	[tilespmem:s2], [sflag:$0x6] =	stream.indirect.gather @!p1 [hbm4b:s1+s10], $0x40, s0, s10, $0xb8;
	[tilespmem:$0x1F000] =	vst v63  }
0xc5: {  	s0 =	simm.s32 @!p1 $0x300;
	s2 =	simm.s32 @!p1 $0x1B000  }
0xc6: {  	[tilespmem:s2], [sflag:$0x7] =	stream.indirect.gather @!p1 [hbm4b:s1+s10], $0x40, s0, s10, $0xb8;
	[tilespmem:$0x1F000] =	vst v63  }
0xc7: {  	s10 =	smov.u32 s13  }
0xc8: {  	s10 =	simm.s32 @!p1 $0x380  }
0xc9: {  	[tilespmem:s20], [sflag:$0x8] =	stream.indirect.gather [hbm4b:s1+s19], $0x40, s10, s19, $0xb8;
	[tilespmem:$0x1F000] =	vst v63  }
0xca: {  	_ =	swait.ge [sflag:s21], $0x2000  }
0xcb: {  	s2 =	sshra.s32 s5, $0x2;
	[sflag:s21] =	ssyncset.done $0x0  }
0xcc: {  	s0 =	sadd.s32 $0x2800, s2;
	[sflag:s21] =	ssyncadd.s32 $0xFFFFE000  }
0xcd: {  	[spmem:s3] =	stream.indirect.scatter.add.f32 [tilespmem:s22], [sflag:$0x9], $0x40, s0, s19, $0xb8;
	[tilespmem:$0x1F000] =	vst v63  }
0xce: {  	s12 =	smov.u32 s11;
	s0 =	sadd.s32 @p1 $0xFFFFFD00, s13;
	_ =	swait.ge [sflag:s23], $0x2000  }
0xcf: {  	s5 =	smov.u32 s12;
	s0 =	simm.s32 @!p1 $0x80;
	[sflag:s23] =	ssyncset.done $0x0  }
0xd0: {  	s12 =	rddreg [dreg:$0x4];
	s0 =	sadd.s32 $0x2800, s0;
	[sflag:s23] =	ssyncadd.s32 $0xFFFFE000  }
0xd1: {  	[spmem:s3] =	stream.indirect.scatter.add.f32 [tilespmem:s12], [sflag:$0xA], $0x40, s0, s19, $0xb8;
	[tilespmem:$0x1F000] =	vst v63  }
0xd2: {  	s0 =	sadd.s32 @p1 $0xFFFFFD80, s13;
	_ =	swait.ge [sflag:s24], $0x2000  }
0xd3: {  	s0 =	simm.s32 @!p1 $0x100;
	[sflag:s24] =	ssyncset.done $0x0  }
0xd4: {  	s14 =	rddreg [dreg:$0x5];
	s0 =	sadd.s32 $0x2800, s0;
	[sflag:s24] =	ssyncadd.s32 $0xFFFFE000  }
0xd5: {  	[spmem:s3] =	stream.indirect.scatter.add.f32 [tilespmem:s14], [sflag:$0xB], $0x40, s0, s19, $0xb8;
	[tilespmem:$0x1F000] =	vst v63  }
0xd6: {  	s0 =	sadd.s32 @p1 $0xFFFFFE00, s13;
	_ =	swait.ge [sflag:s25], $0x2000  }
0xd7: {  	s0 =	simm.s32 @!p1 $0x180;
	[sflag:s25] =	ssyncset.done $0x0  }
0xd8: {  	s15 =	rddreg [dreg:$0x6];
	s0 =	sadd.s32 $0x2800, s0;
	[sflag:s25] =	ssyncadd.s32 $0xFFFFE000  }
0xd9: {  	[spmem:s3] =	stream.indirect.scatter.add.f32 [tilespmem:s15], [sflag:$0xC], $0x40, s0, s19, $0xb8;
	[tilespmem:$0x1F000] =	vst v63  }
0xda: {  	s0 =	sadd.s32 @p1 $0xFFFFFE80, s13;
	_ =	swait.ge [sflag:s26], $0x2000  }
0xdb: {  	s0 =	simm.s32 @!p1 $0x200;
	[sflag:s26] =	ssyncset.done $0x0  }
0xdc: {  	s16 =	rddreg [dreg:$0x7];
	s0 =	sadd.s32 $0x2800, s0;
	[sflag:s26] =	ssyncadd.s32 $0xFFFFE000  }
0xdd: {  	[spmem:s3] =	stream.indirect.scatter.add.f32 [tilespmem:s16], [sflag:$0xD], $0x40, s0, s19, $0xb8;
	[tilespmem:$0x1F000] =	vst v63  }
0xde: {  	s0 =	sadd.s32 @p1 $0xFFFFFF00, s13;
	_ =	swait.ge [sflag:s28], $0x2000  }
0xdf: {  	s11 =	sadd.s32 $0x1000, s11;
	s0 =	simm.s32 @!p1 $0x280;
	[sflag:s28] =	ssyncset.done $0x0  }
0xe0: {  	s18 =	rddreg [dreg:$0x8];
	s0 =	sadd.s32 $0x2800, s0;
	[sflag:s28] =	ssyncadd.s32 $0xFFFFE000  }
0xe1: {  	[spmem:s3] =	stream.indirect.scatter.add.f32 [tilespmem:s18], [sflag:$0xE], $0x40, s0, s19, $0xb8;
	[tilespmem:$0x1F000] =	vst v63  }
0xe2: {  	p2 =	sne.s32 s11, $0xA000;
	s0 =	sadd.s32 @p1 $0xFFFFFF80, s13;
	_ =	swait.ge [sflag:s29], $0x2000  }
.Ltmp3:
0xe3: {  	s0 =	simm.s32 @!p1 $0x300;
	[sflag:s29] =	ssyncset.done $0x0;
	(pc) =	sbr.rel @p2 .LBB2_7-.Ltmp3, $4  }
0xe4: {  	s31 =	rddreg [dreg:$0x9];
	s0 =	sadd.s32 $0x2800, s0;
	[sflag:s29] =	ssyncadd.s32 $0xFFFFE000  }
0xe5: {  	[spmem:s3] =	stream.indirect.scatter.add.f32 [tilespmem:s31], [sflag:$0xF], $0x40, s0, s19, $0xb8;
	[tilespmem:$0x1F000] =	vst v63  }
0xe6: {  	s10 =	sadd.s32 $0x2800, s10;
	_ =	swait.ge [sflag:s30], $0x2000  }
0xe7: {  	s13 =	sadd.s32 $0x400, s13;
	p1 =	sne.s32 s5, $0x0;
	[sflag:s30] =	ssyncset.done $0x0  }
0xe8: {  	s0 =	simm.s32 @p1 $0x9;
	[sflag:s30] =	ssyncadd.s32 $0xFFFFE000  }
0xe9: {  	[spmem:s3] =	stream.indirect.scatter.add.f32 [tilespmem:s20], [sflag:$0x10], $0x40, s10, s19, $0xb8;
	[tilespmem:$0x1F000] =	vst v63  }
0xea: {  	_ =	swait.ge @p1 [sflag:s0], $0x2000  }
0xeb: {  	s2 =	simm.s32 @p1 $0xF000;
	s11 =	simm.s32 @p1 $0x80;
	[sflag:s0] =	ssyncset.done @p1 $0x0  }
0xec: {  	s10 =	simm.s32 @p1 $0xA;
	[sflag:s0] =	ssyncadd.s32 @p1 $0xFFFFE000;
	s0 =	sshra.s32 @p1 s5, $0x2  }
0xed: {  	[tilespmem:s2], [sflag:$0x1] =	stream.indirect.gather @p1 [hbm4b:s1+s11], $0x40, s0, s11, $0xb8;
	[tilespmem:$0x1F000] =	vst v63  }
0xee: {  	_ =	swait.ge @p1 [sflag:s10], $0x2000  }
0xef: {  	[sflag:s10] =	ssyncset.done @p1 $0x0  }
0xf0: {  	s2 =	sadd.s32 @p1 $0x80, s0;
	[sflag:s10] =	ssyncadd.s32 @p1 $0xFFFFE000;
	s10 =	simm.s32 @p1 $0x11000  }
0xf1: {  	[tilespmem:s10], [sflag:$0x2] =	stream.indirect.gather @p1 [hbm4b:s1+s11], $0x40, s2, s11, $0xb8;
	[tilespmem:$0x1F000] =	vst v63  }
0xf2: {  	s2 =	simm.s32 @p1 $0xB  }
0xf3: {  	_ =	swait.ge @p1 [sflag:s2], $0x2000  }
0xf4: {  	[sflag:s2] =	ssyncset.done @p1 $0x0  }
0xf5: {  	s10 =	sadd.s32 @p1 $0x100, s0;
	[sflag:s2] =	ssyncadd.s32 @p1 $0xFFFFE000;
	s2 =	simm.s32 @p1 $0x13000  }
0xf6: {  	[tilespmem:s2], [sflag:$0x3] =	stream.indirect.gather @p1 [hbm4b:s1+s11], $0x40, s10, s11, $0xb8;
	[tilespmem:$0x1F000] =	vst v63  }
0xf7: {  	s2 =	simm.s32 @p1 $0xC  }
0xf8: {  	_ =	swait.ge @p1 [sflag:s2], $0x2000  }
0xf9: {  	[sflag:s2] =	ssyncset.done @p1 $0x0  }
0xfa: {  	s10 =	sadd.s32 @p1 $0x180, s0;
	[sflag:s2] =	ssyncadd.s32 @p1 $0xFFFFE000;
	s2 =	simm.s32 @p1 $0x15000  }
0xfb: {  	[tilespmem:s2], [sflag:$0x4] =	stream.indirect.gather @p1 [hbm4b:s1+s11], $0x40, s10, s11, $0xb8;
	[tilespmem:$0x1F000] =	vst v63  }
0xfc: {  	s2 =	simm.s32 @p1 $0xD  }
0xfd: {  	_ =	swait.ge @p1 [sflag:s2], $0x2000  }
0xfe: {  	[sflag:s2] =	ssyncset.done @p1 $0x0  }
0xff: {  	s10 =	sadd.s32 @p1 $0x200, s0;
	[sflag:s2] =	ssyncadd.s32 @p1 $0xFFFFE000;
	s2 =	simm.s32 @p1 $0x17000  }
0x100: {  	[tilespmem:s2], [sflag:$0x5] =	stream.indirect.gather @p1 [hbm4b:s1+s11], $0x40, s10, s11, $0xb8;
	[tilespmem:$0x1F000] =	vst v63  }
0x101: {  	s2 =	simm.s32 @p1 $0xE  }
0x102: {  	_ =	swait.ge @p1 [sflag:s2], $0x2000  }
0x103: {  	[sflag:s2] =	ssyncset.done @p1 $0x0  }
0x104: {  	s10 =	sadd.s32 @p1 $0x280, s0;
	[sflag:s2] =	ssyncadd.s32 @p1 $0xFFFFE000;
	s2 =	simm.s32 @p1 $0x19000  }
0x105: {  	[tilespmem:s2], [sflag:$0x6] =	stream.indirect.gather @p1 [hbm4b:s1+s11], $0x40, s10, s11, $0xb8;
	[tilespmem:$0x1F000] =	vst v63  }
0x106: {  	s2 =	simm.s32 @p1 $0xF  }
0x107: {  	_ =	swait.ge @p1 [sflag:s2], $0x2000  }
0x108: {  	[sflag:s2] =	ssyncset.done @p1 $0x0  }
0x109: {  	s0 =	sadd.s32 @p1 $0x300, s0;
	[sflag:s2] =	ssyncadd.s32 @p1 $0xFFFFE000;
	s2 =	simm.s32 @p1 $0x1B000  }
0x10a: {  	[tilespmem:s2], [sflag:$0x7] =	stream.indirect.gather @p1 [hbm4b:s1+s11], $0x40, s0, s11, $0xb8;
	[tilespmem:$0x1F000] =	vst v63  }
0x10b: {  	s0 =	simm.s32 @p1 $0x10  }
0x10c: {  	_ =	swait.ge @p1 [sflag:s0], $0x2000  }
0x10d: {  	s10 =	simm.s32 @!p1 $0x80;
	[sflag:s0] =	ssyncset.done @p1 $0x0  }
0x10e: {  	s2 =	simm.s32 @!p1 $0xF000;
	[sflag:s0] =	ssyncadd.s32 @p1 $0xFFFFE000;
	s0 =	sshra.s32 @!p1 s5, $0x2  }
0x10f: {  	[tilespmem:s2], [sflag:$0x1] =	stream.indirect.gather @!p1 [hbm4b:s1+s10], $0x40, s0, s10, $0xb8;
	[tilespmem:$0x1F000] =	vst v63  }
0x110: {  	s0 =	simm.s32 @!p1 $0x11000  }
0x111: {  	[tilespmem:s0], [sflag:$0x2] =	stream.indirect.gather @!p1 [hbm4b:s1+s10], $0x40, s10, s10, $0xb8;
	[tilespmem:$0x1F000] =	vst v63  }
0x112: {  	s2 =	simm.s32 @!p1 $0x13000;
	s0 =	simm.s32 @!p1 $0x100  }
0x113: {  	[tilespmem:s2], [sflag:$0x3] =	stream.indirect.gather @!p1 [hbm4b:s1+s10], $0x40, s0, s10, $0xb8;
	[tilespmem:$0x1F000] =	vst v63  }
0x114: {  	s0 =	simm.s32 @!p1 $0x180;
	s2 =	simm.s32 @!p1 $0x15000  }
0x115: {  	[tilespmem:s2], [sflag:$0x4] =	stream.indirect.gather @!p1 [hbm4b:s1+s10], $0x40, s0, s10, $0xb8;
	[tilespmem:$0x1F000] =	vst v63  }
0x116: {  	s0 =	simm.s32 @!p1 $0x200;
	s2 =	simm.s32 @!p1 $0x17000  }
0x117: {  	[tilespmem:s2], [sflag:$0x5] =	stream.indirect.gather @!p1 [hbm4b:s1+s10], $0x40, s0, s10, $0xb8;
	[tilespmem:$0x1F000] =	vst v63  }
0x118: {  	s0 =	simm.s32 @!p1 $0x280;
	s2 =	simm.s32 @!p1 $0x19000  }
0x119: {  	[tilespmem:s2], [sflag:$0x6] =	stream.indirect.gather @!p1 [hbm4b:s1+s10], $0x40, s0, s10, $0xb8;
	[tilespmem:$0x1F000] =	vst v63  }
0x11a: {  	s0 =	simm.s32 @!p1 $0x300;
	s2 =	simm.s32 @!p1 $0x1B000  }
0x11b: {  	[tilespmem:s2], [sflag:$0x7] =	stream.indirect.gather @!p1 [hbm4b:s1+s10], $0x40, s0, s10, $0xb8;
	[tilespmem:$0x1F000] =	vst v63  }
0x11c: {  	s0 =	smov.u32 s13  }
0x11d: {  	s0 =	simm.s32 @!p1 $0x380  }
0x11e: {  	[tilespmem:s20], [sflag:$0x8] =	stream.indirect.gather [hbm4b:s1+s19], $0x40, s0, s19, $0xb8;
	[tilespmem:$0x1F000] =	vst v63  }
0x11f: {  	_ =	swait.ge [sflag:s21], $0x2000  }
0x120: {  	s12 =	sshra.s32 s5, $0x2;
	[sflag:s21] =	ssyncset.done $0x0  }
0x121: {  	s2 =	sadd.s32 $0x2800, s12;
	[sflag:s21] =	ssyncadd.s32 $0xFFFFE000  }
0x122: {  	[spmem:s3] =	stream.indirect.scatter.add.f32 [tilespmem:s22], [sflag:$0x9], $0x40, s2, s19, $0xb8;
	[tilespmem:$0x1F000] =	vst v63  }
0x123: {  	s2 =	sadd.s32 @p1 $0xFFFFFD00, s13;
	_ =	swait.ge [sflag:s23], $0x2000  }
0x124: {  	s2 =	simm.s32 @!p1 $0x80;
	[sflag:s23] =	ssyncset.done $0x0  }
0x125: {  	s14 =	rddreg [dreg:$0x4];
	s2 =	sadd.s32 $0x2800, s2;
	[sflag:s23] =	ssyncadd.s32 $0xFFFFE000  }
0x126: {  	[spmem:s3] =	stream.indirect.scatter.add.f32 [tilespmem:s14], [sflag:$0xA], $0x40, s2, s19, $0xb8;
	[tilespmem:$0x1F000] =	vst v63  }
0x127: {  	s2 =	sadd.s32 @p1 $0xFFFFFD80, s13;
	_ =	swait.ge [sflag:s24], $0x2000  }
0x128: {  	s2 =	simm.s32 @!p1 $0x100;
	[sflag:s24] =	ssyncset.done $0x0  }
0x129: {  	s15 =	rddreg [dreg:$0x5];
	s2 =	sadd.s32 $0x2800, s2;
	[sflag:s24] =	ssyncadd.s32 $0xFFFFE000  }
0x12a: {  	[spmem:s3] =	stream.indirect.scatter.add.f32 [tilespmem:s15], [sflag:$0xB], $0x40, s2, s19, $0xb8;
	[tilespmem:$0x1F000] =	vst v63  }
0x12b: {  	s2 =	sadd.s32 @p1 $0xFFFFFE00, s13;
	_ =	swait.ge [sflag:s25], $0x2000  }
0x12c: {  	s2 =	simm.s32 @!p1 $0x180;
	[sflag:s25] =	ssyncset.done $0x0  }
0x12d: {  	s16 =	rddreg [dreg:$0x6];
	s2 =	sadd.s32 $0x2800, s2;
	[sflag:s25] =	ssyncadd.s32 $0xFFFFE000  }
0x12e: {  	[spmem:s3] =	stream.indirect.scatter.add.f32 [tilespmem:s16], [sflag:$0xC], $0x40, s2, s19, $0xb8;
	[tilespmem:$0x1F000] =	vst v63  }
0x12f: {  	s2 =	sadd.s32 @p1 $0xFFFFFE80, s13;
	_ =	swait.ge [sflag:s26], $0x2000  }
0x130: {  	s2 =	simm.s32 @!p1 $0x200;
	[sflag:s26] =	ssyncset.done $0x0  }
0x131: {  	s18 =	rddreg [dreg:$0x7];
	s2 =	sadd.s32 $0x2800, s2;
	[sflag:s26] =	ssyncadd.s32 $0xFFFFE000  }
0x132: {  	[spmem:s3] =	stream.indirect.scatter.add.f32 [tilespmem:s18], [sflag:$0xD], $0x40, s2, s19, $0xb8;
	[tilespmem:$0x1F000] =	vst v63  }
0x133: {  	s2 =	sadd.s32 @p1 $0xFFFFFF00, s13;
	_ =	swait.ge [sflag:s28], $0x2000  }
0x134: {  	s2 =	simm.s32 @!p1 $0x280;
	[sflag:s28] =	ssyncset.done $0x0  }
0x135: {  	s31 =	rddreg [dreg:$0x8];
	s2 =	sadd.s32 $0x2800, s2;
	[sflag:s28] =	ssyncadd.s32 $0xFFFFE000  }
0x136: {  	[spmem:s3] =	stream.indirect.scatter.add.f32 [tilespmem:s31], [sflag:$0xE], $0x40, s2, s19, $0xb8;
	[tilespmem:$0x1F000] =	vst v63  }
0x137: {  	s2 =	sadd.s32 @p1 $0xFFFFFF80, s13;
	_ =	swait.ge [sflag:s29], $0x2000  }
0x138: {  	s2 =	simm.s32 @!p1 $0x300;
	[sflag:s29] =	ssyncset.done $0x0  }
0x139: {  	s10 =	rddreg [dreg:$0x9];
	s2 =	sadd.s32 $0x2800, s2;
	[sflag:s29] =	ssyncadd.s32 $0xFFFFE000  }
0x13a: {  	[spmem:s3] =	stream.indirect.scatter.add.f32 [tilespmem:s10], [sflag:$0xF], $0x40, s2, s19, $0xb8;
	[tilespmem:$0x1F000] =	vst v63  }
0x13b: {  	_ =	swait.ge [sflag:s30], $0x2000  }
0x13c: {  	[sflag:s30] =	ssyncset.done $0x0  }
0x13d: {  	s11 =	simm.s32 $0x9;
	s0 =	sadd.s32 $0x2800, s0;
	[sflag:s30] =	ssyncadd.s32 $0xFFFFE000  }
0x13e: {  	[spmem:s3] =	stream.indirect.scatter.add.f32 [tilespmem:s20], [sflag:$0x10], $0x40, s0, s19, $0xb8;
	[tilespmem:$0x1F000] =	vst v63  }
0x13f: {  	_ =	swait.ge [sflag:s11], $0x2000  }
0x140: {  	[sflag:s11] =	ssyncset.done $0x0  }
0x141: {  	s12 =	simm.s32 $0xA;
	[sflag:s11] =	ssyncadd.s32 $0xFFFFE000  }
0x142: {  	_ =	swait.ge [sflag:s12], $0x2000  }
0x143: {  	[sflag:s12] =	ssyncset.done $0x0  }
0x144: {  	s13 =	simm.s32 $0xB;
	[sflag:s12] =	ssyncadd.s32 $0xFFFFE000  }
0x145: {  	_ =	swait.ge [sflag:s13], $0x2000  }
0x146: {  	[sflag:s13] =	ssyncset.done $0x0  }
0x147: {  	s14 =	simm.s32 $0xC;
	[sflag:s13] =	ssyncadd.s32 $0xFFFFE000  }
0x148: {  	_ =	swait.ge [sflag:s14], $0x2000  }
0x149: {  	[sflag:s14] =	ssyncset.done $0x0  }
0x14a: {  	[sflag:s14] =	ssyncadd.s32 $0xFFFFE000  }
0x14b: {  	_ =	swait.ge [sflag:s6], $0x2000  }
0x14c: {  	[sflag:s6] =	ssyncset.done $0x0  }
0x14d: {  	[sflag:s6] =	ssyncadd.s32 $0xFFFFE000  }
0x14e: {  	_ =	swait.ge [sflag:s7], $0x2000  }
0x14f: {  	[sflag:s7] =	ssyncset.done $0x0  }
0x150: {  	[sflag:s7] =	ssyncadd.s32 $0xFFFFE000  }
0x151: {  	_ =	swait.ge [sflag:s8], $0x2000  }
0x152: {  	[sflag:s8] =	ssyncset.done $0x0  }
0x153: {  	[sflag:s8] =	ssyncadd.s32 $0xFFFFE000  }
0x154: {  	_ =	swait.ge [sflag:s9], $0x2000  }
0x155: {  	[sflag:s9] =	ssyncset.done $0x0  }
0x156: {  	[sflag:s9] =	ssyncadd.s32 $0xFFFFE000  }
0x157: {  	[bflag:$0x0] =	sbarrier.arrive $0xFFFF  }
0x158: {  	s15 =	rddreg [dreg:$0x12]  }
0x159: {  	s16 =	rddreg [dreg:$0x14]  }
0x15a: {  	s18 =	rddreg [dreg:$0x15]  }
0x15b: {  	[hbm:s15], [sflag:s16] =	dma.local [spmem:s18], $0x1400  }
0x15c: {  	_ =	swait.ge [sflag:s17], $0x1400  }
0x15d: {  	s4 =	sadd.s32 $0x1, s4;
	s31 =	rddreg [dreg:$0x13]  }
0x15e: {  	p1 =	sne.s32 s4, s31  }
.Ltmp4:
0x15f: {  	_ = 	snop;
	(pc) =	sbr.rel @p1 .LBB2_1-.Ltmp4, $3  }
0x160: {  	_ =	sdelay $0x1  }
0x161: {  	[sflag:s17] =	ssyncset.done $0x0  }
0x162: {  	[sflag:s17] =	ssyncadd.s32 $0xFFFFEC00  }
0x163: {  	_ =	sfence.sel $0x180000  }
0x164: {  	[bflag:$0x0] =	sbarrier.arrive $0xFFFF  }
0x165: {  	_ =	strace $0x9000004D  }
0x166: {  	s0 =	stileid.u32;
	[bflag:$0x2] =	sbarrier.arrive $0xFFFF  }
0x167: {  	p0 =	sne.s32 s0, $0x0;
	s0 =	rddreg [dreg:$0x3]  }
0x168: {  	s0 =	sadd.s32 @!p0 $0x100000, s0  }
0x169: {  	[sflag:s0] =	ssyncadd.tile.s32 @!p0 $0x1;
	_ =	shalt  }
.Lfunc_end2:
_tile_overlayer_lowered:
.L_overlay_start_2:
0x16a: {  	(tag) =	ssettag $0x2  }
0x16b: {  	s0 =	rddreg [dreg:$0x0];
	s2 =	stileid.u32  }
0x16c: {  	s1 =	rddreg [dreg:$0x1];
	p0 =	sne.s32 s2, $0x0  }
0x16d: {  	s3 =	rddreg [dreg:$0x2];
	[bflag:$0x3] =	sbarrier.arrive $0xFFFF;
	s2 =	simm.s32 @!p0 $0x1C11  }
0x16e: {  	[timem:s3], [sflag:s2] =	dma.local @!p0 [hbm:s0], s1  }
0x16f: {  	s0 =	simm.s32 @!p0 $0x11  }
0x170: {  	_ =	swait.ge @!p0 [sflag:s0], s1  }
0x171: {  	s1 =	ssub.s32 @!p0 $0x0, s1;
	[sflag:s0] =	ssyncset.done @!p0 $0x0  }
0x172: {  	[sflag:s0] =	ssyncadd.s32 @!p0 s1  }
0x173: {  	[bflag:$0x3] =	sbarrier.arrive $0xFFFF  }
0x174: {  	_ =	shalt  }

// kernel: kernel.8.cloned.1.call-start
scs
__scs_entry_jumppad:
0x0: {  	(pc) =	sbr.rel $0x88, $3  }
0x1: {  	(tag) =	ssettag $0x0;
	lr =	simm.s32 $0x1  }
0x2: {  	[smem:$0x3F9B] =	sst lr;
	_ =	strace $0xD0000000  }
0x3: {  	_ = 	snop  }
0x4: {  	_ = 	snop  }
0x5: {  	_ = 	snop  }
0x6: {  	_ = 	snop  }
0x7: {  	_ = 	snop  }
__scs_overlays_trampoline_lowered:
0x8: {  	[smem:$0x3FAA] =	sst s0  }
0x9: {  	[smem:$0x3FAB] =	sst s1  }
0xa: {  	[smem:$0x3FAC] =	sst s2  }
0xb: {  	[smem:$0x3FAD] =	sst s3  }
0xc: {  	[smem:$0x3FAE] =	sst s4  }
0xd: {  	[smem:$0x3FAF] =	sst s5  }
0xe: {  	[smem:$0x3FB0] =	sst s6  }
0xf: {  	[smem:$0x3FB1] =	sst s7  }
0x10: {  	[smem:$0x3FB2] =	sst s8  }
0x11: {  	[smem:$0x3FB3] =	sst s9;
	s0 =	simm.s32 @!p0 $0x0  }
0x12: {  	s1 =	sld [smem:$0x3F99];
	s0 =	simm.s32 @p0 $0x1  }
0x13: {  	[smem:$0x3FB4] =	sst s0;
	s0 =	simm.s32 @!p1 $0x0  }
0x14: {  	s2 =	sld [smem:$0x3F98];
	s0 =	simm.s32 @p1 $0x1  }
0x15: {  	[smem:$0x3FB5] =	sst s0;
	s0 =	simm.s32 @!p2 $0x0  }
0x16: {  	s3 =	sld [smem:$0x3FDB];
	s0 =	simm.s32 @p2 $0x1  }
0x17: {  	s4 =	simm.s32 $0x1BF5;
	[smem:$0x3FB7] =	sst s0  }
0x18: {  	s0 =	sld [smem:$0x3F9A];
	_ =	swait.ge [sflag:s4], $0x0  }
0x19: {  	s7 =	sld [smem:$0x3F9B]  }
0x1a: {  	s8 =	sadd.s32 $0xFFFFE003, lr  }
0x1b: {  	s9 =	sadd.s32 $0xFFFFFEF7, lr;
	s5 =	simm.s32 $0xFFFFFFFF;
	p2 =	slt.u32 s8, $0xFFFFF086  }
0x1c: {  	p1 =	slt.u32 s9, $0xF7A;
	s5 =	simm.s32 @!p2 $0x0  }
0x1d: {  	s5 =	simm.s32 @p1 $0x1;
	p0 =	seq.s32 s7, s2  }
0x1e: {  	s7 =	smul.u32 @!p0 $0xF7A, s2;
	p2 =	seq.s32 @!p0 s5, $0x0  }
0x1f: {  	s9 =	smul.u32 $0xF7A, s1;
	s8 =	simm.s32 @!p0 $0x1BF5;
	p2 =	por !p2, p0  }
0x20: {  	[sflag:s8] =	ssyncset.s32 @!p0 $0xFFFFF086;
	s6 =	sadd.s32 @!p0 s3, s7;
	s7 =	simm.s32 @!p0 $0x108  }
0x21: {  	s3 =	sadd.s32 s3, s9;
	s6 =	sadd.s32 @!p0 $0x88, s6;
	s7 =	simm.s32 @p2 $0x1082  }
0x22: {  	[simem:s7], [sflag:s8] =	dma.local @!p0 [hbm:s6], $0xF7A  }
0x23: {  	s9 =	sor.u32 $0xD0000000, s2;
	s6 =	simm.s32 $0x108;
	_ =	swait.ge @!p0 [sflag:s8], $0x0  }
0x24: {  	s3 =	sadd.s32 $0x88, s3;
	s6 =	simm.s32 @!p1 $0x1082;
	[sflag:s4] =	ssyncset.s32 $0xFFFFF086  }
0x25: {  	[simem:s6], [sflag:s4] =	dma.local [hbm:s3], $0xF7A  }
0x26: {  	[smem:$0x3F9B] =	sst s1;
	(tag) =	ssettag s2;
	_ =	strace s9  }
0x27: {  	s1 =	sld [smem:$0x3FAB]  }
0x28: {  	s2 =	sld [smem:$0x3FAC]  }
0x29: {  	s4 =	sld [smem:$0x3FAE]  }
0x2a: {  	p0 =	seq.s32 s5, $0x0;
	s5 =	sld [smem:$0x3FAF]  }
0x2b: {  	s6 =	sld [smem:$0x3FB0]  }
0x2c: {  	s7 =	sld [smem:$0x3FB1]  }
0x2d: {  	s3 =	simm.s32 $0x108;
	s8 =	sld [smem:$0x3FB2]  }
0x2e: {  	s3 =	simm.s32 @!p0 $0x1082;
	s9 =	sld [smem:$0x3FB3]  }
0x2f: {  	lr =	sadd.s32 s0, s3;
	s0 =	sld [smem:$0x3FAA]  }
0x30: {  	s3 =	sld [smem:$0x3FAD]  }
0x31: {  	[smem:$0x3FB6] =	sst s10  }
0x32: {  	s10 =	sld [smem:$0x3FB4];
	_ =	sdelay $0x3  }
0x33: {  	p0 =	seq.s32 s10, $0x1;
	s10 =	sld [smem:$0x3FB6];
	_ =	sdelay $0x3  }
0x34: {  	[smem:$0x3FB6] =	sst s10  }
0x35: {  	s10 =	sld [smem:$0x3FB5];
	_ =	sdelay $0x3  }
0x36: {  	p1 =	seq.s32 s10, $0x1;
	s10 =	sld [smem:$0x3FB6];
	_ =	sdelay $0x3  }
0x37: {  	[smem:$0x3FB6] =	sst s10  }
0x38: {  	s10 =	sld [smem:$0x3FB7]  }
0x39: {  	_ = 	snop;
	(pc) =	sbr.ind lr, $3  }
0x3a: {  	_ = 	snop  }
0x3b: {  	_ = 	snop  }
0x3c: {  	p2 =	seq.s32 s10, $0x1;
	s10 =	sld [smem:$0x3FB6]  }
0x3d: {  	_ =	shalt  }
0x3e: {  	_ =	shalt  }
0x3f: {  	_ =	shalt  }
0x40: {  	_ =	shalt  }
0x41: {  	_ =	shalt  }
0x42: {  	_ =	shalt  }
0x43: {  	_ =	shalt  }
0x44: {  	_ =	shalt  }
0x45: {  	_ =	shalt  }
0x46: {  	_ =	shalt  }
0x47: {  	_ =	shalt  }
0x48: {  	_ =	shalt  }
0x49: {  	_ =	shalt  }
0x4a: {  	_ =	shalt  }
0x4b: {  	_ =	shalt  }
0x4c: {  	_ =	shalt  }
0x4d: {  	_ =	shalt  }
0x4e: {  	_ =	shalt  }
0x4f: {  	_ =	shalt  }
0x50: {  	_ =	shalt  }
0x51: {  	_ =	shalt  }
0x52: {  	_ =	shalt  }
0x53: {  	_ =	shalt  }
0x54: {  	_ =	shalt  }
0x55: {  	_ =	shalt  }
0x56: {  	_ =	shalt  }
0x57: {  	_ =	shalt  }
0x58: {  	_ =	shalt  }
0x59: {  	_ =	shalt  }
0x5a: {  	_ =	shalt  }
0x5b: {  	_ =	shalt  }
0x5c: {  	_ =	shalt  }
0x5d: {  	_ =	shalt  }
0x5e: {  	_ =	shalt  }
0x5f: {  	_ =	shalt  }
0x60: {  	_ =	shalt  }
0x61: {  	_ =	shalt  }
0x62: {  	_ =	shalt  }
0x63: {  	_ =	shalt  }
0x64: {  	_ =	shalt  }
0x65: {  	_ =	shalt  }
0x66: {  	_ =	shalt  }
0x67: {  	_ =	shalt  }
0x68: {  	_ =	shalt  }
0x69: {  	_ =	shalt  }
0x6a: {  	_ =	shalt  }
0x6b: {  	_ =	shalt  }
0x6c: {  	_ =	shalt  }
0x6d: {  	_ =	shalt  }
0x6e: {  	_ =	shalt  }
0x6f: {  	_ =	shalt  }
0x70: {  	_ =	shalt  }
0x71: {  	_ =	shalt  }
0x72: {  	_ =	shalt  }
0x73: {  	_ =	shalt  }
0x74: {  	_ =	shalt  }
0x75: {  	_ =	shalt  }
0x76: {  	_ =	shalt  }
0x77: {  	_ =	shalt  }
0x78: {  	_ =	shalt  }
0x79: {  	_ =	shalt  }
0x7a: {  	_ =	shalt  }
0x7b: {  	_ =	shalt  }
0x7c: {  	_ =	shalt  }
0x7d: {  	_ =	shalt  }
0x7e: {  	_ =	shalt  }
0x7f: {  	_ =	shalt  }
0x80: {  	_ =	shalt  }
0x81: {  	_ =	shalt  }
0x82: {  	_ =	shalt  }
0x83: {  	_ =	shalt  }
0x84: {  	_ =	shalt  }
0x85: {  	_ =	shalt  }
0x86: {  	_ =	shalt  }
0x87: {  	_ =	shalt  }
.Lfunc_end0:
.L_simem_size_0:
called_computation_lowered:
.L_overlay_start_0:
0x88: {  	s2 =	sld [smem:$0x3FD9]  }
0x89: {  	s3 =	sld [smem:$0x3FFE];
	_ =	sdelay $0x1  }
0x8a: {  	s1 =	srdreg.scid  }
0x8b: {  	s0 =	sand.u32 $0x1, s1  }
0x8c: {  	s17 =	sshll.u32 s0, $0xA;
	s2 =	sadd.s32 s3, s2  }
0x8d: {  	s2 =	sadd.s32 s2, s17  }
0x8e: {  	[smem:$0x3FC2] =	sst s2  }
0x8f: {  	_ = 	snop  }
0x90: {  	s2 =	sld [smem:$0x3FD0];
	(tm) =	ssettm $0x1  }
0x91: {  	s18 =	sld [smem:$0x3FFB];
	_ =	sdelay $0x3  }
0x92: {  	_ =	strace s18  }
0x93: {  	s3 =	sld [smem:$0x3FFC];
	_ =	sdelay $0x3  }
0x94: {  	_ =	strace s3  }
0x95: {  	s3 =	sld [smem:$0x3FFD];
	_ =	sdelay $0x3  }
0x96: {  	_ =	strace s3  }
0x97: {  	_ =	strace $0x8FFFFFFF  }
0x98: {  	s19 =	sld [smem:$0x3FDB];
	_ =	sdelay $0x1  }
0x99: {  	s4 =	simm.s32 $_scs_section_size  }
0x9a: {  	s5 =	simm.s32 $_size__tile_overlayer_lowered;
	s6 =	simm.s32 $_tile_overlayer_lowered  }
0x9b: {  	s22 =	simm.s32 $0x1BFF;
	s21 =	sshll.u32 s6, $0x1;
	s3 =	sadd.s32 s4, s19  }
0x9c: {  	s7 =	simm.s32 $0x0;
	s20 =	sshll.u32 s5, $0x1;
	s5 =	sadd.s32 s21, s3  }
0x9d: {  	[timem:s7], [sflag:s22] =	dma.local [hbm:s5], s20  }
0x9e: {  	_ =	swait.ge [sflag:s22], s20  }
0x9f: {  	s4 =	ssub.s32 $0x0, s20;
	[sflag:s22] =	ssyncset.done $0x0  }
0xa0: {  	[sflag:s22] =	ssyncadd.s32 s4;
	_ =	sdelay $0x1  }
0xa1: {  	s23 =	simm.s32 $0x1B8B  }
0xa2: {  	_ =	swait.ge [sflag:s23], $0x1  }
0xa3: {  	[sflag:s23] =	ssyncset.done $0x0  }
0xa4: {  	s25 =	simm.s32 $0x1B8E;
	s24 =	sld [smem:$0x3FFE];
	[sflag:s23] =	ssyncadd.s32 $0xFFFFFFFF  }
0xa5: {  	s26 =	simm.s32 $execute0_lowered;
	[smem:$0x3FD2] =	sst s25  }
0xa6: {  	s5 =	sshll.u32 s26, $0x1;
	_ =	strace $0x80000046;
	[dreg:$0x1] =	wrdreg $0xFFFFFFFF  }
0xa7: {  	s28 =	simm.s32 $_size_execute0_lowered;
	s3 =	sadd.s32 s3, s5;
	[dreg:$0x0] =	wrdreg $0x0  }
0xa8: {  	s5 =	sshll.u32 s28, $0x1;
	[dreg:$0x2] =	wrdreg s3  }
0xa9: {  	[dreg:$0x3] =	wrdreg s5  }
0xaa: {  	[dreg:$0x4] =	wrdreg $0xC0  }
0xab: {  	_ =	task [dreg:s7], $0x5FFFF  }
0xac: {  	[dreg:$0x1] =	wrdreg $0xFFFFFFFF  }
0xad: {  	[dreg:$0x0] =	wrdreg $0x60  }
0xae: {  	[dreg:$0x2] =	wrdreg s24  }
0xaf: {  	[dreg:$0x3] =	wrdreg s2  }
0xb0: {  	[dreg:$0x4] =	wrdreg $0x2B000  }
0xb1: {  	[dreg:$0x5] =	wrdreg $0x9  }
0xb2: {  	_ =	task.clear_ibuf [dreg:s7], $0x6FFFF;
	_ =	strace $0x90000046  }
0xb3: {  	s29 =	simm.s32 $0x9;
	_ =	strace $0x80000048  }
0xb4: {  	_ =	swait.ge [sflag:s29], $0x1  }
0xb5: {  	[sflag:s29] =	ssyncadd.s32 $0xFFFFFFFF  }
0xb6: {  	_ =	strace $0x90000048  }
0xb7: {  	_ =	sfence  }
0xb8: {  	s30 =	sld [smem:$0x0];
	_ =	sdelay $0x2  }
0xb9: {  	s31 =	sshll.u32 s1, $0xD;
	s1 =	sshrl.u32 s1, $0x2  }
0xba: {  	s3 =	sand.u32 $0x4000, s31;
	s1 =	sadd.s32 s1, s30  }
0xbb: {  	s0 =	sor.u32 s3, s0;
	s1 =	sshll.u32 s1, $0x11  }
0xbc: {  	s0 =	sor.u32 s1, s0  }
0xbd: {  	s0 =	sadd.s32 $0x8F2B, s0  }
0xbe: {  	[sflag:s0] =	ssyncadd.remote.s32 $0x1  }
0xbf: {  	_ =	sfence.sel $0xFFFF  }
0xc0: {  	[dreg:$0x0] =	wrdreg $0xFFFFFFFF;
	(pc) =	sbr.abs _section_cstart, $3  }
0xc1: {  	[dreg:$0x1] =	wrdreg $0xFFFFFFFF  }
0xc2: {  	_ =	task.clear_ibuf [dreg:s7], $0x2FFFF;
	_ =	strace $0x9FFFFFFF  }
0xc3: {  	(tm) =	ssettm $0x7FFFFFFF  }
tec
execute0_lowered:
.L_overlay_start_1:
0x0: {  	(tag) =	ssettag $0x1  }
0x1: {  	s4 =	rddreg [dreg:$0x0]  }
0x2: {  	s6 =	rddreg [dreg:$0x1];
	s0 =	srdreg.scid  }
0x3: {  	s2 =	rddreg [dreg:$0x2];
	s1 =	stileid.u32;
	s3 =	simm.s32 $0x0  }
0x4: {  	s11 =	simm.s32 $0x2800;
	s12 =	simm.s32 $0x100;
	s13 =	simm.s32 $0x180  }
0x5: {  	s14 =	simm.s32 $0x1;
	s15 =	simm.s32 $0x2;
	s16 =	simm.s32 $0x3  }
0x6: {  	s17 =	simm.s32 $0x4;
	s5 =	sand.u32 $0x1, s0;
	s0 =	rddreg [dreg:$0x3]  }
0x7: {  	s20 =	simm.s32 $0x0;
	s8 =	smul.u32 $0x280, s1;
	[smem:$0x7FF] =	sst s3  }
0x8: {  	s18 =	sshll.u32 s1, $0x6;
	s7 =	sshll.u32 s5, $0x4;
	s9 =	smul.u32 $0x2800, s5  }
0x9: {  	s5 =	ssub.s32 $0x2, s5;
	_ =	strace $0x80000047;
	s7 =	sor.u32 s1, s7  }
0xa: {  	s10 =	sshrl.u32 s5, $0x1;
	s7 =	smul.u32 $0x500, s7;
	s9 =	sadd.s32 s8, s9  }
0xb: {  	s18 =	sor.u32 $0x1C05, s18;
	s10 =	ssub.s32 s5, s10;
	s9 =	sshrl.u32 s9, $0x3  }
0xc: {  	s7 =	sadd.s32 s7, s4;
	s4 =	sadd.s32 s8, s2;
	s6 =	sadd.s32 s6, s9  }
0xd: {  	s8 =	simm.s32 $0x2880;
	s9 =	simm.s32 $0x5;
	s5 =	sadd.s32 $0x1A00, s7  }
0xe: {  	v0 =	vimm.f32 $1.000000000e+00;
	v1 =	vimm.f32 $0.0e+00;
	s7 =	smax.u32 s10, $0x1;
	s10 =	simm.s32 $0x80;
	s19 =	sshrl.u32 s4, $0x3  }
.LBB2_1:
0xf: {  	[tilespmem:$0x2800] =	vst v0  }
0x10: {  	[tilespmem:$0x2810] =	vst v0  }
0x11: {  	[tilespmem:$0x2820] =	vst v0  }
0x12: {  	[tilespmem:$0x2830] =	vst v0  }
0x13: {  	[tilespmem:$0x2840] =	vst v0  }
0x14: {  	[tilespmem:$0x2850] =	vst v0  }
0x15: {  	[tilespmem:$0x2860] =	vst v0  }
0x16: {  	[tilespmem:$0x2870] =	vst v0  }
0x17: {  	[tilespmem:$0x2880] =	vst v1  }
0x18: {  	[tilespmem:$0x2890] =	vst v1  }
0x19: {  	[tilespmem:$0x28A0] =	vst v1  }
0x1a: {  	[tilespmem:$0x28B0] =	vst v1  }
0x1b: {  	[tilespmem:$0x28C0] =	vst v1  }
0x1c: {  	[tilespmem:$0x28D0] =	vst v1  }
0x1d: {  	[tilespmem:$0x28E0] =	vst v1  }
0x1e: {  	[tilespmem:$0x28F0] =	vst v1  }
0x1f: {  	[tilespmem:$0x2900] =	vst v1  }
0x20: {  	[tilespmem:$0x2910] =	vst v1  }
0x21: {  	[tilespmem:$0x2920] =	vst v1  }
0x22: {  	[tilespmem:$0x2930] =	vst v1  }
0x23: {  	[tilespmem:$0x2940] =	vst v1  }
0x24: {  	[tilespmem:$0x2950] =	vst v1  }
0x25: {  	[tilespmem:$0x2960] =	vst v1  }
0x26: {  	[tilespmem:$0x2970] =	vst v1  }
0x27: {  	[tilespmem:$0x2980] =	vst v1  }
0x28: {  	[tilespmem:$0x2990] =	vst v1  }
0x29: {  	[tilespmem:$0x29A0] =	vst v1  }
0x2a: {  	[tilespmem:$0x29B0] =	vst v1  }
0x2b: {  	[tilespmem:$0x29C0] =	vst v1  }
0x2c: {  	[tilespmem:$0x29D0] =	vst v1  }
0x2d: {  	[tilespmem:$0x29E0] =	vst v1  }
0x2e: {  	[tilespmem:$0x29F0] =	vst v1  }
0x2f: {  	[tilespmem:$0x2A00] =	vst v1  }
0x30: {  	[tilespmem:$0x2A10] =	vst v1  }
0x31: {  	[tilespmem:$0x2A20] =	vst v1  }
0x32: {  	[tilespmem:$0x2A30] =	vst v1  }
0x33: {  	[tilespmem:$0x2A40] =	vst v1  }
0x34: {  	[tilespmem:$0x2A50] =	vst v1  }
0x35: {  	[tilespmem:$0x2A60] =	vst v1  }
0x36: {  	[tilespmem:$0x2A70] =	vst v1  }
0x37: {  	[tilespmem:$0x2A80] =	vst v1  }
0x38: {  	[tilespmem:$0x2A90] =	vst v1  }
0x39: {  	[tilespmem:$0x2AA0] =	vst v1  }
0x3a: {  	[tilespmem:$0x2AB0] =	vst v1  }
0x3b: {  	[tilespmem:$0x2AC0] =	vst v1  }
0x3c: {  	[tilespmem:$0x2AD0] =	vst v1  }
0x3d: {  	[tilespmem:$0x2AE0] =	vst v1  }
0x3e: {  	[tilespmem:$0x2AF0] =	vst v1  }
0x3f: {  	[spmem:s4] =	stream.linear.scatter [tilespmem:s8], [sflag:$0x5], $0x280, $0x38;
	[tilespmem:$0x2D80] =	vst v63  }
0x40: {  	_ =	swait.ge [sflag:s9], $0x280  }
0x41: {  	[sflag:s9] =	ssyncset.done $0x0  }
0x42: {  	[sflag:s9] =	ssyncadd.s32 $0xFFFFFD80  }
0x43: {  	[tilespmem:s3], [sflag:$0x5] =	stream.linear.gather [hbm4b:s5+s3], $0x2800, $0x38;
	[tilespmem:$0x2D80] =	vst v63  }
0x44: {  	_ =	swait.ge [sflag:s9], $0x2800  }
0x45: {  	[sflag:s9] =	ssyncset.done $0x0  }
0x46: {  	[sflag:s9] =	ssyncadd.s32 $0xFFFFD800  }
0x47: {  	[bflag:$0x0] =	sbarrier.arrive $0xFFFF  }
0x48: {  	[spmem:s2] =	stream.indirect.scatter.add.f32 [tilespmem:s11], [sflag:$0x1], $0x1, s3, s10, $0xb8;
	[tilespmem:$0x2D80] =	vst v63  }
0x49: {  	_ = 	snop  }
0x4a: {  	[spmem:s2] =	stream.indirect.scatter.add.f32 [tilespmem:s11], [sflag:$0x2], $0x1, s10, s10, $0xb8;
	[tilespmem:$0x2D80] =	vst v63  }
0x4b: {  	_ = 	snop  }
0x4c: {  	[spmem:s2] =	stream.indirect.scatter.add.f32 [tilespmem:s11], [sflag:$0x3], $0x1, s12, s10, $0xb8;
	[tilespmem:$0x2D80] =	vst v63  }
0x4d: {  	_ = 	snop  }
0x4e: {  	[spmem:s2] =	stream.indirect.scatter.add.f32 [tilespmem:s11], [sflag:$0x4], $0x1, s13, s10, $0xb8;
	[tilespmem:$0x2D80] =	vst v63  }
0x4f: {  	_ =	swait.ge [sflag:s14], $0x80  }
0x50: {  	[sflag:s14] =	ssyncset.done $0x0  }
0x51: {  	s21 =	simm.s32 $0x200;
	[sflag:s14] =	ssyncadd.s32 $0xFFFFFF80  }
0x52: {  	[spmem:s2] =	stream.indirect.scatter.add.f32 [tilespmem:s11], [sflag:$0x1], $0x1, s21, s10, $0xb8;
	[tilespmem:$0x2D80] =	vst v63  }
0x53: {  	_ =	swait.ge [sflag:s15], $0x80  }
0x54: {  	[sflag:s15] =	ssyncset.done $0x0  }
0x55: {  	s30 =	simm.s32 $0x280;
	[sflag:s15] =	ssyncadd.s32 $0xFFFFFF80  }
0x56: {  	[spmem:s2] =	stream.indirect.scatter.add.f32 [tilespmem:s11], [sflag:$0x2], $0x1, s30, s10, $0xb8;
	[tilespmem:$0x2D80] =	vst v63  }
0x57: {  	_ =	swait.ge [sflag:s16], $0x80  }
0x58: {  	[sflag:s16] =	ssyncset.done $0x0  }
0x59: {  	s31 =	simm.s32 $0x300;
	[sflag:s16] =	ssyncadd.s32 $0xFFFFFF80  }
0x5a: {  	[spmem:s2] =	stream.indirect.scatter.add.f32 [tilespmem:s11], [sflag:$0x3], $0x1, s31, s10, $0xb8;
	[tilespmem:$0x2D80] =	vst v63  }
0x5b: {  	_ =	swait.ge [sflag:s17], $0x80  }
0x5c: {  	[sflag:s17] =	ssyncset.done $0x0  }
0x5d: {  	s22 =	simm.s32 $0x380;
	s21 =	simm.s32 $0xFFFF7000;
	[sflag:s17] =	ssyncadd.s32 $0xFFFFFF80  }
.LBB2_2:
0x5e: {  	[spmem:s2] =	stream.indirect.scatter.add.f32 [tilespmem:s11], [sflag:$0x4], $0x1, s22, s10, $0xb8;
	[tilespmem:$0x2D80] =	vst v63  }
0x5f: {  	s22 =	smov.u32 s21  }
0x60: {  	p0 =	sne.s32 s21, $0xFFFFF800;
	s21 =	sadd.s32 $0x800, s21;
	_ =	swait.ge [sflag:s14], $0x80  }
0x61: {  	s22 =	sshra.s32 s22, $0x2;
	[sflag:s14] =	ssyncset.done $0x0  }
0x62: {  	s23 =	sadd.s32 $0x2800, s22;
	[sflag:s14] =	ssyncadd.s32 $0xFFFFFF80  }
0x63: {  	[spmem:s2] =	stream.indirect.scatter.add.f32 [tilespmem:s11], [sflag:$0x1], $0x1, s23, s10, $0xb8;
	[tilespmem:$0x2D80] =	vst v63  }
0x64: {  	_ =	swait.ge [sflag:s15], $0x80  }
0x65: {  	[sflag:s15] =	ssyncset.done $0x0  }
0x66: {  	s23 =	sadd.s32 $0x2880, s22;
	[sflag:s15] =	ssyncadd.s32 $0xFFFFFF80  }
0x67: {  	[spmem:s2] =	stream.indirect.scatter.add.f32 [tilespmem:s11], [sflag:$0x2], $0x1, s23, s10, $0xb8;
	[tilespmem:$0x2D80] =	vst v63  }
0x68: {  	_ =	swait.ge [sflag:s16], $0x80  }
0x69: {  	[sflag:s16] =	ssyncset.done $0x0  }
.Ltmp0:
0x6a: {  	s23 =	sadd.s32 $0x2900, s22;
	[sflag:s16] =	ssyncadd.s32 $0xFFFFFF80;
	(pc) =	sbr.rel @p0 .LBB2_2-.Ltmp0, $4  }
0x6b: {  	[spmem:s2] =	stream.indirect.scatter.add.f32 [tilespmem:s11], [sflag:$0x3], $0x1, s23, s10, $0xb8;
	[tilespmem:$0x2D80] =	vst v63  }
0x6c: {  	_ =	swait.ge [sflag:s17], $0x80  }
0x6d: {  	[sflag:s17] =	ssyncset.done $0x0  }
0x6e: {  	s22 =	sadd.s32 $0x2980, s22;
	[sflag:s17] =	ssyncadd.s32 $0xFFFFFF80  }
0x6f: {  	[spmem:s2] =	stream.indirect.scatter.add.f32 [tilespmem:s11], [sflag:$0x4], $0x1, s22, s10, $0xb8;
	[tilespmem:$0x2D80] =	vst v63  }
0x70: {  	_ =	swait.ge [sflag:s14], $0x80  }
0x71: {  	[sflag:s14] =	ssyncset.done $0x0  }
0x72: {  	[sflag:s14] =	ssyncadd.s32 $0xFFFFFF80  }
0x73: {  	_ =	swait.ge [sflag:s15], $0x80  }
0x74: {  	[sflag:s15] =	ssyncset.done $0x0  }
0x75: {  	[sflag:s15] =	ssyncadd.s32 $0xFFFFFF80  }
0x76: {  	_ =	swait.ge [sflag:s16], $0x80  }
0x77: {  	[sflag:s16] =	ssyncset.done $0x0  }
0x78: {  	[sflag:s16] =	ssyncadd.s32 $0xFFFFFF80  }
0x79: {  	_ =	swait.ge [sflag:s17], $0x80  }
0x7a: {  	s20 =	sadd.s32 $0x1, s20;
	[sflag:s17] =	ssyncset.done $0x0  }
0x7b: {  	p0 =	sne.s32 s20, s7;
	[sflag:s17] =	ssyncadd.s32 $0xFFFFFF80  }
.Ltmp1:
0x7c: {  	[bflag:$0x0] =	sbarrier.arrive $0xFFFF;
	(pc) =	sbr.rel @p0 .LBB2_1-.Ltmp1, $4  }
0x7d: {  	[hbm:s6], [sflag:s18] =	dma.local [spmem:s19], $0x50  }
0x7e: {  	_ =	swait.ge [sflag:s9], $0x50  }
0x7f: {  	[sflag:s9] =	ssyncset.done $0x0  }
0x80: {  	[sflag:s9] =	ssyncadd.s32 $0xFFFFFFB0  }
0x81: {  	_ =	sfence.sel $0x180000  }
0x82: {  	[bflag:$0x0] =	sbarrier.arrive $0xFFFF  }
0x83: {  	p0 =	sne.s32 s1, $0x0;
	_ =	strace $0x90000047  }
0x84: {  	s0 =	sadd.s32 @!p0 $0x100000, s0;
	[bflag:$0x2] =	sbarrier.arrive $0xFFFF  }
0x85: {  	[sflag:s0] =	ssyncadd.tile.s32 @!p0 $0x1;
	_ =	shalt  }
.Lfunc_end2:
_tile_overlayer_lowered:
.L_overlay_start_2:
0x86: {  	(tag) =	ssettag $0x2  }
0x87: {  	s0 =	rddreg [dreg:$0x0];
	s2 =	stileid.u32  }
0x88: {  	s1 =	rddreg [dreg:$0x1];
	p0 =	sne.s32 s2, $0x0  }
0x89: {  	s3 =	rddreg [dreg:$0x2];
	[bflag:$0x3] =	sbarrier.arrive $0xFFFF;
	s2 =	simm.s32 @!p0 $0x1C05  }
0x8a: {  	[timem:s3], [sflag:s2] =	dma.local @!p0 [hbm:s0], s1  }
0x8b: {  	s0 =	simm.s32 @!p0 $0x5  }
0x8c: {  	_ =	swait.ge @!p0 [sflag:s0], s1  }
0x8d: {  	s1 =	ssub.s32 @!p0 $0x0, s1;
	[sflag:s0] =	ssyncset.done @!p0 $0x0  }
0x8e: {  	[sflag:s0] =	ssyncadd.s32 @!p0 s1  }
0x8f: {  	[bflag:$0x3] =	sbarrier.arrive $0xFFFF  }
0x90: {  	_ =	shalt  }

</sc_bundles>
